<compile_context>
chip_gen: v7x
topology: tpu7x:2x2x1
jax: 0.10.2.dev20260603
libtpu: 0.0.44.dev20260713+nightly
codegen_flags: <defaults>
</compile_context>

<pallas_src>
import functools

import jax
import jax.numpy as jnp
from jax import lax
from jax.experimental import pallas as pl
from jax.experimental.pallas import tpu as pltpu
from jax.experimental.pallas import tpu_sc as plsc

N = 10000
E = 320000
D = 128
DOUT = 64
NC = 2
NS = 16
NW = NC * NS
EPT = E // NW
C = 125
SW = 16
NSC = EPT // (C * SW)
NCH = SW * NSC
RPT = N // NS
DEGW = 16
NWR = 10
WR = N // NWR


def _zero_rows(buf, nrows, width):
    z16 = jnp.zeros((16,), jnp.float32)

    def zinit(i, carry):
        for j in range(width // 16):
            buf[i, pl.ds(j * 16, 16)] = z16
        return carry

    lax.fori_loop(0, nrows, zinit, 0)


def _zero_acc_slice(stage, srows, acc_sh, row0):
    nfull = RPT // srows
    for r in range(nfull):
        pltpu.sync_copy(stage, acc_sh.at[pl.ds(row0 + r * srows, srows)])
    rem = RPT - nfull * srows
    if rem:
        pltpu.sync_copy(stage.at[pl.ds(0, rem)],
                        acc_sh.at[pl.ds(row0 + nfull * srows, rem)])


def _sc_agg_body(dw, feat_hbm, src_hbm, dst_hbm, out_hbm,
                 src_v, dst_v, rows_a, rows_b, acc_sh,
                 gsem_a, gsem_b, ssem_a, ssem_b):
    cid = lax.axis_index("c")
    sid = lax.axis_index("s")
    wid = cid * NS + sid
    row0 = sid * RPT

    _zero_rows(rows_a, C, dw)
    _zero_acc_slice(rows_a, C, acc_sh, row0)
    plsc.subcore_barrier()

    def gather(j, buf, sem):
        pltpu.async_copy(feat_hbm.at[src_v.at[j]], buf, sem)

    def gwait(j, buf, sem):
        pltpu.make_async_copy(feat_hbm.at[src_v.at[j]], buf, sem).wait()

    def scat(j, buf, sem):
        pltpu.async_copy(buf, acc_sh.at[dst_v.at[j]], sem, add=True)

    def swait(buf, sem):
        pltpu.make_async_copy(buf, acc_sh.at[dst_v.at[0]], sem).wait()

    def super_step(s, carry):
        @pl.when(s > 0)
        def _drain_prev():
            swait(rows_a, ssem_a)
            swait(rows_b, ssem_b)

        pltpu.sync_copy(src_hbm.at[wid, pl.ds(s * SW, SW)], src_v)
        pltpu.sync_copy(dst_hbm.at[wid, pl.ds(s * SW, SW)], dst_v)
        gather(0, rows_a, gsem_a)

        def pair(t, carry2):
            j0 = 2 * t
            gwait(j0, rows_a, gsem_a)

            @pl.when(t > 0)
            def _drain_b():
                swait(rows_b, ssem_b)

            gather(j0 + 1, rows_b, gsem_b)
            scat(j0, rows_a, ssem_a)
            gwait(j0 + 1, rows_b, gsem_b)

            @pl.when(j0 + 2 < SW)
            def _next_a():
                swait(rows_a, ssem_a)
                gather(j0 + 2, rows_a, gsem_a)

            scat(j0 + 1, rows_b, ssem_b)
            return carry2

        lax.fori_loop(0, SW // 2, pair, 0)
        return carry

    lax.fori_loop(0, NSC, super_step, 0)
    swait(rows_a, ssem_a)
    swait(rows_b, ssem_b)
    plsc.subcore_barrier()

    @pl.when(sid < NWR)
    def _write():
        w0 = sid * WR
        pltpu.sync_copy(acc_sh.at[pl.ds(w0, WR)],
                        out_hbm.at[cid, pl.ds(w0, WR)])


def _make_sc_agg(dw):
    mesh = plsc.VectorSubcoreMesh(core_axis_name="c", subcore_axis_name="s")
    return pl.kernel(
        functools.partial(_sc_agg_body, dw),
        out_type=[jax.ShapeDtypeStruct((NC, N, dw), jnp.float32)],
        mesh=mesh,
        scratch_types=[
            pltpu.VMEM((SW, C), jnp.int32),
            pltpu.VMEM((SW, C), jnp.int32),
            pltpu.VMEM((C, dw), jnp.float32),
            pltpu.VMEM((C, dw), jnp.float32),
            pltpu.VMEM_SHARED((N, dw), jnp.float32),
            pltpu.SemaphoreType.DMA,
            pltpu.SemaphoreType.DMA,
            pltpu.SemaphoreType.DMA,
            pltpu.SemaphoreType.DMA,
        ],
        compiler_params=pltpu.CompilerParams(use_tc_tiling_on_sc=False),
    )


def _sc_deg_body(dst_hbm, deg_hbm, dst_v, onesb, deg_sh, sem):
    cid = lax.axis_index("c")
    sid = lax.axis_index("s")
    wid = cid * NS + sid
    row0 = sid * RPT

    _zero_rows(onesb, C, DEGW)
    _zero_acc_slice(onesb, C, deg_sh, row0)
    o16 = jnp.ones((16,), jnp.float32)

    def oinit(i, carry):
        onesb[i, pl.ds(0, DEGW)] = o16
        return carry

    lax.fori_loop(0, C, oinit, 0)
    pltpu.sync_copy(dst_hbm.at[wid], dst_v)
    plsc.subcore_barrier()

    def step(k, carry):
        pltpu.async_copy(onesb, deg_sh.at[dst_v.at[k]], sem, add=True)

        @pl.when(k >= 8)
        def _lagged_wait():
            pltpu.make_async_copy(onesb, deg_sh.at[dst_v.at[0]], sem).wait()

        return carry

    lax.fori_loop(0, NCH, step, 0)
    for _ in range(8):
        pltpu.make_async_copy(onesb, deg_sh.at[dst_v.at[0]], sem).wait()
    plsc.subcore_barrier()

    @pl.when(sid < NWR)
    def _write():
        w0 = sid * WR
        pltpu.sync_copy(deg_sh.at[pl.ds(w0, WR)],
                        deg_hbm.at[cid, pl.ds(w0, WR)])


_sc_deg = pl.kernel(
    _sc_deg_body,
    out_type=[jax.ShapeDtypeStruct((NC, N, DEGW), jnp.float32)],
    mesh=plsc.VectorSubcoreMesh(core_axis_name="c", subcore_axis_name="s"),
    scratch_types=[
        pltpu.VMEM((NCH, C), jnp.int32),
        pltpu.VMEM((C, DEGW), jnp.float32),
        pltpu.VMEM_SHARED((N, DEGW), jnp.float32),
        pltpu.SemaphoreType.DMA,
    ],
    compiler_params=pltpu.CompilerParams(use_tc_tiling_on_sc=False),
)

_sc_agg_d = _make_sc_agg(D)
_sc_agg_o = _make_sc_agg(DOUT)


def _mid_body(sp_ref, degp_ref, b1_ref, w1_ref, w2_ref, o_ref):
    s = sp_ref[0] + sp_ref[1]
    deg = jnp.maximum(degp_ref[0, :, :1] + degp_ref[1, :, :1], 1.0)
    agg = s / deg
    h = jnp.maximum(
        jnp.dot(agg, w1_ref[...], preferred_element_type=jnp.float32)
        + b1_ref[...], 0.0)
    o_ref[...] = jnp.dot(h, w2_ref[...], preferred_element_type=jnp.float32)


def _tc_mid(sp, degp, b1, w1, w2, bm=2000):
    return pl.pallas_call(
        _mid_body,
        grid=(N // bm,),
        in_specs=[pl.BlockSpec((NC, bm, D), lambda i: (0, i, 0)),
                  pl.BlockSpec((NC, bm, DEGW), lambda i: (0, i, 0)),
                  pl.BlockSpec((1, D), lambda i: (0, 0)),
                  pl.BlockSpec((D, D), lambda i: (0, 0)),
                  pl.BlockSpec((D, DOUT), lambda i: (0, 0))],
        out_specs=pl.BlockSpec((bm, DOUT), lambda i: (i, 0)),
        out_shape=jax.ShapeDtypeStruct((N, DOUT), jnp.float32),
    )(sp, degp, b1, w1, w2)


def _out_body(sp_ref, degp_ref, b2_ref, o_ref):
    s = sp_ref[0] + sp_ref[1]
    deg = jnp.maximum(degp_ref[0, :, :1] + degp_ref[1, :, :1], 1.0)
    o_ref[...] = s / deg + b2_ref[...]


def _tc_out(sp, degp, b2, bm=2000):
    return pl.pallas_call(
        _out_body,
        grid=(N // bm,),
        in_specs=[pl.BlockSpec((NC, bm, DOUT), lambda i: (0, i, 0)),
                  pl.BlockSpec((NC, bm, DEGW), lambda i: (0, i, 0)),
                  pl.BlockSpec((1, DOUT), lambda i: (0, 0))],
        out_specs=pl.BlockSpec((bm, DOUT), lambda i: (i, 0)),
        out_shape=jax.ShapeDtypeStruct((N, DOUT), jnp.float32),
    )(sp, degp, b2)


def kernel(x, edge_index, W1, b1, W2, b2):
    src3 = edge_index[0].reshape(NW, NCH, C)
    dst3 = edge_index[1].reshape(NW, NCH, C)
    (degp,) = _sc_deg(dst3)
    (s1p,) = _sc_agg_d(x, src3, dst3)
    hw = _tc_mid(s1p, degp, b1.reshape(1, D), W1, W2)
    (s2p,) = _sc_agg_o(hw, src3, dst3)
    return _tc_out(s2p, degp, b2.reshape(1, DOUT))

# --- scband reference (transcript-rebuilt; emitter-appended) ---
"""Pipeline reference for scband-gcnsampling-67542655697275 (READ-ONLY COPY).

The authoritative reference and input builder live on the scoring server;
editing this copy changes nothing except your own understanding.
"""

import jax, jax.numpy as jnp
import numpy as np

N = 10000
E = 320000
D_IN = 128
D_HID = 128
N_CLASSES = 64


def setup_inputs(seed: int = 0) -> dict:
    key = jax.random.key(seed)
    k1, k2, k3, k4, k5, k6 = jax.random.split(key, 6)
    x = jax.random.normal(k1, (N, D_IN), dtype=jnp.float32)
    edge_index = jax.random.randint(k2, (2, E), 0, N, dtype=jnp.int32)
    W1 = jax.random.normal(k3, (D_IN, D_HID), dtype=jnp.float32) * (1.0 / np.sqrt(D_IN))
    b1 = jnp.zeros((D_HID,), dtype=jnp.float32)
    W2 = jax.random.normal(k4, (D_HID, N_CLASSES), dtype=jnp.float32) * (1.0 / np.sqrt(D_HID))
    b2 = jnp.zeros((N_CLASSES,), dtype=jnp.float32)
    return {"x": x, "edge_index": edge_index, "W1": W1, "b1": b1, "W2": W2, "b2": b2}


def reference(x, edge_index, W1, b1, W2, b2):
    # GCNSampling with n_layers=2, dropout=0.0 (identity), activation=relu on hidden layer.
    # Each DGL block_compute(copy_u('h','m'), mean('m','h'), NodeUpdate) is:
    #   h_agg = mean over in-neighbors of h;  h = linear(h_agg); optional activation.
    src = edge_index[0]
    dst = edge_index[1]
    ones = jnp.ones((src.shape[0],), dtype=x.dtype)
    deg = jax.ops.segment_sum(ones, dst, num_segments=N)
    deg = jnp.maximum(deg, 1.0)

    # layer 0: mean-aggregate then linear + relu
    s = jax.ops.segment_sum(jnp.take(x, src, axis=0), dst, num_segments=N)
    h = s / deg[:, None]
    h = jax.nn.relu(h @ W1 + b1)

    # layer 1: mean-aggregate then linear (no activation on output layer)
    s2 = jax.ops.segment_sum(jnp.take(h, src, axis=0), dst, num_segments=N)
    h2 = s2 / deg[:, None]
    out = h2 @ W2 + b2
    return out

if __name__ == "__main__":
    import jax
    _d = setup_inputs()
    print(jax.jit(kernel)(*tuple(_d.values())))

</pallas_src>

<mosaic_0001>
#map = affine_map<(d0, d1) -> (0, 0)>
#map1 = affine_map<(d0, d1) -> (0, 0, 0)>
module attributes {stable_mosaic.version = 14 : i64} {
  func.func @_sc_agg_body(%arg0: i32, %arg1: i32, %arg2: memref<10000x128xf32, #tpu.memory_space<hbm>>, %arg3: memref<32x80x125xi32, #tpu.memory_space<hbm>>, %arg4: memref<32x80x125xi32, #tpu.memory_space<hbm>>, %arg5: memref<2x10000x128xf32, #tpu.memory_space<hbm>>, %arg6: memref<16x125xi32, #tpu.memory_space<vmem>>, %arg7: memref<16x125xi32, #tpu.memory_space<vmem>>, %arg8: memref<125x128xf32, #tpu.memory_space<vmem>>, %arg9: memref<125x128xf32, #tpu.memory_space<vmem>>, %arg10: memref<10000x128xf32, #tpu.memory_space<vmem_shared>>, %arg11: memref<!tpu.dma_semaphore, #tpu.memory_space<semaphore_mem>>, %arg12: memref<!tpu.dma_semaphore, #tpu.memory_space<semaphore_mem>>, %arg13: memref<!tpu.dma_semaphore, #tpu.memory_space<semaphore_mem>>, %arg14: memref<!tpu.dma_semaphore, #tpu.memory_space<semaphore_mem>>) attributes {dimension_semantics = [#tpu.dimension_semantics<core_parallel>, #tpu.dimension_semantics<subcore_parallel>], iteration_bounds = array<i64: 2, 16>, scalar_prefetch = 0 : i64, scratch_operands = 9 : i64, tpu.core_type = #tpu.core_type<sc_vector_subcore>, window_params = [{transform_indices = #map}, {transform_indices = #map1}, {transform_indices = #map1}, {transform_indices = #map1}]} {
    %mul3A = arith.constant 16 : i32
    %mul3A_0 = arith.muli %arg0, %mul3A : i32
    %add3A = arith.addi %mul3A_0, %arg1 : i32
    %mul3A_1 = arith.constant 625 : i32
    %mul3A_2 = arith.muli %arg1, %mul3A_1 : i32
    %broadcast_in_dim3A = arith.constant 0.000000e+00 : f32
    %broadcast_in_dim3A_3 = vector.broadcast %broadcast_in_dim3A : f32 to vector<16xf32>
    %scan3A = arith.constant 0 : i32
    %scan3A_4 = arith.constant 0 : i32
    %scan3A_5 = arith.constant 125 : i32
    %scan3A_6 = arith.addi %scan3A_4, %scan3A_5 : i32
    %scan3A_7 = arith.constant 1 : i32
    scf.for %scan3A_41 = %scan3A_4 to %scan3A_6 step %scan3A_7  : i32 {
      %swap3A = arith.index_cast %scan3A_41 : i32 to index
      %swap3A_42 = arith.constant 0 : index
      %swap3A_43 = tpu.vector_load %arg8[%swap3A, %swap3A_42] {strides = array<i32>} : memref<125x128xf32, #tpu.memory_space<vmem>>, vector<1x16xf32>,
      %swap3A_44 = vector.shape_cast %swap3A_43 : vector<1x16xf32> to vector<16xf32>
      %swap3A_45 = vector.shape_cast %broadcast_in_dim3A_3 : vector<16xf32> to vector<1x16xf32>
      tpu.vector_store %arg8[%swap3A, %swap3A_42], %swap3A_45 {strides = array<i32>} : memref<125x128xf32, #tpu.memory_space<vmem>>, vector<1x16xf32>,
      %swap3A_46 = arith.index_cast %scan3A_41 : i32 to index
      %swap3A_47 = arith.constant 16 : index
      %swap3A_48 = tpu.vector_load %arg8[%swap3A_46, %swap3A_47] {strides = array<i32>} : memref<125x128xf32, #tpu.memory_space<vmem>>, vector<1x16xf32>,
      %swap3A_49 = vector.shape_cast %swap3A_48 : vector<1x16xf32> to vector<16xf32>
      %swap3A_50 = vector.shape_cast %broadcast_in_dim3A_3 : vector<16xf32> to vector<1x16xf32>
      tpu.vector_store %arg8[%swap3A_46, %swap3A_47], %swap3A_50 {strides = array<i32>} : memref<125x128xf32, #tpu.memory_space<vmem>>, vector<1x16xf32>,
      %swap3A_51 = arith.index_cast %scan3A_41 : i32 to index
      %swap3A_52 = arith.constant 32 : index
      %swap3A_53 = tpu.vector_load %arg8[%swap3A_51, %swap3A_52] {strides = array<i32>} : memref<125x128xf32, #tpu.memory_space<vmem>>, vector<1x16xf32>,
      %swap3A_54 = vector.shape_cast %swap3A_53 : vector<1x16xf32> to vector<16xf32>
      %swap3A_55 = vector.shape_cast %broadcast_in_dim3A_3 : vector<16xf32> to vector<1x16xf32>
      tpu.vector_store %arg8[%swap3A_51, %swap3A_52], %swap3A_55 {strides = array<i32>} : memref<125x128xf32, #tpu.memory_space<vmem>>, vector<1x16xf32>,
      %swap3A_56 = arith.index_cast %scan3A_41 : i32 to index
      %swap3A_57 = arith.constant 48 : index
      %swap3A_58 = tpu.vector_load %arg8[%swap3A_56, %swap3A_57] {strides = array<i32>} : memref<125x128xf32, #tpu.memory_space<vmem>>, vector<1x16xf32>,
      %swap3A_59 = vector.shape_cast %swap3A_58 : vector<1x16xf32> to vector<16xf32>
      %swap3A_60 = vector.shape_cast %broadcast_in_dim3A_3 : vector<16xf32> to vector<1x16xf32>
      tpu.vector_store %arg8[%swap3A_56, %swap3A_57], %swap3A_60 {strides = array<i32>} : memref<125x128xf32, #tpu.memory_space<vmem>>, vector<1x16xf32>,
      %swap3A_61 = arith.index_cast %scan3A_41 : i32 to index
      %swap3A_62 = arith.constant 64 : index
      %swap3A_63 = tpu.vector_load %arg8[%swap3A_61, %swap3A_62] {strides = array<i32>} : memref<125x128xf32, #tpu.memory_space<vmem>>, vector<1x16xf32>,
      %swap3A_64 = vector.shape_cast %swap3A_63 : vector<1x16xf32> to vector<16xf32>
      %swap3A_65 = vector.shape_cast %broadcast_in_dim3A_3 : vector<16xf32> to vector<1x16xf32>
      tpu.vector_store %arg8[%swap3A_61, %swap3A_62], %swap3A_65 {strides = array<i32>} : memref<125x128xf32, #tpu.memory_space<vmem>>, vector<1x16xf32>,
      %swap3A_66 = arith.index_cast %scan3A_41 : i32 to index
      %swap3A_67 = arith.constant 80 : index
      %swap3A_68 = tpu.vector_load %arg8[%swap3A_66, %swap3A_67] {strides = array<i32>} : memref<125x128xf32, #tpu.memory_space<vmem>>, vector<1x16xf32>,
      %swap3A_69 = vector.shape_cast %swap3A_68 : vector<1x16xf32> to vector<16xf32>
      %swap3A_70 = vector.shape_cast %broadcast_in_dim3A_3 : vector<16xf32> to vector<1x16xf32>
      tpu.vector_store %arg8[%swap3A_66, %swap3A_67], %swap3A_70 {strides = array<i32>} : memref<125x128xf32, #tpu.memory_space<vmem>>, vector<1x16xf32>,
      %swap3A_71 = arith.index_cast %scan3A_41 : i32 to index
      %swap3A_72 = arith.constant 96 : index
      %swap3A_73 = tpu.vector_load %arg8[%swap3A_71, %swap3A_72] {strides = array<i32>} : memref<125x128xf32, #tpu.memory_space<vmem>>, vector<1x16xf32>,
      %swap3A_74 = vector.shape_cast %swap3A_73 : vector<1x16xf32> to vector<16xf32>
      %swap3A_75 = vector.shape_cast %broadcast_in_dim3A_3 : vector<16xf32> to vector<1x16xf32>
      tpu.vector_store %arg8[%swap3A_71, %swap3A_72], %swap3A_75 {strides = array<i32>} : memref<125x128xf32, #tpu.memory_space<vmem>>, vector<1x16xf32>,
      %swap3A_76 = arith.index_cast %scan3A_41 : i32 to index
      %swap3A_77 = arith.constant 112 : index
      %swap3A_78 = tpu.vector_load %arg8[%swap3A_76, %swap3A_77] {strides = array<i32>} : memref<125x128xf32, #tpu.memory_space<vmem>>, vector<1x16xf32>,
      %swap3A_79 = vector.shape_cast %swap3A_78 : vector<1x16xf32> to vector<16xf32>
      %swap3A_80 = vector.shape_cast %broadcast_in_dim3A_3 : vector<16xf32> to vector<1x16xf32>
      tpu.vector_store %arg8[%swap3A_76, %swap3A_77], %swap3A_80 {strides = array<i32>} : memref<125x128xf32, #tpu.memory_space<vmem>>, vector<1x16xf32>,
    }
    %scan3A_8 = arith.constant 125 : i32
    %add3A_9 = arith.constant 0 : i32
    %add3A_10 = arith.addi %mul3A_2, %add3A_9 : i32
    "tpu.region"() ({
      %run_scoped3A = tpu.sem_alloc : memref<!tpu.dma_semaphore, #tpu.memory_space<semaphore_mem>>
      %dma_start3A = arith.constant 0 : i32
      %dma_start3A_41 = tpu.memref_slice %arg10[%add3A_10, %dma_start3A] : memref<10000x128xf32, #tpu.memory_space<vmem_shared>> -> memref<125x128xf32, #tpu.memory_space<vmem_shared>>
      %dma_start3A_42 = arith.constant 0 : i32
      %dma_start3A_43 = tpu.memref_slice %arg10[%add3A_10, %dma_start3A_42] : memref<10000x128xf32, #tpu.memory_space<vmem_shared>> -> memref<125x128xf32, #tpu.memory_space<vmem_shared>>
      tpu.enqueue_dma source(%arg8 : memref<125x128xf32, #tpu.memory_space<vmem>>) target(%dma_start3A_43 : memref<125x128xf32, #tpu.memory_space<vmem_shared>>) target_semaphore(%run_scoped3A : memref<!tpu.dma_semaphore, #tpu.memory_space<semaphore_mem>>)
      %dma_wait3A_44 = arith.constant 0 : i32
      %dma_wait3A_45 = tpu.memref_slice %arg10[%add3A_10, %dma_wait3A_44] : memref<10000x128xf32, #tpu.memory_space<vmem_shared>> -> memref<125x128xf32, #tpu.memory_space<vmem_shared>>
      %dma_wait3A_46 = arith.constant 0 : i32
      %dma_wait3A_47 = tpu.memref_slice %arg10[%add3A_10, %dma_wait3A_46] : memref<10000x128xf32, #tpu.memory_space<vmem_shared>> -> memref<125x128xf32, #tpu.memory_space<vmem_shared>>
      tpu.wait_dma2 semaphore(%run_scoped3A : memref<!tpu.dma_semaphore, #tpu.memory_space<semaphore_mem>>) src(%arg8 : memref<125x128xf32, #tpu.memory_space<vmem>>) dst(%dma_wait3A_47 : memref<125x128xf32, #tpu.memory_space<vmem_shared>>)
      tpu.yield
    }) : () -> ()
    %add3A_11 = arith.constant 125 : i32
    %add3A_12 = arith.addi %mul3A_2, %add3A_11 : i32
    "tpu.region"() ({
      %run_scoped3A = tpu.sem_alloc : memref<!tpu.dma_semaphore, #tpu.memory_space<semaphore_mem>>
      %dma_start3A = arith.constant 0 : i32
      %dma_start3A_41 = tpu.memref_slice %arg10[%add3A_12, %dma_start3A] : memref<10000x128xf32, #tpu.memory_space<vmem_shared>> -> memref<125x128xf32, #tpu.memory_space<vmem_shared>>
      %dma_start3A_42 = arith.constant 0 : i32
      %dma_start3A_43 = tpu.memref_slice %arg10[%add3A_12, %dma_start3A_42] : memref<10000x128xf32, #tpu.memory_space<vmem_shared>> -> memref<125x128xf32, #tpu.memory_space<vmem_shared>>
      tpu.enqueue_dma source(%arg8 : memref<125x128xf32, #tpu.memory_space<vmem>>) target(%dma_start3A_43 : memref<125x128xf32, #tpu.memory_space<vmem_shared>>) target_semaphore(%run_scoped3A : memref<!tpu.dma_semaphore, #tpu.memory_space<semaphore_mem>>)
      %dma_wait3A_44 = arith.constant 0 : i32
      %dma_wait3A_45 = tpu.memref_slice %arg10[%add3A_12, %dma_wait3A_44] : memref<10000x128xf32, #tpu.memory_space<vmem_shared>> -> memref<125x128xf32, #tpu.memory_space<vmem_shared>>
      %dma_wait3A_46 = arith.constant 0 : i32
      %dma_wait3A_47 = tpu.memref_slice %arg10[%add3A_12, %dma_wait3A_46] : memref<10000x128xf32, #tpu.memory_space<vmem_shared>> -> memref<125x128xf32, #tpu.memory_space<vmem_shared>>
      tpu.wait_dma2 semaphore(%run_scoped3A : memref<!tpu.dma_semaphore, #tpu.memory_space<semaphore_mem>>) src(%arg8 : memref<125x128xf32, #tpu.memory_space<vmem>>) dst(%dma_wait3A_47 : memref<125x128xf32, #tpu.memory_space<vmem_shared>>)
      tpu.yield
    }) : () -> ()
    %add3A_13 = arith.constant 250 : i32
    %add3A_14 = arith.addi %mul3A_2, %add3A_13 : i32
    "tpu.region"() ({
      %run_scoped3A = tpu.sem_alloc : memref<!tpu.dma_semaphore, #tpu.memory_space<semaphore_mem>>
      %dma_start3A = arith.constant 0 : i32
      %dma_start3A_41 = tpu.memref_slice %arg10[%add3A_14, %dma_start3A] : memref<10000x128xf32, #tpu.memory_space<vmem_shared>> -> memref<125x128xf32, #tpu.memory_space<vmem_shared>>
      %dma_start3A_42 = arith.constant 0 : i32
      %dma_start3A_43 = tpu.memref_slice %arg10[%add3A_14, %dma_start3A_42] : memref<10000x128xf32, #tpu.memory_space<vmem_shared>> -> memref<125x128xf32, #tpu.memory_space<vmem_shared>>
      tpu.enqueue_dma source(%arg8 : memref<125x128xf32, #tpu.memory_space<vmem>>) target(%dma_start3A_43 : memref<125x128xf32, #tpu.memory_space<vmem_shared>>) target_semaphore(%run_scoped3A : memref<!tpu.dma_semaphore, #tpu.memory_space<semaphore_mem>>)
      %dma_wait3A_44 = arith.constant 0 : i32
      %dma_wait3A_45 = tpu.memref_slice %arg10[%add3A_14, %dma_wait3A_44] : memref<10000x128xf32, #tpu.memory_space<vmem_shared>> -> memref<125x128xf32, #tpu.memory_space<vmem_shared>>
      %dma_wait3A_46 = arith.constant 0 : i32
      %dma_wait3A_47 = tpu.memref_slice %arg10[%add3A_14, %dma_wait3A_46] : memref<10000x128xf32, #tpu.memory_space<vmem_shared>> -> memref<125x128xf32, #tpu.memory_space<vmem_shared>>
      tpu.wait_dma2 semaphore(%run_scoped3A : memref<!tpu.dma_semaphore, #tpu.memory_space<semaphore_mem>>) src(%arg8 : memref<125x128xf32, #tpu.memory_space<vmem>>) dst(%dma_wait3A_47 : memref<125x128xf32, #tpu.memory_space<vmem_shared>>)
      tpu.yield
    }) : () -> ()
    %add3A_15 = arith.constant 375 : i32
    %add3A_16 = arith.addi %mul3A_2, %add3A_15 : i32
    "tpu.region"() ({
      %run_scoped3A = tpu.sem_alloc : memref<!tpu.dma_semaphore, #tpu.memory_space<semaphore_mem>>
      %dma_start3A = arith.constant 0 : i32
      %dma_start3A_41 = tpu.memref_slice %arg10[%add3A_16, %dma_start3A] : memref<10000x128xf32, #tpu.memory_space<vmem_shared>> -> memref<125x128xf32, #tpu.memory_space<vmem_shared>>
      %dma_start3A_42 = arith.constant 0 : i32
      %dma_start3A_43 = tpu.memref_slice %arg10[%add3A_16, %dma_start3A_42] : memref<10000x128xf32, #tpu.memory_space<vmem_shared>> -> memref<125x128xf32, #tpu.memory_space<vmem_shared>>
      tpu.enqueue_dma source(%arg8 : memref<125x128xf32, #tpu.memory_space<vmem>>) target(%dma_start3A_43 : memref<125x128xf32, #tpu.memory_space<vmem_shared>>) target_semaphore(%run_scoped3A : memref<!tpu.dma_semaphore, #tpu.memory_space<semaphore_mem>>)
      %dma_wait3A_44 = arith.constant 0 : i32
      %dma_wait3A_45 = tpu.memref_slice %arg10[%add3A_16, %dma_wait3A_44] : memref<10000x128xf32, #tpu.memory_space<vmem_shared>> -> memref<125x128xf32, #tpu.memory_space<vmem_shared>>
      %dma_wait3A_46 = arith.constant 0 : i32
      %dma_wait3A_47 = tpu.memref_slice %arg10[%add3A_16, %dma_wait3A_46] : memref<10000x128xf32, #tpu.memory_space<vmem_shared>> -> memref<125x128xf32, #tpu.memory_space<vmem_shared>>
      tpu.wait_dma2 semaphore(%run_scoped3A : memref<!tpu.dma_semaphore, #tpu.memory_space<semaphore_mem>>) src(%arg8 : memref<125x128xf32, #tpu.memory_space<vmem>>) dst(%dma_wait3A_47 : memref<125x128xf32, #tpu.memory_space<vmem_shared>>)
      tpu.yield
    }) : () -> ()
    %add3A_17 = arith.constant 500 : i32
    %add3A_18 = arith.addi %mul3A_2, %add3A_17 : i32
    "tpu.region"() ({
      %run_scoped3A = tpu.sem_alloc : memref<!tpu.dma_semaphore, #tpu.memory_space<semaphore_mem>>
      %dma_start3A = arith.constant 0 : i32
      %dma_start3A_41 = tpu.memref_slice %arg10[%add3A_18, %dma_start3A] : memref<10000x128xf32, #tpu.memory_space<vmem_shared>> -> memref<125x128xf32, #tpu.memory_space<vmem_shared>>
      %dma_start3A_42 = arith.constant 0 : i32
      %dma_start3A_43 = tpu.memref_slice %arg10[%add3A_18, %dma_start3A_42] : memref<10000x128xf32, #tpu.memory_space<vmem_shared>> -> memref<125x128xf32, #tpu.memory_space<vmem_shared>>
      tpu.enqueue_dma source(%arg8 : memref<125x128xf32, #tpu.memory_space<vmem>>) target(%dma_start3A_43 : memref<125x128xf32, #tpu.memory_space<vmem_shared>>) target_semaphore(%run_scoped3A : memref<!tpu.dma_semaphore, #tpu.memory_space<semaphore_mem>>)
      %dma_wait3A_44 = arith.constant 0 : i32
      %dma_wait3A_45 = tpu.memref_slice %arg10[%add3A_18, %dma_wait3A_44] : memref<10000x128xf32, #tpu.memory_space<vmem_shared>> -> memref<125x128xf32, #tpu.memory_space<vmem_shared>>
      %dma_wait3A_46 = arith.constant 0 : i32
      %dma_wait3A_47 = tpu.memref_slice %arg10[%add3A_18, %dma_wait3A_46] : memref<10000x128xf32, #tpu.memory_space<vmem_shared>> -> memref<125x128xf32, #tpu.memory_space<vmem_shared>>
      tpu.wait_dma2 semaphore(%run_scoped3A : memref<!tpu.dma_semaphore, #tpu.memory_space<semaphore_mem>>) src(%arg8 : memref<125x128xf32, #tpu.memory_space<vmem>>) dst(%dma_wait3A_47 : memref<125x128xf32, #tpu.memory_space<vmem_shared>>)
      tpu.yield
    }) : () -> ()
    %barrier3A = arith.constant 0 : index
    tpu.barrier barrier_id(%barrier3A)
    %scan3A_19 = arith.constant 0 : i32
    %scan3A_20 = arith.constant 0 : i32
    %scan3A_21 = arith.constant 5 : i32
    %scan3A_22 = arith.addi %scan3A_20, %scan3A_21 : i32
    %scan3A_23 = arith.constant 1 : i32
    scf.for %scan3A_41 = %scan3A_20 to %scan3A_22 step %scan3A_23  : i32 {
      %gt3A = arith.constant 0 : i32
      %gt3A_42 = arith.cmpi sgt, %scan3A_41, %gt3A : i32
      %convert_element_type3A_43 = arith.extui %gt3A_42 : i1 to i32
      %cond3A_44 = arith.constant 0 : i32
      %cond3A_45 = arith.cmpi ne, %convert_element_type3A_43, %cond3A_44 : i32
      scf.if %cond3A_45 {
        %dma_wait3A_62 = arith.constant 0 : i32
        %dma_wait3A_63 = arith.constant 0 : i32
        %dma_wait3A_64 = tpu.memref_slice %arg7[%dma_wait3A_62, %dma_wait3A_63] : memref<16x125xi32, #tpu.memory_space<vmem>> -> memref<1x125xi32, #tpu.memory_space<vmem>>
        %dma_wait3A_65 = tpu.memref_squeeze %dma_wait3A_64 : memref<1x125xi32, #tpu.memory_space<vmem>> -> memref<125xi32, #tpu.memory_space<vmem>>
        %dma_wait3A_66 = arith.constant 0 : i32
        %dma_wait3A_67 = arith.constant 0 : i32
        %dma_wait3A_68 = tpu.memref_slice %arg10[%dma_wait3A_66, %dma_wait3A_67] : memref<10000x128xf32, #tpu.memory_space<vmem_shared>> -> memref<10000x128xf32, #tpu.memory_space<vmem_shared>>
        tpu.wait_indirect_dma semaphore(%arg13 : memref<!tpu.dma_semaphore, #tpu.memory_space<semaphore_mem>>) src(%arg8 : memref<125x128xf32, #tpu.memory_space<vmem>>) dst(%dma_wait3A_68 : memref<10000x128xf32, #tpu.memory_space<vmem_shared>>)
        %dma_wait3A_69 = arith.constant 0 : i32
        %dma_wait3A_70 = arith.constant 0 : i32
        %dma_wait3A_71 = tpu.memref_slice %arg7[%dma_wait3A_69, %dma_wait3A_70] : memref<16x125xi32, #tpu.memory_space<vmem>> -> memref<1x125xi32, #tpu.memory_space<vmem>>
        %dma_wait3A_72 = tpu.memref_squeeze %dma_wait3A_71 : memref<1x125xi32, #tpu.memory_space<vmem>> -> memref<125xi32, #tpu.memory_space<vmem>>
        %dma_wait3A_73 = arith.constant 0 : i32
        %dma_wait3A_74 = arith.constant 0 : i32
        %dma_wait3A_75 = tpu.memref_slice %arg10[%dma_wait3A_73, %dma_wait3A_74] : memref<10000x128xf32, #tpu.memory_space<vmem_shared>> -> memref<10000x128xf32, #tpu.memory_space<vmem_shared>>
        tpu.wait_indirect_dma semaphore(%arg14 : memref<!tpu.dma_semaphore, #tpu.memory_space<semaphore_mem>>) src(%arg9 : memref<125x128xf32, #tpu.memory_space<vmem>>) dst(%dma_wait3A_75 : memref<10000x128xf32, #tpu.memory_space<vmem_shared>>)
      } else {
      }
      %mul3A_46 = arith.constant 16 : i32
      %mul3A_47 = arith.muli %scan3A_41, %mul3A_46 : i32
      "tpu.region"() ({
        %run_scoped3A = tpu.sem_alloc : memref<!tpu.dma_semaphore, #tpu.memory_space<semaphore_mem>>
        %dma_start3A_62 = arith.constant 0 : i32
        %dma_start3A_63 = tpu.memref_slice %arg3[%add3A, %mul3A_47, %dma_start3A_62] : memref<32x80x125xi32, #tpu.memory_space<hbm>> -> memref<1x16x125xi32, #tpu.memory_space<hbm>>
        %dma_start3A_64 = tpu.memref_squeeze %dma_start3A_63 : memref<1x16x125xi32, #tpu.memory_space<hbm>> -> memref<16x125xi32, #tpu.memory_space<hbm>>
        %dma_start3A_65 = arith.constant 0 : i32
        %dma_start3A_66 = tpu.memref_slice %arg3[%add3A, %mul3A_47, %dma_start3A_65] : memref<32x80x125xi32, #tpu.memory_space<hbm>> -> memref<1x16x125xi32, #tpu.memory_space<hbm>>
        %dma_start3A_67 = tpu.memref_squeeze %dma_start3A_66 : memref<1x16x125xi32, #tpu.memory_space<hbm>> -> memref<16x125xi32, #tpu.memory_space<hbm>>
        tpu.enqueue_dma source(%dma_start3A_67 : memref<16x125xi32, #tpu.memory_space<hbm>>) target(%arg6 : memref<16x125xi32, #tpu.memory_space<vmem>>) target_semaphore(%run_scoped3A : memref<!tpu.dma_semaphore, #tpu.memory_space<semaphore_mem>>)
        %dma_wait3A_68 = arith.constant 0 : i32
        %dma_wait3A_69 = tpu.memref_slice %arg3[%add3A, %mul3A_47, %dma_wait3A_68] : memref<32x80x125xi32, #tpu.memory_space<hbm>> -> memref<1x16x125xi32, #tpu.memory_space<hbm>>
        %dma_wait3A_70 = tpu.memref_squeeze %dma_wait3A_69 : memref<1x16x125xi32, #tpu.memory_space<hbm>> -> memref<16x125xi32, #tpu.memory_space<hbm>>
        %dma_wait3A_71 = arith.constant 0 : i32
        %dma_wait3A_72 = tpu.memref_slice %arg3[%add3A, %mul3A_47, %dma_wait3A_71] : memref<32x80x125xi32, #tpu.memory_space<hbm>> -> memref<1x16x125xi32, #tpu.memory_space<hbm>>
        %dma_wait3A_73 = tpu.memref_squeeze %dma_wait3A_72 : memref<1x16x125xi32, #tpu.memory_space<hbm>> -> memref<16x125xi32, #tpu.memory_space<hbm>>
        tpu.wait_dma2 semaphore(%run_scoped3A : memref<!tpu.dma_semaphore, #tpu.memory_space<semaphore_mem>>) src(%dma_wait3A_73 : memref<16x125xi32, #tpu.memory_space<hbm>>) dst(%arg6 : memref<16x125xi32, #tpu.memory_space<vmem>>)
        tpu.yield
      }) : () -> ()
      %mul3A_48 = arith.constant 16 : i32
      %mul3A_49 = arith.muli %scan3A_41, %mul3A_48 : i32
      "tpu.region"() ({
        %run_scoped3A = tpu.sem_alloc : memref<!tpu.dma_semaphore, #tpu.memory_space<semaphore_mem>>
        %dma_start3A_62 = arith.constant 0 : i32
        %dma_start3A_63 = tpu.memref_slice %arg4[%add3A, %mul3A_49, %dma_start3A_62] : memref<32x80x125xi32, #tpu.memory_space<hbm>> -> memref<1x16x125xi32, #tpu.memory_space<hbm>>
        %dma_start3A_64 = tpu.memref_squeeze %dma_start3A_63 : memref<1x16x125xi32, #tpu.memory_space<hbm>> -> memref<16x125xi32, #tpu.memory_space<hbm>>
        %dma_start3A_65 = arith.constant 0 : i32
        %dma_start3A_66 = tpu.memref_slice %arg4[%add3A, %mul3A_49, %dma_start3A_65] : memref<32x80x125xi32, #tpu.memory_space<hbm>> -> memref<1x16x125xi32, #tpu.memory_space<hbm>>
        %dma_start3A_67 = tpu.memref_squeeze %dma_start3A_66 : memref<1x16x125xi32, #tpu.memory_space<hbm>> -> memref<16x125xi32, #tpu.memory_space<hbm>>
        tpu.enqueue_dma source(%dma_start3A_67 : memref<16x125xi32, #tpu.memory_space<hbm>>) target(%arg7 : memref<16x125xi32, #tpu.memory_space<vmem>>) target_semaphore(%run_scoped3A : memref<!tpu.dma_semaphore, #tpu.memory_space<semaphore_mem>>)
        %dma_wait3A_68 = arith.constant 0 : i32
        %dma_wait3A_69 = tpu.memref_slice %arg4[%add3A, %mul3A_49, %dma_wait3A_68] : memref<32x80x125xi32, #tpu.memory_space<hbm>> -> memref<1x16x125xi32, #tpu.memory_space<hbm>>
        %dma_wait3A_70 = tpu.memref_squeeze %dma_wait3A_69 : memref<1x16x125xi32, #tpu.memory_space<hbm>> -> memref<16x125xi32, #tpu.memory_space<hbm>>
        %dma_wait3A_71 = arith.constant 0 : i32
        %dma_wait3A_72 = tpu.memref_slice %arg4[%add3A, %mul3A_49, %dma_wait3A_71] : memref<32x80x125xi32, #tpu.memory_space<hbm>> -> memref<1x16x125xi32, #tpu.memory_space<hbm>>
        %dma_wait3A_73 = tpu.memref_squeeze %dma_wait3A_72 : memref<1x16x125xi32, #tpu.memory_space<hbm>> -> memref<16x125xi32, #tpu.memory_space<hbm>>
        tpu.wait_dma2 semaphore(%run_scoped3A : memref<!tpu.dma_semaphore, #tpu.memory_space<semaphore_mem>>) src(%dma_wait3A_73 : memref<16x125xi32, #tpu.memory_space<hbm>>) dst(%arg7 : memref<16x125xi32, #tpu.memory_space<vmem>>)
        tpu.yield
      }) : () -> ()
      %dma_start3A = arith.constant 0 : i32
      %dma_start3A_50 = arith.constant 0 : i32
      %dma_start3A_51 = tpu.memref_slice %arg6[%dma_start3A, %dma_start3A_50] : memref<16x125xi32, #tpu.memory_space<vmem>> -> memref<1x125xi32, #tpu.memory_space<vmem>>
      %dma_start3A_52 = tpu.memref_squeeze %dma_start3A_51 : memref<1x125xi32, #tpu.memory_space<vmem>> -> memref<125xi32, #tpu.memory_space<vmem>>
      %dma_start3A_53 = arith.constant 0 : i32
      %dma_start3A_54 = arith.constant 0 : i32
      %dma_start3A_55 = tpu.memref_slice %arg2[%dma_start3A_53, %dma_start3A_54] : memref<10000x128xf32, #tpu.memory_space<hbm>> -> memref<10000x128xf32, #tpu.memory_space<hbm>>
      tpu.enqueue_indirect_dma source(%dma_start3A_55 : memref<10000x128xf32, #tpu.memory_space<hbm>>) target(%arg8 : memref<125x128xf32, #tpu.memory_space<vmem>>) offsets(%dma_start3A_52 : memref<125xi32, #tpu.memory_space<vmem>>) semaphore(%arg11 : memref<!tpu.dma_semaphore, #tpu.memory_space<semaphore_mem>>)
      %scan3A_56 = arith.constant 0 : i32
      %scan3A_57 = arith.constant 0 : i32
      %scan3A_58 = arith.constant 8 : i32
      %scan3A_59 = arith.addi %scan3A_57, %scan3A_58 : i32
      %scan3A_60 = arith.constant 1 : i32
      scf.for %scan3A_62 = %scan3A_57 to %scan3A_59 step %scan3A_60  : i32 {
        %mul3A_63 = arith.constant 2 : i32
        %mul3A_64 = arith.muli %mul3A_63, %scan3A_62 : i32
        %dma_wait3A_65 = arith.constant 0 : i32
        %dma_wait3A_66 = tpu.memref_slice %arg6[%mul3A_64, %dma_wait3A_65] : memref<16x125xi32, #tpu.memory_space<vmem>> -> memref<1x125xi32, #tpu.memory_space<vmem>>
        %dma_wait3A_67 = tpu.memref_squeeze %dma_wait3A_66 : memref<1x125xi32, #tpu.memory_space<vmem>> -> memref<125xi32, #tpu.memory_space<vmem>>
        %dma_wait3A_68 = arith.constant 0 : i32
        %dma_wait3A_69 = arith.constant 0 : i32
        %dma_wait3A_70 = tpu.memref_slice %arg2[%dma_wait3A_68, %dma_wait3A_69] : memref<10000x128xf32, #tpu.memory_space<hbm>> -> memref<10000x128xf32, #tpu.memory_space<hbm>>
        tpu.wait_indirect_dma semaphore(%arg11 : memref<!tpu.dma_semaphore, #tpu.memory_space<semaphore_mem>>) src(%dma_wait3A_70 : memref<10000x128xf32, #tpu.memory_space<hbm>>) dst(%arg8 : memref<125x128xf32, #tpu.memory_space<vmem>>)
        %gt3A_71 = arith.constant 0 : i32
        %gt3A_72 = arith.cmpi sgt, %scan3A_62, %gt3A_71 : i32
        %convert_element_type3A_73 = arith.extui %gt3A_72 : i1 to i32
        %cond3A_74 = arith.constant 0 : i32
        %cond3A_75 = arith.cmpi ne, %convert_element_type3A_73, %cond3A_74 : i32
        scf.if %cond3A_75 {
          %dma_wait3A_113 = arith.constant 0 : i32
          %dma_wait3A_114 = arith.constant 0 : i32
          %dma_wait3A_115 = tpu.memref_slice %arg7[%dma_wait3A_113, %dma_wait3A_114] : memref<16x125xi32, #tpu.memory_space<vmem>> -> memref<1x125xi32, #tpu.memory_space<vmem>>
          %dma_wait3A_116 = tpu.memref_squeeze %dma_wait3A_115 : memref<1x125xi32, #tpu.memory_space<vmem>> -> memref<125xi32, #tpu.memory_space<vmem>>
          %dma_wait3A_117 = arith.constant 0 : i32
          %dma_wait3A_118 = arith.constant 0 : i32
          %dma_wait3A_119 = tpu.memref_slice %arg10[%dma_wait3A_117, %dma_wait3A_118] : memref<10000x128xf32, #tpu.memory_space<vmem_shared>> -> memref<10000x128xf32, #tpu.memory_space<vmem_shared>>
          tpu.wait_indirect_dma semaphore(%arg14 : memref<!tpu.dma_semaphore, #tpu.memory_space<semaphore_mem>>) src(%arg9 : memref<125x128xf32, #tpu.memory_space<vmem>>) dst(%dma_wait3A_119 : memref<10000x128xf32, #tpu.memory_space<vmem_shared>>)
        } else {
        }
        %add3A_76 = arith.constant 1 : i32
        %add3A_77 = arith.addi %mul3A_64, %add3A_76 : i32
        %dma_start3A_78 = arith.constant 0 : i32
        %dma_start3A_79 = tpu.memref_slice %arg6[%add3A_77, %dma_start3A_78] : memref<16x125xi32, #tpu.memory_space<vmem>> -> memref<1x125xi32, #tpu.memory_space<vmem>>
        %dma_start3A_80 = tpu.memref_squeeze %dma_start3A_79 : memref<1x125xi32, #tpu.memory_space<vmem>> -> memref<125xi32, #tpu.memory_space<vmem>>
        %dma_start3A_81 = arith.constant 0 : i32
        %dma_start3A_82 = arith.constant 0 : i32
        %dma_start3A_83 = tpu.memref_slice %arg2[%dma_start3A_81, %dma_start3A_82] : memref<10000x128xf32, #tpu.memory_space<hbm>> -> memref<10000x128xf32, #tpu.memory_space<hbm>>
        tpu.enqueue_indirect_dma source(%dma_start3A_83 : memref<10000x128xf32, #tpu.memory_space<hbm>>) target(%arg9 : memref<125x128xf32, #tpu.memory_space<vmem>>) offsets(%dma_start3A_80 : memref<125xi32, #tpu.memory_space<vmem>>) semaphore(%arg12 : memref<!tpu.dma_semaphore, #tpu.memory_space<semaphore_mem>>)
        %dma_start3A_84 = arith.constant 0 : i32
        %dma_start3A_85 = tpu.memref_slice %arg7[%mul3A_64, %dma_start3A_84] : memref<16x125xi32, #tpu.memory_space<vmem>> -> memref<1x125xi32, #tpu.memory_space<vmem>>
        %dma_start3A_86 = tpu.memref_squeeze %dma_start3A_85 : memref<1x125xi32, #tpu.memory_space<vmem>> -> memref<125xi32, #tpu.memory_space<vmem>>
        %dma_start3A_87 = arith.constant 0 : i32
        %dma_start3A_88 = arith.constant 0 : i32
        %dma_start3A_89 = tpu.memref_slice %arg10[%dma_start3A_87, %dma_start3A_88] : memref<10000x128xf32, #tpu.memory_space<vmem_shared>> -> memref<10000x128xf32, #tpu.memory_space<vmem_shared>>
        tpu.enqueue_indirect_dma source(%arg8 : memref<125x128xf32, #tpu.memory_space<vmem>>) target(%dma_start3A_89 : memref<10000x128xf32, #tpu.memory_space<vmem_shared>>) offsets(%dma_start3A_86 : memref<125xi32, #tpu.memory_space<vmem>>) semaphore(%arg13 : memref<!tpu.dma_semaphore, #tpu.memory_space<semaphore_mem>>) {add = true}
        %add3A_90 = arith.constant 1 : i32
        %add3A_91 = arith.addi %mul3A_64, %add3A_90 : i32
        %dma_wait3A_92 = arith.constant 0 : i32
        %dma_wait3A_93 = tpu.memref_slice %arg6[%add3A_91, %dma_wait3A_92] : memref<16x125xi32, #tpu.memory_space<vmem>> -> memref<1x125xi32, #tpu.memory_space<vmem>>
        %dma_wait3A_94 = tpu.memref_squeeze %dma_wait3A_93 : memref<1x125xi32, #tpu.memory_space<vmem>> -> memref<125xi32, #tpu.memory_space<vmem>>
        %dma_wait3A_95 = arith.constant 0 : i32
        %dma_wait3A_96 = arith.constant 0 : i32
        %dma_wait3A_97 = tpu.memref_slice %arg2[%dma_wait3A_95, %dma_wait3A_96] : memref<10000x128xf32, #tpu.memory_space<hbm>> -> memref<10000x128xf32, #tpu.memory_space<hbm>>
        tpu.wait_indirect_dma semaphore(%arg12 : memref<!tpu.dma_semaphore, #tpu.memory_space<semaphore_mem>>) src(%dma_wait3A_97 : memref<10000x128xf32, #tpu.memory_space<hbm>>) dst(%arg9 : memref<125x128xf32, #tpu.memory_space<vmem>>)
        %add3A_98 = arith.constant 2 : i32
        %add3A_99 = arith.addi %mul3A_64, %add3A_98 : i32
        %lt3A_100 = arith.constant 16 : i32
        %lt3A_101 = arith.cmpi slt, %add3A_99, %lt3A_100 : i32
        %convert_element_type3A_102 = arith.extui %lt3A_101 : i1 to i32
        %cond3A_103 = arith.constant 0 : i32
        %cond3A_104 = arith.cmpi ne, %convert_element_type3A_102, %cond3A_103 : i32
        scf.if %cond3A_104 {
          %dma_wait3A_113 = arith.constant 0 : i32
          %dma_wait3A_114 = arith.constant 0 : i32
          %dma_wait3A_115 = tpu.memref_slice %arg7[%dma_wait3A_113, %dma_wait3A_114] : memref<16x125xi32, #tpu.memory_space<vmem>> -> memref<1x125xi32, #tpu.memory_space<vmem>>
          %dma_wait3A_116 = tpu.memref_squeeze %dma_wait3A_115 : memref<1x125xi32, #tpu.memory_space<vmem>> -> memref<125xi32, #tpu.memory_space<vmem>>
          %dma_wait3A_117 = arith.constant 0 : i32
          %dma_wait3A_118 = arith.constant 0 : i32
          %dma_wait3A_119 = tpu.memref_slice %arg10[%dma_wait3A_117, %dma_wait3A_118] : memref<10000x128xf32, #tpu.memory_space<vmem_shared>> -> memref<10000x128xf32, #tpu.memory_space<vmem_shared>>
          tpu.wait_indirect_dma semaphore(%arg13 : memref<!tpu.dma_semaphore, #tpu.memory_space<semaphore_mem>>) src(%arg8 : memref<125x128xf32, #tpu.memory_space<vmem>>) dst(%dma_wait3A_119 : memref<10000x128xf32, #tpu.memory_space<vmem_shared>>)
          %add3A_120 = arith.constant 2 : i32
          %add3A_121 = arith.addi %mul3A_64, %add3A_120 : i32
          %dma_start3A_122 = arith.constant 0 : i32
          %dma_start3A_123 = tpu.memref_slice %arg6[%add3A_121, %dma_start3A_122] : memref<16x125xi32, #tpu.memory_space<vmem>> -> memref<1x125xi32, #tpu.memory_space<vmem>>
          %dma_start3A_124 = tpu.memref_squeeze %dma_start3A_123 : memref<1x125xi32, #tpu.memory_space<vmem>> -> memref<125xi32, #tpu.memory_space<vmem>>
          %dma_start3A_125 = arith.constant 0 : i32
          %dma_start3A_126 = arith.constant 0 : i32
          %dma_start3A_127 = tpu.memref_slice %arg2[%dma_start3A_125, %dma_start3A_126] : memref<10000x128xf32, #tpu.memory_space<hbm>> -> memref<10000x128xf32, #tpu.memory_space<hbm>>
          tpu.enqueue_indirect_dma source(%dma_start3A_127 : memref<10000x128xf32, #tpu.memory_space<hbm>>) target(%arg8 : memref<125x128xf32, #tpu.memory_space<vmem>>) offsets(%dma_start3A_124 : memref<125xi32, #tpu.memory_space<vmem>>) semaphore(%arg11 : memref<!tpu.dma_semaphore, #tpu.memory_space<semaphore_mem>>)
        } else {
        }
        %add3A_105 = arith.constant 1 : i32
        %add3A_106 = arith.addi %mul3A_64, %add3A_105 : i32
        %dma_start3A_107 = arith.constant 0 : i32
        %dma_start3A_108 = tpu.memref_slice %arg7[%add3A_106, %dma_start3A_107] : memref<16x125xi32, #tpu.memory_space<vmem>> -> memref<1x125xi32, #tpu.memory_space<vmem>>
        %dma_start3A_109 = tpu.memref_squeeze %dma_start3A_108 : memref<1x125xi32, #tpu.memory_space<vmem>> -> memref<125xi32, #tpu.memory_space<vmem>>
        %dma_start3A_110 = arith.constant 0 : i32
        %dma_start3A_111 = arith.constant 0 : i32
        %dma_start3A_112 = tpu.memref_slice %arg10[%dma_start3A_110, %dma_start3A_111] : memref<10000x128xf32, #tpu.memory_space<vmem_shared>> -> memref<10000x128xf32, #tpu.memory_space<vmem_shared>>
        tpu.enqueue_indirect_dma source(%arg9 : memref<125x128xf32, #tpu.memory_space<vmem>>) target(%dma_start3A_112 : memref<10000x128xf32, #tpu.memory_space<vmem_shared>>) offsets(%dma_start3A_109 : memref<125xi32, #tpu.memory_space<vmem>>) semaphore(%arg14 : memref<!tpu.dma_semaphore, #tpu.memory_space<semaphore_mem>>) {add = true}
      }
      %scan3A_61 = arith.constant 8 : i32
    }
    %scan3A_24 = arith.constant 5 : i32
    %dma_wait3A = arith.constant 0 : i32
    %dma_wait3A_25 = arith.constant 0 : i32
    %dma_wait3A_26 = tpu.memref_slice %arg7[%dma_wait3A, %dma_wait3A_25] : memref<16x125xi32, #tpu.memory_space<vmem>> -> memref<1x125xi32, #tpu.memory_space<vmem>>
    %dma_wait3A_27 = tpu.memref_squeeze %dma_wait3A_26 : memref<1x125xi32, #tpu.memory_space<vmem>> -> memref<125xi32, #tpu.memory_space<vmem>>
    %dma_wait3A_28 = arith.constant 0 : i32
    %dma_wait3A_29 = arith.constant 0 : i32
    %dma_wait3A_30 = tpu.memref_slice %arg10[%dma_wait3A_28, %dma_wait3A_29] : memref<10000x128xf32, #tpu.memory_space<vmem_shared>> -> memref<10000x128xf32, #tpu.memory_space<vmem_shared>>
    tpu.wait_indirect_dma semaphore(%arg13 : memref<!tpu.dma_semaphore, #tpu.memory_space<semaphore_mem>>) src(%arg8 : memref<125x128xf32, #tpu.memory_space<vmem>>) dst(%dma_wait3A_30 : memref<10000x128xf32, #tpu.memory_space<vmem_shared>>)
    %dma_wait3A_31 = arith.constant 0 : i32
    %dma_wait3A_32 = arith.constant 0 : i32
    %dma_wait3A_33 = tpu.memref_slice %arg7[%dma_wait3A_31, %dma_wait3A_32] : memref<16x125xi32, #tpu.memory_space<vmem>> -> memref<1x125xi32, #tpu.memory_space<vmem>>
    %dma_wait3A_34 = tpu.memref_squeeze %dma_wait3A_33 : memref<1x125xi32, #tpu.memory_space<vmem>> -> memref<125xi32, #tpu.memory_space<vmem>>
    %dma_wait3A_35 = arith.constant 0 : i32
    %dma_wait3A_36 = arith.constant 0 : i32
    %dma_wait3A_37 = tpu.memref_slice %arg10[%dma_wait3A_35, %dma_wait3A_36] : memref<10000x128xf32, #tpu.memory_space<vmem_shared>> -> memref<10000x128xf32, #tpu.memory_space<vmem_shared>>
    tpu.wait_indirect_dma semaphore(%arg14 : memref<!tpu.dma_semaphore, #tpu.memory_space<semaphore_mem>>) src(%arg9 : memref<125x128xf32, #tpu.memory_space<vmem>>) dst(%dma_wait3A_37 : memref<10000x128xf32, #tpu.memory_space<vmem_shared>>)
    %barrier3A_38 = arith.constant 0 : index
    tpu.barrier barrier_id(%barrier3A_38)
    %lt3A = arith.constant 10 : i32
    %lt3A_39 = arith.cmpi slt, %arg1, %lt3A : i32
    %convert_element_type3A = arith.extui %lt3A_39 : i1 to i32
    %cond3A = arith.constant 0 : i32
    %cond3A_40 = arith.cmpi ne, %convert_element_type3A, %cond3A : i32
    scf.if %cond3A_40 {
      %mul3A_41 = arith.constant 1000 : i32
      %mul3A_42 = arith.muli %arg1, %mul3A_41 : i32
      "tpu.region"() ({
        %run_scoped3A = tpu.sem_alloc : memref<!tpu.dma_semaphore, #tpu.memory_space<semaphore_mem>>
        %dma_start3A = arith.constant 0 : i32
        %dma_start3A_43 = tpu.memref_slice %arg5[%arg0, %mul3A_42, %dma_start3A] : memref<2x10000x128xf32, #tpu.memory_space<hbm>> -> memref<1x1000x128xf32, #tpu.memory_space<hbm>>
        %dma_start3A_44 = tpu.memref_squeeze %dma_start3A_43 : memref<1x1000x128xf32, #tpu.memory_space<hbm>> -> memref<1000x128xf32, #tpu.memory_space<hbm>>
        %dma_start3A_45 = arith.constant 0 : i32
        %dma_start3A_46 = tpu.memref_slice %arg10[%mul3A_42, %dma_start3A_45] : memref<10000x128xf32, #tpu.memory_space<vmem_shared>> -> memref<1000x128xf32, #tpu.memory_space<vmem_shared>>
        tpu.enqueue_dma source(%dma_start3A_46 : memref<1000x128xf32, #tpu.memory_space<vmem_shared>>) target(%dma_start3A_44 : memref<1000x128xf32, #tpu.memory_space<hbm>>) target_semaphore(%run_scoped3A : memref<!tpu.dma_semaphore, #tpu.memory_space<semaphore_mem>>)
        %dma_wait3A_47 = arith.constant 0 : i32
        %dma_wait3A_48 = tpu.memref_slice %arg5[%arg0, %mul3A_42, %dma_wait3A_47] : memref<2x10000x128xf32, #tpu.memory_space<hbm>> -> memref<1x1000x128xf32, #tpu.memory_space<hbm>>
        %dma_wait3A_49 = tpu.memref_squeeze %dma_wait3A_48 : memref<1x1000x128xf32, #tpu.memory_space<hbm>> -> memref<1000x128xf32, #tpu.memory_space<hbm>>
        %dma_wait3A_50 = arith.constant 0 : i32
        %dma_wait3A_51 = tpu.memref_slice %arg10[%mul3A_42, %dma_wait3A_50] : memref<10000x128xf32, #tpu.memory_space<vmem_shared>> -> memref<1000x128xf32, #tpu.memory_space<vmem_shared>>
        tpu.wait_dma2 semaphore(%run_scoped3A : memref<!tpu.dma_semaphore, #tpu.memory_space<semaphore_mem>>) src(%dma_wait3A_51 : memref<1000x128xf32, #tpu.memory_space<vmem_shared>>) dst(%dma_wait3A_49 : memref<1000x128xf32, #tpu.memory_space<hbm>>)
        tpu.yield
      }) : () -> ()
    } else {
    }
    return
  }
}

#map = affine_map<(d0, d1) -> (0, 0, 0)>
module attributes {stable_mosaic.version = 14 : i64} {
  func.func @_sc_deg_body(%arg0: i32, %arg1: i32, %arg2: memref<32x80x125xi32, #tpu.memory_space<hbm>>, %arg3: memref<2x10000x16xf32, #tpu.memory_space<hbm>>, %arg4: memref<80x125xi32, #tpu.memory_space<vmem>>, %arg5: memref<125x16xf32, #tpu.memory_space<vmem>>, %arg6: memref<10000x16xf32, #tpu.memory_space<vmem_shared>>, %arg7: memref<!tpu.dma_semaphore, #tpu.memory_space<semaphore_mem>>) attributes {dimension_semantics = [#tpu.dimension_semantics<core_parallel>, #tpu.dimension_semantics<subcore_parallel>], iteration_bounds = array<i64: 2, 16>, scalar_prefetch = 0 : i64, scratch_operands = 4 : i64, tpu.core_type = #tpu.core_type<sc_vector_subcore>, window_params = [{transform_indices = #map}, {transform_indices = #map}]} {
    %mul3A = arith.constant 16 : i32
    %mul3A_0 = arith.muli %arg0, %mul3A : i32
    %add3A = arith.addi %mul3A_0, %arg1 : i32
    %mul3A_1 = arith.constant 625 : i32
    %mul3A_2 = arith.muli %arg1, %mul3A_1 : i32
    %broadcast_in_dim3A = arith.constant 0.000000e+00 : f32
    %broadcast_in_dim3A_3 = vector.broadcast %broadcast_in_dim3A : f32 to vector<16xf32>
    %scan3A = arith.constant 0 : i32
    %scan3A_4 = arith.constant 0 : i32
    %scan3A_5 = arith.constant 125 : i32
    %scan3A_6 = arith.addi %scan3A_4, %scan3A_5 : i32
    %scan3A_7 = arith.constant 1 : i32
    scf.for %scan3A_91 = %scan3A_4 to %scan3A_6 step %scan3A_7  : i32 {
      %swap3A = arith.index_cast %scan3A_91 : i32 to index
      %swap3A_92 = arith.constant 0 : index
      %swap3A_93 = tpu.vector_load %arg5[%swap3A, %swap3A_92] {strides = array<i32>} : memref<125x16xf32, #tpu.memory_space<vmem>>, vector<1x16xf32>,
      %swap3A_94 = vector.shape_cast %swap3A_93 : vector<1x16xf32> to vector<16xf32>
      %swap3A_95 = vector.shape_cast %broadcast_in_dim3A_3 : vector<16xf32> to vector<1x16xf32>
      tpu.vector_store %arg5[%swap3A, %swap3A_92], %swap3A_95 {strides = array<i32>} : memref<125x16xf32, #tpu.memory_space<vmem>>, vector<1x16xf32>,
    }
    %scan3A_8 = arith.constant 125 : i32
    %add3A_9 = arith.constant 0 : i32
    %add3A_10 = arith.addi %mul3A_2, %add3A_9 : i32
    "tpu.region"() ({
      %run_scoped3A = tpu.sem_alloc : memref<!tpu.dma_semaphore, #tpu.memory_space<semaphore_mem>>
      %dma_start3A = arith.constant 0 : i32
      %dma_start3A_91 = tpu.memref_slice %arg6[%add3A_10, %dma_start3A] : memref<10000x16xf32, #tpu.memory_space<vmem_shared>> -> memref<125x16xf32, #tpu.memory_space<vmem_shared>>
      %dma_start3A_92 = arith.constant 0 : i32
      %dma_start3A_93 = tpu.memref_slice %arg6[%add3A_10, %dma_start3A_92] : memref<10000x16xf32, #tpu.memory_space<vmem_shared>> -> memref<125x16xf32, #tpu.memory_space<vmem_shared>>
      tpu.enqueue_dma source(%arg5 : memref<125x16xf32, #tpu.memory_space<vmem>>) target(%dma_start3A_93 : memref<125x16xf32, #tpu.memory_space<vmem_shared>>) target_semaphore(%run_scoped3A : memref<!tpu.dma_semaphore, #tpu.memory_space<semaphore_mem>>)
      %dma_wait3A_94 = arith.constant 0 : i32
      %dma_wait3A_95 = tpu.memref_slice %arg6[%add3A_10, %dma_wait3A_94] : memref<10000x16xf32, #tpu.memory_space<vmem_shared>> -> memref<125x16xf32, #tpu.memory_space<vmem_shared>>
      %dma_wait3A_96 = arith.constant 0 : i32
      %dma_wait3A_97 = tpu.memref_slice %arg6[%add3A_10, %dma_wait3A_96] : memref<10000x16xf32, #tpu.memory_space<vmem_shared>> -> memref<125x16xf32, #tpu.memory_space<vmem_shared>>
      tpu.wait_dma2 semaphore(%run_scoped3A : memref<!tpu.dma_semaphore, #tpu.memory_space<semaphore_mem>>) src(%arg5 : memref<125x16xf32, #tpu.memory_space<vmem>>) dst(%dma_wait3A_97 : memref<125x16xf32, #tpu.memory_space<vmem_shared>>)
      tpu.yield
    }) : () -> ()
    %add3A_11 = arith.constant 125 : i32
    %add3A_12 = arith.addi %mul3A_2, %add3A_11 : i32
    "tpu.region"() ({
      %run_scoped3A = tpu.sem_alloc : memref<!tpu.dma_semaphore, #tpu.memory_space<semaphore_mem>>
      %dma_start3A = arith.constant 0 : i32
      %dma_start3A_91 = tpu.memref_slice %arg6[%add3A_12, %dma_start3A] : memref<10000x16xf32, #tpu.memory_space<vmem_shared>> -> memref<125x16xf32, #tpu.memory_space<vmem_shared>>
      %dma_start3A_92 = arith.constant 0 : i32
      %dma_start3A_93 = tpu.memref_slice %arg6[%add3A_12, %dma_start3A_92] : memref<10000x16xf32, #tpu.memory_space<vmem_shared>> -> memref<125x16xf32, #tpu.memory_space<vmem_shared>>
      tpu.enqueue_dma source(%arg5 : memref<125x16xf32, #tpu.memory_space<vmem>>) target(%dma_start3A_93 : memref<125x16xf32, #tpu.memory_space<vmem_shared>>) target_semaphore(%run_scoped3A : memref<!tpu.dma_semaphore, #tpu.memory_space<semaphore_mem>>)
      %dma_wait3A_94 = arith.constant 0 : i32
      %dma_wait3A_95 = tpu.memref_slice %arg6[%add3A_12, %dma_wait3A_94] : memref<10000x16xf32, #tpu.memory_space<vmem_shared>> -> memref<125x16xf32, #tpu.memory_space<vmem_shared>>
      %dma_wait3A_96 = arith.constant 0 : i32
      %dma_wait3A_97 = tpu.memref_slice %arg6[%add3A_12, %dma_wait3A_96] : memref<10000x16xf32, #tpu.memory_space<vmem_shared>> -> memref<125x16xf32, #tpu.memory_space<vmem_shared>>
      tpu.wait_dma2 semaphore(%run_scoped3A : memref<!tpu.dma_semaphore, #tpu.memory_space<semaphore_mem>>) src(%arg5 : memref<125x16xf32, #tpu.memory_space<vmem>>) dst(%dma_wait3A_97 : memref<125x16xf32, #tpu.memory_space<vmem_shared>>)
      tpu.yield
    }) : () -> ()
    %add3A_13 = arith.constant 250 : i32
    %add3A_14 = arith.addi %mul3A_2, %add3A_13 : i32
    "tpu.region"() ({
      %run_scoped3A = tpu.sem_alloc : memref<!tpu.dma_semaphore, #tpu.memory_space<semaphore_mem>>
      %dma_start3A = arith.constant 0 : i32
      %dma_start3A_91 = tpu.memref_slice %arg6[%add3A_14, %dma_start3A] : memref<10000x16xf32, #tpu.memory_space<vmem_shared>> -> memref<125x16xf32, #tpu.memory_space<vmem_shared>>
      %dma_start3A_92 = arith.constant 0 : i32
      %dma_start3A_93 = tpu.memref_slice %arg6[%add3A_14, %dma_start3A_92] : memref<10000x16xf32, #tpu.memory_space<vmem_shared>> -> memref<125x16xf32, #tpu.memory_space<vmem_shared>>
      tpu.enqueue_dma source(%arg5 : memref<125x16xf32, #tpu.memory_space<vmem>>) target(%dma_start3A_93 : memref<125x16xf32, #tpu.memory_space<vmem_shared>>) target_semaphore(%run_scoped3A : memref<!tpu.dma_semaphore, #tpu.memory_space<semaphore_mem>>)
      %dma_wait3A_94 = arith.constant 0 : i32
      %dma_wait3A_95 = tpu.memref_slice %arg6[%add3A_14, %dma_wait3A_94] : memref<10000x16xf32, #tpu.memory_space<vmem_shared>> -> memref<125x16xf32, #tpu.memory_space<vmem_shared>>
      %dma_wait3A_96 = arith.constant 0 : i32
      %dma_wait3A_97 = tpu.memref_slice %arg6[%add3A_14, %dma_wait3A_96] : memref<10000x16xf32, #tpu.memory_space<vmem_shared>> -> memref<125x16xf32, #tpu.memory_space<vmem_shared>>
      tpu.wait_dma2 semaphore(%run_scoped3A : memref<!tpu.dma_semaphore, #tpu.memory_space<semaphore_mem>>) src(%arg5 : memref<125x16xf32, #tpu.memory_space<vmem>>) dst(%dma_wait3A_97 : memref<125x16xf32, #tpu.memory_space<vmem_shared>>)
      tpu.yield
    }) : () -> ()
    %add3A_15 = arith.constant 375 : i32
    %add3A_16 = arith.addi %mul3A_2, %add3A_15 : i32
    "tpu.region"() ({
      %run_scoped3A = tpu.sem_alloc : memref<!tpu.dma_semaphore, #tpu.memory_space<semaphore_mem>>
      %dma_start3A = arith.constant 0 : i32
      %dma_start3A_91 = tpu.memref_slice %arg6[%add3A_16, %dma_start3A] : memref<10000x16xf32, #tpu.memory_space<vmem_shared>> -> memref<125x16xf32, #tpu.memory_space<vmem_shared>>
      %dma_start3A_92 = arith.constant 0 : i32
      %dma_start3A_93 = tpu.memref_slice %arg6[%add3A_16, %dma_start3A_92] : memref<10000x16xf32, #tpu.memory_space<vmem_shared>> -> memref<125x16xf32, #tpu.memory_space<vmem_shared>>
      tpu.enqueue_dma source(%arg5 : memref<125x16xf32, #tpu.memory_space<vmem>>) target(%dma_start3A_93 : memref<125x16xf32, #tpu.memory_space<vmem_shared>>) target_semaphore(%run_scoped3A : memref<!tpu.dma_semaphore, #tpu.memory_space<semaphore_mem>>)
      %dma_wait3A_94 = arith.constant 0 : i32
      %dma_wait3A_95 = tpu.memref_slice %arg6[%add3A_16, %dma_wait3A_94] : memref<10000x16xf32, #tpu.memory_space<vmem_shared>> -> memref<125x16xf32, #tpu.memory_space<vmem_shared>>
      %dma_wait3A_96 = arith.constant 0 : i32
      %dma_wait3A_97 = tpu.memref_slice %arg6[%add3A_16, %dma_wait3A_96] : memref<10000x16xf32, #tpu.memory_space<vmem_shared>> -> memref<125x16xf32, #tpu.memory_space<vmem_shared>>
      tpu.wait_dma2 semaphore(%run_scoped3A : memref<!tpu.dma_semaphore, #tpu.memory_space<semaphore_mem>>) src(%arg5 : memref<125x16xf32, #tpu.memory_space<vmem>>) dst(%dma_wait3A_97 : memref<125x16xf32, #tpu.memory_space<vmem_shared>>)
      tpu.yield
    }) : () -> ()
    %add3A_17 = arith.constant 500 : i32
    %add3A_18 = arith.addi %mul3A_2, %add3A_17 : i32
    "tpu.region"() ({
      %run_scoped3A = tpu.sem_alloc : memref<!tpu.dma_semaphore, #tpu.memory_space<semaphore_mem>>
      %dma_start3A = arith.constant 0 : i32
      %dma_start3A_91 = tpu.memref_slice %arg6[%add3A_18, %dma_start3A] : memref<10000x16xf32, #tpu.memory_space<vmem_shared>> -> memref<125x16xf32, #tpu.memory_space<vmem_shared>>
      %dma_start3A_92 = arith.constant 0 : i32
      %dma_start3A_93 = tpu.memref_slice %arg6[%add3A_18, %dma_start3A_92] : memref<10000x16xf32, #tpu.memory_space<vmem_shared>> -> memref<125x16xf32, #tpu.memory_space<vmem_shared>>
      tpu.enqueue_dma source(%arg5 : memref<125x16xf32, #tpu.memory_space<vmem>>) target(%dma_start3A_93 : memref<125x16xf32, #tpu.memory_space<vmem_shared>>) target_semaphore(%run_scoped3A : memref<!tpu.dma_semaphore, #tpu.memory_space<semaphore_mem>>)
      %dma_wait3A_94 = arith.constant 0 : i32
      %dma_wait3A_95 = tpu.memref_slice %arg6[%add3A_18, %dma_wait3A_94] : memref<10000x16xf32, #tpu.memory_space<vmem_shared>> -> memref<125x16xf32, #tpu.memory_space<vmem_shared>>
      %dma_wait3A_96 = arith.constant 0 : i32
      %dma_wait3A_97 = tpu.memref_slice %arg6[%add3A_18, %dma_wait3A_96] : memref<10000x16xf32, #tpu.memory_space<vmem_shared>> -> memref<125x16xf32, #tpu.memory_space<vmem_shared>>
      tpu.wait_dma2 semaphore(%run_scoped3A : memref<!tpu.dma_semaphore, #tpu.memory_space<semaphore_mem>>) src(%arg5 : memref<125x16xf32, #tpu.memory_space<vmem>>) dst(%dma_wait3A_97 : memref<125x16xf32, #tpu.memory_space<vmem_shared>>)
      tpu.yield
    }) : () -> ()
    %broadcast_in_dim3A_19 = arith.constant 1.000000e+00 : f32
    %broadcast_in_dim3A_20 = vector.broadcast %broadcast_in_dim3A_19 : f32 to vector<16xf32>
    %scan3A_21 = arith.constant 0 : i32
    %scan3A_22 = arith.constant 0 : i32
    %scan3A_23 = arith.constant 125 : i32
    %scan3A_24 = arith.addi %scan3A_22, %scan3A_23 : i32
    %scan3A_25 = arith.constant 1 : i32
    scf.for %scan3A_91 = %scan3A_22 to %scan3A_24 step %scan3A_25  : i32 {
      %swap3A = arith.index_cast %scan3A_91 : i32 to index
      %swap3A_92 = arith.constant 0 : index
      %swap3A_93 = tpu.vector_load %arg5[%swap3A, %swap3A_92] {strides = array<i32>} : memref<125x16xf32, #tpu.memory_space<vmem>>, vector<1x16xf32>,
      %swap3A_94 = vector.shape_cast %swap3A_93 : vector<1x16xf32> to vector<16xf32>
      %swap3A_95 = vector.shape_cast %broadcast_in_dim3A_20 : vector<16xf32> to vector<1x16xf32>
      tpu.vector_store %arg5[%swap3A, %swap3A_92], %swap3A_95 {strides = array<i32>} : memref<125x16xf32, #tpu.memory_space<vmem>>, vector<1x16xf32>,
    }
    %scan3A_26 = arith.constant 125 : i32
    "tpu.region"() ({
      %run_scoped3A = tpu.sem_alloc : memref<!tpu.dma_semaphore, #tpu.memory_space<semaphore_mem>>
      %dma_start3A = arith.constant 0 : i32
      %dma_start3A_91 = arith.constant 0 : i32
      %dma_start3A_92 = tpu.memref_slice %arg2[%add3A, %dma_start3A, %dma_start3A_91] : memref<32x80x125xi32, #tpu.memory_space<hbm>> -> memref<1x80x125xi32, #tpu.memory_space<hbm>>
      %dma_start3A_93 = tpu.memref_squeeze %dma_start3A_92 : memref<1x80x125xi32, #tpu.memory_space<hbm>> -> memref<80x125xi32, #tpu.memory_space<hbm>>
      %dma_start3A_94 = arith.constant 0 : i32
      %dma_start3A_95 = arith.constant 0 : i32
      %dma_start3A_96 = tpu.memref_slice %arg2[%add3A, %dma_start3A_94, %dma_start3A_95] : memref<32x80x125xi32, #tpu.memory_space<hbm>> -> memref<1x80x125xi32, #tpu.memory_space<hbm>>
      %dma_start3A_97 = tpu.memref_squeeze %dma_start3A_96 : memref<1x80x125xi32, #tpu.memory_space<hbm>> -> memref<80x125xi32, #tpu.memory_space<hbm>>
      tpu.enqueue_dma source(%dma_start3A_97 : memref<80x125xi32, #tpu.memory_space<hbm>>) target(%arg4 : memref<80x125xi32, #tpu.memory_space<vmem>>) target_semaphore(%run_scoped3A : memref<!tpu.dma_semaphore, #tpu.memory_space<semaphore_mem>>)
      %dma_wait3A_98 = arith.constant 0 : i32
      %dma_wait3A_99 = arith.constant 0 : i32
      %dma_wait3A_100 = tpu.memref_slice %arg2[%add3A, %dma_wait3A_98, %dma_wait3A_99] : memref<32x80x125xi32, #tpu.memory_space<hbm>> -> memref<1x80x125xi32, #tpu.memory_space<hbm>>
      %dma_wait3A_101 = tpu.memref_squeeze %dma_wait3A_100 : memref<1x80x125xi32, #tpu.memory_space<hbm>> -> memref<80x125xi32, #tpu.memory_space<hbm>>
      %dma_wait3A_102 = arith.constant 0 : i32
      %dma_wait3A_103 = arith.constant 0 : i32
      %dma_wait3A_104 = tpu.memref_slice %arg2[%add3A, %dma_wait3A_102, %dma_wait3A_103] : memref<32x80x125xi32, #tpu.memory_space<hbm>> -> memref<1x80x125xi32, #tpu.memory_space<hbm>>
      %dma_wait3A_105 = tpu.memref_squeeze %dma_wait3A_104 : memref<1x80x125xi32, #tpu.memory_space<hbm>> -> memref<80x125xi32, #tpu.memory_space<hbm>>
      tpu.wait_dma2 semaphore(%run_scoped3A : memref<!tpu.dma_semaphore, #tpu.memory_space<semaphore_mem>>) src(%dma_wait3A_105 : memref<80x125xi32, #tpu.memory_space<hbm>>) dst(%arg4 : memref<80x125xi32, #tpu.memory_space<vmem>>)
      tpu.yield
    }) : () -> ()
    %barrier3A = arith.constant 0 : index
    tpu.barrier barrier_id(%barrier3A)
    %scan3A_27 = arith.constant 0 : i32
    %scan3A_28 = arith.constant 0 : i32
    %scan3A_29 = arith.constant 80 : i32
    %scan3A_30 = arith.addi %scan3A_28, %scan3A_29 : i32
    %scan3A_31 = arith.constant 1 : i32
    scf.for %scan3A_91 = %scan3A_28 to %scan3A_30 step %scan3A_31  : i32 {
      %dma_start3A = arith.constant 0 : i32
      %dma_start3A_92 = tpu.memref_slice %arg4[%scan3A_91, %dma_start3A] : memref<80x125xi32, #tpu.memory_space<vmem>> -> memref<1x125xi32, #tpu.memory_space<vmem>>
      %dma_start3A_93 = tpu.memref_squeeze %dma_start3A_92 : memref<1x125xi32, #tpu.memory_space<vmem>> -> memref<125xi32, #tpu.memory_space<vmem>>
      %dma_start3A_94 = arith.constant 0 : i32
      %dma_start3A_95 = arith.constant 0 : i32
      %dma_start3A_96 = tpu.memref_slice %arg6[%dma_start3A_94, %dma_start3A_95] : memref<10000x16xf32, #tpu.memory_space<vmem_shared>> -> memref<10000x16xf32, #tpu.memory_space<vmem_shared>>
      tpu.enqueue_indirect_dma source(%arg5 : memref<125x16xf32, #tpu.memory_space<vmem>>) target(%dma_start3A_96 : memref<10000x16xf32, #tpu.memory_space<vmem_shared>>) offsets(%dma_start3A_93 : memref<125xi32, #tpu.memory_space<vmem>>) semaphore(%arg7 : memref<!tpu.dma_semaphore, #tpu.memory_space<semaphore_mem>>) {add = true}
      %ge3A = arith.constant 8 : i32
      %ge3A_97 = arith.cmpi sge, %scan3A_91, %ge3A : i32
      %convert_element_type3A_98 = arith.extui %ge3A_97 : i1 to i32
      %cond3A_99 = arith.constant 0 : i32
      %cond3A_100 = arith.cmpi ne, %convert_element_type3A_98, %cond3A_99 : i32
      scf.if %cond3A_100 {
        %dma_wait3A_101 = arith.constant 0 : i32
        %dma_wait3A_102 = arith.constant 0 : i32
        %dma_wait3A_103 = tpu.memref_slice %arg4[%dma_wait3A_101, %dma_wait3A_102] : memref<80x125xi32, #tpu.memory_space<vmem>> -> memref<1x125xi32, #tpu.memory_space<vmem>>
        %dma_wait3A_104 = tpu.memref_squeeze %dma_wait3A_103 : memref<1x125xi32, #tpu.memory_space<vmem>> -> memref<125xi32, #tpu.memory_space<vmem>>
        %dma_wait3A_105 = arith.constant 0 : i32
        %dma_wait3A_106 = arith.constant 0 : i32
        %dma_wait3A_107 = tpu.memref_slice %arg6[%dma_wait3A_105, %dma_wait3A_106] : memref<10000x16xf32, #tpu.memory_space<vmem_shared>> -> memref<10000x16xf32, #tpu.memory_space<vmem_shared>>
        tpu.wait_indirect_dma semaphore(%arg7 : memref<!tpu.dma_semaphore, #tpu.memory_space<semaphore_mem>>) src(%arg5 : memref<125x16xf32, #tpu.memory_space<vmem>>) dst(%dma_wait3A_107 : memref<10000x16xf32, #tpu.memory_space<vmem_shared>>)
      } else {
      }
    }
    %scan3A_32 = arith.constant 80 : i32
    %dma_wait3A = arith.constant 0 : i32
    %dma_wait3A_33 = arith.constant 0 : i32
    %dma_wait3A_34 = tpu.memref_slice %arg4[%dma_wait3A, %dma_wait3A_33] : memref<80x125xi32, #tpu.memory_space<vmem>> -> memref<1x125xi32, #tpu.memory_space<vmem>>
    %dma_wait3A_35 = tpu.memref_squeeze %dma_wait3A_34 : memref<1x125xi32, #tpu.memory_space<vmem>> -> memref<125xi32, #tpu.memory_space<vmem>>
    %dma_wait3A_36 = arith.constant 0 : i32
    %dma_wait3A_37 = arith.constant 0 : i32
    %dma_wait3A_38 = tpu.memref_slice %arg6[%dma_wait3A_36, %dma_wait3A_37] : memref<10000x16xf32, #tpu.memory_space<vmem_shared>> -> memref<10000x16xf32, #tpu.memory_space<vmem_shared>>
    tpu.wait_indirect_dma semaphore(%arg7 : memref<!tpu.dma_semaphore, #tpu.memory_space<semaphore_mem>>) src(%arg5 : memref<125x16xf32, #tpu.memory_space<vmem>>) dst(%dma_wait3A_38 : memref<10000x16xf32, #tpu.memory_space<vmem_shared>>)
    %dma_wait3A_39 = arith.constant 0 : i32
    %dma_wait3A_40 = arith.constant 0 : i32
    %dma_wait3A_41 = tpu.memref_slice %arg4[%dma_wait3A_39, %dma_wait3A_40] : memref<80x125xi32, #tpu.memory_space<vmem>> -> memref<1x125xi32, #tpu.memory_space<vmem>>
    %dma_wait3A_42 = tpu.memref_squeeze %dma_wait3A_41 : memref<1x125xi32, #tpu.memory_space<vmem>> -> memref<125xi32, #tpu.memory_space<vmem>>
    %dma_wait3A_43 = arith.constant 0 : i32
    %dma_wait3A_44 = arith.constant 0 : i32
    %dma_wait3A_45 = tpu.memref_slice %arg6[%dma_wait3A_43, %dma_wait3A_44] : memref<10000x16xf32, #tpu.memory_space<vmem_shared>> -> memref<10000x16xf32, #tpu.memory_space<vmem_shared>>
    tpu.wait_indirect_dma semaphore(%arg7 : memref<!tpu.dma_semaphore, #tpu.memory_space<semaphore_mem>>) src(%arg5 : memref<125x16xf32, #tpu.memory_space<vmem>>) dst(%dma_wait3A_45 : memref<10000x16xf32, #tpu.memory_space<vmem_shared>>)
    %dma_wait3A_46 = arith.constant 0 : i32
    %dma_wait3A_47 = arith.constant 0 : i32
    %dma_wait3A_48 = tpu.memref_slice %arg4[%dma_wait3A_46, %dma_wait3A_47] : memref<80x125xi32, #tpu.memory_space<vmem>> -> memref<1x125xi32, #tpu.memory_space<vmem>>
    %dma_wait3A_49 = tpu.memref_squeeze %dma_wait3A_48 : memref<1x125xi32, #tpu.memory_space<vmem>> -> memref<125xi32, #tpu.memory_space<vmem>>
    %dma_wait3A_50 = arith.constant 0 : i32
    %dma_wait3A_51 = arith.constant 0 : i32
    %dma_wait3A_52 = tpu.memref_slice %arg6[%dma_wait3A_50, %dma_wait3A_51] : memref<10000x16xf32, #tpu.memory_space<vmem_shared>> -> memref<10000x16xf32, #tpu.memory_space<vmem_shared>>
    tpu.wait_indirect_dma semaphore(%arg7 : memref<!tpu.dma_semaphore, #tpu.memory_space<semaphore_mem>>) src(%arg5 : memref<125x16xf32, #tpu.memory_space<vmem>>) dst(%dma_wait3A_52 : memref<10000x16xf32, #tpu.memory_space<vmem_shared>>)
    %dma_wait3A_53 = arith.constant 0 : i32
    %dma_wait3A_54 = arith.constant 0 : i32
    %dma_wait3A_55 = tpu.memref_slice %arg4[%dma_wait3A_53, %dma_wait3A_54] : memref<80x125xi32, #tpu.memory_space<vmem>> -> memref<1x125xi32, #tpu.memory_space<vmem>>
    %dma_wait3A_56 = tpu.memref_squeeze %dma_wait3A_55 : memref<1x125xi32, #tpu.memory_space<vmem>> -> memref<125xi32, #tpu.memory_space<vmem>>
    %dma_wait3A_57 = arith.constant 0 : i32
    %dma_wait3A_58 = arith.constant 0 : i32
    %dma_wait3A_59 = tpu.memref_slice %arg6[%dma_wait3A_57, %dma_wait3A_58] : memref<10000x16xf32, #tpu.memory_space<vmem_shared>> -> memref<10000x16xf32, #tpu.memory_space<vmem_shared>>
    tpu.wait_indirect_dma semaphore(%arg7 : memref<!tpu.dma_semaphore, #tpu.memory_space<semaphore_mem>>) src(%arg5 : memref<125x16xf32, #tpu.memory_space<vmem>>) dst(%dma_wait3A_59 : memref<10000x16xf32, #tpu.memory_space<vmem_shared>>)
    %dma_wait3A_60 = arith.constant 0 : i32
    %dma_wait3A_61 = arith.constant 0 : i32
    %dma_wait3A_62 = tpu.memref_slice %arg4[%dma_wait3A_60, %dma_wait3A_61] : memref<80x125xi32, #tpu.memory_space<vmem>> -> memref<1x125xi32, #tpu.memory_space<vmem>>
    %dma_wait3A_63 = tpu.memref_squeeze %dma_wait3A_62 : memref<1x125xi32, #tpu.memory_space<vmem>> -> memref<125xi32, #tpu.memory_space<vmem>>
    %dma_wait3A_64 = arith.constant 0 : i32
    %dma_wait3A_65 = arith.constant 0 : i32
    %dma_wait3A_66 = tpu.memref_slice %arg6[%dma_wait3A_64, %dma_wait3A_65] : memref<10000x16xf32, #tpu.memory_space<vmem_shared>> -> memref<10000x16xf32, #tpu.memory_space<vmem_shared>>
    tpu.wait_indirect_dma semaphore(%arg7 : memref<!tpu.dma_semaphore, #tpu.memory_space<semaphore_mem>>) src(%arg5 : memref<125x16xf32, #tpu.memory_space<vmem>>) dst(%dma_wait3A_66 : memref<10000x16xf32, #tpu.memory_space<vmem_shared>>)
    %dma_wait3A_67 = arith.constant 0 : i32
    %dma_wait3A_68 = arith.constant 0 : i32
    %dma_wait3A_69 = tpu.memref_slice %arg4[%dma_wait3A_67, %dma_wait3A_68] : memref<80x125xi32, #tpu.memory_space<vmem>> -> memref<1x125xi32, #tpu.memory_space<vmem>>
    %dma_wait3A_70 = tpu.memref_squeeze %dma_wait3A_69 : memref<1x125xi32, #tpu.memory_space<vmem>> -> memref<125xi32, #tpu.memory_space<vmem>>
    %dma_wait3A_71 = arith.constant 0 : i32
    %dma_wait3A_72 = arith.constant 0 : i32
    %dma_wait3A_73 = tpu.memref_slice %arg6[%dma_wait3A_71, %dma_wait3A_72] : memref<10000x16xf32, #tpu.memory_space<vmem_shared>> -> memref<10000x16xf32, #tpu.memory_space<vmem_shared>>
    tpu.wait_indirect_dma semaphore(%arg7 : memref<!tpu.dma_semaphore, #tpu.memory_space<semaphore_mem>>) src(%arg5 : memref<125x16xf32, #tpu.memory_space<vmem>>) dst(%dma_wait3A_73 : memref<10000x16xf32, #tpu.memory_space<vmem_shared>>)
    %dma_wait3A_74 = arith.constant 0 : i32
    %dma_wait3A_75 = arith.constant 0 : i32
    %dma_wait3A_76 = tpu.memref_slice %arg4[%dma_wait3A_74, %dma_wait3A_75] : memref<80x125xi32, #tpu.memory_space<vmem>> -> memref<1x125xi32, #tpu.memory_space<vmem>>
    %dma_wait3A_77 = tpu.memref_squeeze %dma_wait3A_76 : memref<1x125xi32, #tpu.memory_space<vmem>> -> memref<125xi32, #tpu.memory_space<vmem>>
    %dma_wait3A_78 = arith.constant 0 : i32
    %dma_wait3A_79 = arith.constant 0 : i32
    %dma_wait3A_80 = tpu.memref_slice %arg6[%dma_wait3A_78, %dma_wait3A_79] : memref<10000x16xf32, #tpu.memory_space<vmem_shared>> -> memref<10000x16xf32, #tpu.memory_space<vmem_shared>>
    tpu.wait_indirect_dma semaphore(%arg7 : memref<!tpu.dma_semaphore, #tpu.memory_space<semaphore_mem>>) src(%arg5 : memref<125x16xf32, #tpu.memory_space<vmem>>) dst(%dma_wait3A_80 : memref<10000x16xf32, #tpu.memory_space<vmem_shared>>)
    %dma_wait3A_81 = arith.constant 0 : i32
    %dma_wait3A_82 = arith.constant 0 : i32
    %dma_wait3A_83 = tpu.memref_slice %arg4[%dma_wait3A_81, %dma_wait3A_82] : memref<80x125xi32, #tpu.memory_space<vmem>> -> memref<1x125xi32, #tpu.memory_space<vmem>>
    %dma_wait3A_84 = tpu.memref_squeeze %dma_wait3A_83 : memref<1x125xi32, #tpu.memory_space<vmem>> -> memref<125xi32, #tpu.memory_space<vmem>>
    %dma_wait3A_85 = arith.constant 0 : i32
    %dma_wait3A_86 = arith.constant 0 : i32
    %dma_wait3A_87 = tpu.memref_slice %arg6[%dma_wait3A_85, %dma_wait3A_86] : memref<10000x16xf32, #tpu.memory_space<vmem_shared>> -> memref<10000x16xf32, #tpu.memory_space<vmem_shared>>
    tpu.wait_indirect_dma semaphore(%arg7 : memref<!tpu.dma_semaphore, #tpu.memory_space<semaphore_mem>>) src(%arg5 : memref<125x16xf32, #tpu.memory_space<vmem>>) dst(%dma_wait3A_87 : memref<10000x16xf32, #tpu.memory_space<vmem_shared>>)
    %barrier3A_88 = arith.constant 0 : index
    tpu.barrier barrier_id(%barrier3A_88)
    %lt3A = arith.constant 10 : i32
    %lt3A_89 = arith.cmpi slt, %arg1, %lt3A : i32
    %convert_element_type3A = arith.extui %lt3A_89 : i1 to i32
    %cond3A = arith.constant 0 : i32
    %cond3A_90 = arith.cmpi ne, %convert_element_type3A, %cond3A : i32
    scf.if %cond3A_90 {
      %mul3A_91 = arith.constant 1000 : i32
      %mul3A_92 = arith.muli %arg1, %mul3A_91 : i32
      "tpu.region"() ({
        %run_scoped3A = tpu.sem_alloc : memref<!tpu.dma_semaphore, #tpu.memory_space<semaphore_mem>>
        %dma_start3A = arith.constant 0 : i32
        %dma_start3A_93 = tpu.memref_slice %arg3[%arg0, %mul3A_92, %dma_start3A] : memref<2x10000x16xf32, #tpu.memory_space<hbm>> -> memref<1x1000x16xf32, #tpu.memory_space<hbm>>
        %dma_start3A_94 = tpu.memref_squeeze %dma_start3A_93 : memref<1x1000x16xf32, #tpu.memory_space<hbm>> -> memref<1000x16xf32, #tpu.memory_space<hbm>>
        %dma_start3A_95 = arith.constant 0 : i32
        %dma_start3A_96 = tpu.memref_slice %arg6[%mul3A_92, %dma_start3A_95] : memref<10000x16xf32, #tpu.memory_space<vmem_shared>> -> memref<1000x16xf32, #tpu.memory_space<vmem_shared>>
        tpu.enqueue_dma source(%dma_start3A_96 : memref<1000x16xf32, #tpu.memory_space<vmem_shared>>) target(%dma_start3A_94 : memref<1000x16xf32, #tpu.memory_space<hbm>>) target_semaphore(%run_scoped3A : memref<!tpu.dma_semaphore, #tpu.memory_space<semaphore_mem>>)
        %dma_wait3A_97 = arith.constant 0 : i32
        %dma_wait3A_98 = tpu.memref_slice %arg3[%arg0, %mul3A_92, %dma_wait3A_97] : memref<2x10000x16xf32, #tpu.memory_space<hbm>> -> memref<1x1000x16xf32, #tpu.memory_space<hbm>>
        %dma_wait3A_99 = tpu.memref_squeeze %dma_wait3A_98 : memref<1x1000x16xf32, #tpu.memory_space<hbm>> -> memref<1000x16xf32, #tpu.memory_space<hbm>>
        %dma_wait3A_100 = arith.constant 0 : i32
        %dma_wait3A_101 = tpu.memref_slice %arg6[%mul3A_92, %dma_wait3A_100] : memref<10000x16xf32, #tpu.memory_space<vmem_shared>> -> memref<1000x16xf32, #tpu.memory_space<vmem_shared>>
        tpu.wait_dma2 semaphore(%run_scoped3A : memref<!tpu.dma_semaphore, #tpu.memory_space<semaphore_mem>>) src(%dma_wait3A_101 : memref<1000x16xf32, #tpu.memory_space<vmem_shared>>) dst(%dma_wait3A_99 : memref<1000x16xf32, #tpu.memory_space<hbm>>)
        tpu.yield
      }) : () -> ()
    } else {
    }
    return
  }
}

#map = affine_map<(d0, d1) -> (0, 0)>
#map1 = affine_map<(d0, d1) -> (0, 0, 0)>
module attributes {stable_mosaic.version = 14 : i64} {
  func.func @_sc_agg_body(%arg0: i32, %arg1: i32, %arg2: memref<10000x64xf32, #tpu.memory_space<hbm>>, %arg3: memref<32x80x125xi32, #tpu.memory_space<hbm>>, %arg4: memref<32x80x125xi32, #tpu.memory_space<hbm>>, %arg5: memref<2x10000x64xf32, #tpu.memory_space<hbm>>, %arg6: memref<16x125xi32, #tpu.memory_space<vmem>>, %arg7: memref<16x125xi32, #tpu.memory_space<vmem>>, %arg8: memref<125x64xf32, #tpu.memory_space<vmem>>, %arg9: memref<125x64xf32, #tpu.memory_space<vmem>>, %arg10: memref<10000x64xf32, #tpu.memory_space<vmem_shared>>, %arg11: memref<!tpu.dma_semaphore, #tpu.memory_space<semaphore_mem>>, %arg12: memref<!tpu.dma_semaphore, #tpu.memory_space<semaphore_mem>>, %arg13: memref<!tpu.dma_semaphore, #tpu.memory_space<semaphore_mem>>, %arg14: memref<!tpu.dma_semaphore, #tpu.memory_space<semaphore_mem>>) attributes {dimension_semantics = [#tpu.dimension_semantics<core_parallel>, #tpu.dimension_semantics<subcore_parallel>], iteration_bounds = array<i64: 2, 16>, scalar_prefetch = 0 : i64, scratch_operands = 9 : i64, tpu.core_type = #tpu.core_type<sc_vector_subcore>, window_params = [{transform_indices = #map}, {transform_indices = #map1}, {transform_indices = #map1}, {transform_indices = #map1}]} {
    %mul3A = arith.constant 16 : i32
    %mul3A_0 = arith.muli %arg0, %mul3A : i32
    %add3A = arith.addi %mul3A_0, %arg1 : i32
    %mul3A_1 = arith.constant 625 : i32
    %mul3A_2 = arith.muli %arg1, %mul3A_1 : i32
    %broadcast_in_dim3A = arith.constant 0.000000e+00 : f32
    %broadcast_in_dim3A_3 = vector.broadcast %broadcast_in_dim3A : f32 to vector<16xf32>
    %scan3A = arith.constant 0 : i32
    %scan3A_4 = arith.constant 0 : i32
    %scan3A_5 = arith.constant 125 : i32
    %scan3A_6 = arith.addi %scan3A_4, %scan3A_5 : i32
    %scan3A_7 = arith.constant 1 : i32
    scf.for %scan3A_41 = %scan3A_4 to %scan3A_6 step %scan3A_7  : i32 {
      %swap3A = arith.index_cast %scan3A_41 : i32 to index
      %swap3A_42 = arith.constant 0 : index
      %swap3A_43 = tpu.vector_load %arg8[%swap3A, %swap3A_42] {strides = array<i32>} : memref<125x64xf32, #tpu.memory_space<vmem>>, vector<1x16xf32>,
      %swap3A_44 = vector.shape_cast %swap3A_43 : vector<1x16xf32> to vector<16xf32>
      %swap3A_45 = vector.shape_cast %broadcast_in_dim3A_3 : vector<16xf32> to vector<1x16xf32>
      tpu.vector_store %arg8[%swap3A, %swap3A_42], %swap3A_45 {strides = array<i32>} : memref<125x64xf32, #tpu.memory_space<vmem>>, vector<1x16xf32>,
      %swap3A_46 = arith.index_cast %scan3A_41 : i32 to index
      %swap3A_47 = arith.constant 16 : index
      %swap3A_48 = tpu.vector_load %arg8[%swap3A_46, %swap3A_47] {strides = array<i32>} : memref<125x64xf32, #tpu.memory_space<vmem>>, vector<1x16xf32>,
      %swap3A_49 = vector.shape_cast %swap3A_48 : vector<1x16xf32> to vector<16xf32>
      %swap3A_50 = vector.shape_cast %broadcast_in_dim3A_3 : vector<16xf32> to vector<1x16xf32>
      tpu.vector_store %arg8[%swap3A_46, %swap3A_47], %swap3A_50 {strides = array<i32>} : memref<125x64xf32, #tpu.memory_space<vmem>>, vector<1x16xf32>,
      %swap3A_51 = arith.index_cast %scan3A_41 : i32 to index
      %swap3A_52 = arith.constant 32 : index
      %swap3A_53 = tpu.vector_load %arg8[%swap3A_51, %swap3A_52] {strides = array<i32>} : memref<125x64xf32, #tpu.memory_space<vmem>>, vector<1x16xf32>,
      %swap3A_54 = vector.shape_cast %swap3A_53 : vector<1x16xf32> to vector<16xf32>
      %swap3A_55 = vector.shape_cast %broadcast_in_dim3A_3 : vector<16xf32> to vector<1x16xf32>
      tpu.vector_store %arg8[%swap3A_51, %swap3A_52], %swap3A_55 {strides = array<i32>} : memref<125x64xf32, #tpu.memory_space<vmem>>, vector<1x16xf32>,
      %swap3A_56 = arith.index_cast %scan3A_41 : i32 to index
      %swap3A_57 = arith.constant 48 : index
      %swap3A_58 = tpu.vector_load %arg8[%swap3A_56, %swap3A_57] {strides = array<i32>} : memref<125x64xf32, #tpu.memory_space<vmem>>, vector<1x16xf32>,
      %swap3A_59 = vector.shape_cast %swap3A_58 : vector<1x16xf32> to vector<16xf32>
      %swap3A_60 = vector.shape_cast %broadcast_in_dim3A_3 : vector<16xf32> to vector<1x16xf32>
      tpu.vector_store %arg8[%swap3A_56, %swap3A_57], %swap3A_60 {strides = array<i32>} : memref<125x64xf32, #tpu.memory_space<vmem>>, vector<1x16xf32>,
    }
    %scan3A_8 = arith.constant 125 : i32
    %add3A_9 = arith.constant 0 : i32
    %add3A_10 = arith.addi %mul3A_2, %add3A_9 : i32
    "tpu.region"() ({
      %run_scoped3A = tpu.sem_alloc : memref<!tpu.dma_semaphore, #tpu.memory_space<semaphore_mem>>
      %dma_start3A = arith.constant 0 : i32
      %dma_start3A_41 = tpu.memref_slice %arg10[%add3A_10, %dma_start3A] : memref<10000x64xf32, #tpu.memory_space<vmem_shared>> -> memref<125x64xf32, #tpu.memory_space<vmem_shared>>
      %dma_start3A_42 = arith.constant 0 : i32
      %dma_start3A_43 = tpu.memref_slice %arg10[%add3A_10, %dma_start3A_42] : memref<10000x64xf32, #tpu.memory_space<vmem_shared>> -> memref<125x64xf32, #tpu.memory_space<vmem_shared>>
      tpu.enqueue_dma source(%arg8 : memref<125x64xf32, #tpu.memory_space<vmem>>) target(%dma_start3A_43 : memref<125x64xf32, #tpu.memory_space<vmem_shared>>) target_semaphore(%run_scoped3A : memref<!tpu.dma_semaphore, #tpu.memory_space<semaphore_mem>>)
      %dma_wait3A_44 = arith.constant 0 : i32
      %dma_wait3A_45 = tpu.memref_slice %arg10[%add3A_10, %dma_wait3A_44] : memref<10000x64xf32, #tpu.memory_space<vmem_shared>> -> memref<125x64xf32, #tpu.memory_space<vmem_shared>>
      %dma_wait3A_46 = arith.constant 0 : i32
      %dma_wait3A_47 = tpu.memref_slice %arg10[%add3A_10, %dma_wait3A_46] : memref<10000x64xf32, #tpu.memory_space<vmem_shared>> -> memref<125x64xf32, #tpu.memory_space<vmem_shared>>
      tpu.wait_dma2 semaphore(%run_scoped3A : memref<!tpu.dma_semaphore, #tpu.memory_space<semaphore_mem>>) src(%arg8 : memref<125x64xf32, #tpu.memory_space<vmem>>) dst(%dma_wait3A_47 : memref<125x64xf32, #tpu.memory_space<vmem_shared>>)
      tpu.yield
    }) : () -> ()
    %add3A_11 = arith.constant 125 : i32
    %add3A_12 = arith.addi %mul3A_2, %add3A_11 : i32
    "tpu.region"() ({
      %run_scoped3A = tpu.sem_alloc : memref<!tpu.dma_semaphore, #tpu.memory_space<semaphore_mem>>
      %dma_start3A = arith.constant 0 : i32
      %dma_start3A_41 = tpu.memref_slice %arg10[%add3A_12, %dma_start3A] : memref<10000x64xf32, #tpu.memory_space<vmem_shared>> -> memref<125x64xf32, #tpu.memory_space<vmem_shared>>
      %dma_start3A_42 = arith.constant 0 : i32
      %dma_start3A_43 = tpu.memref_slice %arg10[%add3A_12, %dma_start3A_42] : memref<10000x64xf32, #tpu.memory_space<vmem_shared>> -> memref<125x64xf32, #tpu.memory_space<vmem_shared>>
      tpu.enqueue_dma source(%arg8 : memref<125x64xf32, #tpu.memory_space<vmem>>) target(%dma_start3A_43 : memref<125x64xf32, #tpu.memory_space<vmem_shared>>) target_semaphore(%run_scoped3A : memref<!tpu.dma_semaphore, #tpu.memory_space<semaphore_mem>>)
      %dma_wait3A_44 = arith.constant 0 : i32
      %dma_wait3A_45 = tpu.memref_slice %arg10[%add3A_12, %dma_wait3A_44] : memref<10000x64xf32, #tpu.memory_space<vmem_shared>> -> memref<125x64xf32, #tpu.memory_space<vmem_shared>>
      %dma_wait3A_46 = arith.constant 0 : i32
      %dma_wait3A_47 = tpu.memref_slice %arg10[%add3A_12, %dma_wait3A_46] : memref<10000x64xf32, #tpu.memory_space<vmem_shared>> -> memref<125x64xf32, #tpu.memory_space<vmem_shared>>
      tpu.wait_dma2 semaphore(%run_scoped3A : memref<!tpu.dma_semaphore, #tpu.memory_space<semaphore_mem>>) src(%arg8 : memref<125x64xf32, #tpu.memory_space<vmem>>) dst(%dma_wait3A_47 : memref<125x64xf32, #tpu.memory_space<vmem_shared>>)
      tpu.yield
    }) : () -> ()
    %add3A_13 = arith.constant 250 : i32
    %add3A_14 = arith.addi %mul3A_2, %add3A_13 : i32
    "tpu.region"() ({
      %run_scoped3A = tpu.sem_alloc : memref<!tpu.dma_semaphore, #tpu.memory_space<semaphore_mem>>
      %dma_start3A = arith.constant 0 : i32
      %dma_start3A_41 = tpu.memref_slice %arg10[%add3A_14, %dma_start3A] : memref<10000x64xf32, #tpu.memory_space<vmem_shared>> -> memref<125x64xf32, #tpu.memory_space<vmem_shared>>
      %dma_start3A_42 = arith.constant 0 : i32
      %dma_start3A_43 = tpu.memref_slice %arg10[%add3A_14, %dma_start3A_42] : memref<10000x64xf32, #tpu.memory_space<vmem_shared>> -> memref<125x64xf32, #tpu.memory_space<vmem_shared>>
      tpu.enqueue_dma source(%arg8 : memref<125x64xf32, #tpu.memory_space<vmem>>) target(%dma_start3A_43 : memref<125x64xf32, #tpu.memory_space<vmem_shared>>) target_semaphore(%run_scoped3A : memref<!tpu.dma_semaphore, #tpu.memory_space<semaphore_mem>>)
      %dma_wait3A_44 = arith.constant 0 : i32
      %dma_wait3A_45 = tpu.memref_slice %arg10[%add3A_14, %dma_wait3A_44] : memref<10000x64xf32, #tpu.memory_space<vmem_shared>> -> memref<125x64xf32, #tpu.memory_space<vmem_shared>>
      %dma_wait3A_46 = arith.constant 0 : i32
      %dma_wait3A_47 = tpu.memref_slice %arg10[%add3A_14, %dma_wait3A_46] : memref<10000x64xf32, #tpu.memory_space<vmem_shared>> -> memref<125x64xf32, #tpu.memory_space<vmem_shared>>
      tpu.wait_dma2 semaphore(%run_scoped3A : memref<!tpu.dma_semaphore, #tpu.memory_space<semaphore_mem>>) src(%arg8 : memref<125x64xf32, #tpu.memory_space<vmem>>) dst(%dma_wait3A_47 : memref<125x64xf32, #tpu.memory_space<vmem_shared>>)
      tpu.yield
    }) : () -> ()
    %add3A_15 = arith.constant 375 : i32
    %add3A_16 = arith.addi %mul3A_2, %add3A_15 : i32
    "tpu.region"() ({
      %run_scoped3A = tpu.sem_alloc : memref<!tpu.dma_semaphore, #tpu.memory_space<semaphore_mem>>
      %dma_start3A = arith.constant 0 : i32
      %dma_start3A_41 = tpu.memref_slice %arg10[%add3A_16, %dma_start3A] : memref<10000x64xf32, #tpu.memory_space<vmem_shared>> -> memref<125x64xf32, #tpu.memory_space<vmem_shared>>
      %dma_start3A_42 = arith.constant 0 : i32
      %dma_start3A_43 = tpu.memref_slice %arg10[%add3A_16, %dma_start3A_42] : memref<10000x64xf32, #tpu.memory_space<vmem_shared>> -> memref<125x64xf32, #tpu.memory_space<vmem_shared>>
      tpu.enqueue_dma source(%arg8 : memref<125x64xf32, #tpu.memory_space<vmem>>) target(%dma_start3A_43 : memref<125x64xf32, #tpu.memory_space<vmem_shared>>) target_semaphore(%run_scoped3A : memref<!tpu.dma_semaphore, #tpu.memory_space<semaphore_mem>>)
      %dma_wait3A_44 = arith.constant 0 : i32
      %dma_wait3A_45 = tpu.memref_slice %arg10[%add3A_16, %dma_wait3A_44] : memref<10000x64xf32, #tpu.memory_space<vmem_shared>> -> memref<125x64xf32, #tpu.memory_space<vmem_shared>>
      %dma_wait3A_46 = arith.constant 0 : i32
      %dma_wait3A_47 = tpu.memref_slice %arg10[%add3A_16, %dma_wait3A_46] : memref<10000x64xf32, #tpu.memory_space<vmem_shared>> -> memref<125x64xf32, #tpu.memory_space<vmem_shared>>
      tpu.wait_dma2 semaphore(%run_scoped3A : memref<!tpu.dma_semaphore, #tpu.memory_space<semaphore_mem>>) src(%arg8 : memref<125x64xf32, #tpu.memory_space<vmem>>) dst(%dma_wait3A_47 : memref<125x64xf32, #tpu.memory_space<vmem_shared>>)
      tpu.yield
    }) : () -> ()
    %add3A_17 = arith.constant 500 : i32
    %add3A_18 = arith.addi %mul3A_2, %add3A_17 : i32
    "tpu.region"() ({
      %run_scoped3A = tpu.sem_alloc : memref<!tpu.dma_semaphore, #tpu.memory_space<semaphore_mem>>
      %dma_start3A = arith.constant 0 : i32
      %dma_start3A_41 = tpu.memref_slice %arg10[%add3A_18, %dma_start3A] : memref<10000x64xf32, #tpu.memory_space<vmem_shared>> -> memref<125x64xf32, #tpu.memory_space<vmem_shared>>
      %dma_start3A_42 = arith.constant 0 : i32
      %dma_start3A_43 = tpu.memref_slice %arg10[%add3A_18, %dma_start3A_42] : memref<10000x64xf32, #tpu.memory_space<vmem_shared>> -> memref<125x64xf32, #tpu.memory_space<vmem_shared>>
      tpu.enqueue_dma source(%arg8 : memref<125x64xf32, #tpu.memory_space<vmem>>) target(%dma_start3A_43 : memref<125x64xf32, #tpu.memory_space<vmem_shared>>) target_semaphore(%run_scoped3A : memref<!tpu.dma_semaphore, #tpu.memory_space<semaphore_mem>>)
      %dma_wait3A_44 = arith.constant 0 : i32
      %dma_wait3A_45 = tpu.memref_slice %arg10[%add3A_18, %dma_wait3A_44] : memref<10000x64xf32, #tpu.memory_space<vmem_shared>> -> memref<125x64xf32, #tpu.memory_space<vmem_shared>>
      %dma_wait3A_46 = arith.constant 0 : i32
      %dma_wait3A_47 = tpu.memref_slice %arg10[%add3A_18, %dma_wait3A_46] : memref<10000x64xf32, #tpu.memory_space<vmem_shared>> -> memref<125x64xf32, #tpu.memory_space<vmem_shared>>
      tpu.wait_dma2 semaphore(%run_scoped3A : memref<!tpu.dma_semaphore, #tpu.memory_space<semaphore_mem>>) src(%arg8 : memref<125x64xf32, #tpu.memory_space<vmem>>) dst(%dma_wait3A_47 : memref<125x64xf32, #tpu.memory_space<vmem_shared>>)
      tpu.yield
    }) : () -> ()
    %barrier3A = arith.constant 0 : index
    tpu.barrier barrier_id(%barrier3A)
    %scan3A_19 = arith.constant 0 : i32
    %scan3A_20 = arith.constant 0 : i32
    %scan3A_21 = arith.constant 5 : i32
    %scan3A_22 = arith.addi %scan3A_20, %scan3A_21 : i32
    %scan3A_23 = arith.constant 1 : i32
    scf.for %scan3A_41 = %scan3A_20 to %scan3A_22 step %scan3A_23  : i32 {
      %gt3A = arith.constant 0 : i32
      %gt3A_42 = arith.cmpi sgt, %scan3A_41, %gt3A : i32
      %convert_element_type3A_43 = arith.extui %gt3A_42 : i1 to i32
      %cond3A_44 = arith.constant 0 : i32
      %cond3A_45 = arith.cmpi ne, %convert_element_type3A_43, %cond3A_44 : i32
      scf.if %cond3A_45 {
        %dma_wait3A_62 = arith.constant 0 : i32
        %dma_wait3A_63 = arith.constant 0 : i32
        %dma_wait3A_64 = tpu.memref_slice %arg7[%dma_wait3A_62, %dma_wait3A_63] : memref<16x125xi32, #tpu.memory_space<vmem>> -> memref<1x125xi32, #tpu.memory_space<vmem>>
        %dma_wait3A_65 = tpu.memref_squeeze %dma_wait3A_64 : memref<1x125xi32, #tpu.memory_space<vmem>> -> memref<125xi32, #tpu.memory_space<vmem>>
        %dma_wait3A_66 = arith.constant 0 : i32
        %dma_wait3A_67 = arith.constant 0 : i32
        %dma_wait3A_68 = tpu.memref_slice %arg10[%dma_wait3A_66, %dma_wait3A_67] : memref<10000x64xf32, #tpu.memory_space<vmem_shared>> -> memref<10000x64xf32, #tpu.memory_space<vmem_shared>>
        tpu.wait_indirect_dma semaphore(%arg13 : memref<!tpu.dma_semaphore, #tpu.memory_space<semaphore_mem>>) src(%arg8 : memref<125x64xf32, #tpu.memory_space<vmem>>) dst(%dma_wait3A_68 : memref<10000x64xf32, #tpu.memory_space<vmem_shared>>)
        %dma_wait3A_69 = arith.constant 0 : i32
        %dma_wait3A_70 = arith.constant 0 : i32
        %dma_wait3A_71 = tpu.memref_slice %arg7[%dma_wait3A_69, %dma_wait3A_70] : memref<16x125xi32, #tpu.memory_space<vmem>> -> memref<1x125xi32, #tpu.memory_space<vmem>>
        %dma_wait3A_72 = tpu.memref_squeeze %dma_wait3A_71 : memref<1x125xi32, #tpu.memory_space<vmem>> -> memref<125xi32, #tpu.memory_space<vmem>>
        %dma_wait3A_73 = arith.constant 0 : i32
        %dma_wait3A_74 = arith.constant 0 : i32
        %dma_wait3A_75 = tpu.memref_slice %arg10[%dma_wait3A_73, %dma_wait3A_74] : memref<10000x64xf32, #tpu.memory_space<vmem_shared>> -> memref<10000x64xf32, #tpu.memory_space<vmem_shared>>
        tpu.wait_indirect_dma semaphore(%arg14 : memref<!tpu.dma_semaphore, #tpu.memory_space<semaphore_mem>>) src(%arg9 : memref<125x64xf32, #tpu.memory_space<vmem>>) dst(%dma_wait3A_75 : memref<10000x64xf32, #tpu.memory_space<vmem_shared>>)
      } else {
      }
      %mul3A_46 = arith.constant 16 : i32
      %mul3A_47 = arith.muli %scan3A_41, %mul3A_46 : i32
      "tpu.region"() ({
        %run_scoped3A = tpu.sem_alloc : memref<!tpu.dma_semaphore, #tpu.memory_space<semaphore_mem>>
        %dma_start3A_62 = arith.constant 0 : i32
        %dma_start3A_63 = tpu.memref_slice %arg3[%add3A, %mul3A_47, %dma_start3A_62] : memref<32x80x125xi32, #tpu.memory_space<hbm>> -> memref<1x16x125xi32, #tpu.memory_space<hbm>>
        %dma_start3A_64 = tpu.memref_squeeze %dma_start3A_63 : memref<1x16x125xi32, #tpu.memory_space<hbm>> -> memref<16x125xi32, #tpu.memory_space<hbm>>
        %dma_start3A_65 = arith.constant 0 : i32
        %dma_start3A_66 = tpu.memref_slice %arg3[%add3A, %mul3A_47, %dma_start3A_65] : memref<32x80x125xi32, #tpu.memory_space<hbm>> -> memref<1x16x125xi32, #tpu.memory_space<hbm>>
        %dma_start3A_67 = tpu.memref_squeeze %dma_start3A_66 : memref<1x16x125xi32, #tpu.memory_space<hbm>> -> memref<16x125xi32, #tpu.memory_space<hbm>>
        tpu.enqueue_dma source(%dma_start3A_67 : memref<16x125xi32, #tpu.memory_space<hbm>>) target(%arg6 : memref<16x125xi32, #tpu.memory_space<vmem>>) target_semaphore(%run_scoped3A : memref<!tpu.dma_semaphore, #tpu.memory_space<semaphore_mem>>)
        %dma_wait3A_68 = arith.constant 0 : i32
        %dma_wait3A_69 = tpu.memref_slice %arg3[%add3A, %mul3A_47, %dma_wait3A_68] : memref<32x80x125xi32, #tpu.memory_space<hbm>> -> memref<1x16x125xi32, #tpu.memory_space<hbm>>
        %dma_wait3A_70 = tpu.memref_squeeze %dma_wait3A_69 : memref<1x16x125xi32, #tpu.memory_space<hbm>> -> memref<16x125xi32, #tpu.memory_space<hbm>>
        %dma_wait3A_71 = arith.constant 0 : i32
        %dma_wait3A_72 = tpu.memref_slice %arg3[%add3A, %mul3A_47, %dma_wait3A_71] : memref<32x80x125xi32, #tpu.memory_space<hbm>> -> memref<1x16x125xi32, #tpu.memory_space<hbm>>
        %dma_wait3A_73 = tpu.memref_squeeze %dma_wait3A_72 : memref<1x16x125xi32, #tpu.memory_space<hbm>> -> memref<16x125xi32, #tpu.memory_space<hbm>>
        tpu.wait_dma2 semaphore(%run_scoped3A : memref<!tpu.dma_semaphore, #tpu.memory_space<semaphore_mem>>) src(%dma_wait3A_73 : memref<16x125xi32, #tpu.memory_space<hbm>>) dst(%arg6 : memref<16x125xi32, #tpu.memory_space<vmem>>)
        tpu.yield
      }) : () -> ()
      %mul3A_48 = arith.constant 16 : i32
      %mul3A_49 = arith.muli %scan3A_41, %mul3A_48 : i32
      "tpu.region"() ({
        %run_scoped3A = tpu.sem_alloc : memref<!tpu.dma_semaphore, #tpu.memory_space<semaphore_mem>>
        %dma_start3A_62 = arith.constant 0 : i32
        %dma_start3A_63 = tpu.memref_slice %arg4[%add3A, %mul3A_49, %dma_start3A_62] : memref<32x80x125xi32, #tpu.memory_space<hbm>> -> memref<1x16x125xi32, #tpu.memory_space<hbm>>
        %dma_start3A_64 = tpu.memref_squeeze %dma_start3A_63 : memref<1x16x125xi32, #tpu.memory_space<hbm>> -> memref<16x125xi32, #tpu.memory_space<hbm>>
        %dma_start3A_65 = arith.constant 0 : i32
        %dma_start3A_66 = tpu.memref_slice %arg4[%add3A, %mul3A_49, %dma_start3A_65] : memref<32x80x125xi32, #tpu.memory_space<hbm>> -> memref<1x16x125xi32, #tpu.memory_space<hbm>>
        %dma_start3A_67 = tpu.memref_squeeze %dma_start3A_66 : memref<1x16x125xi32, #tpu.memory_space<hbm>> -> memref<16x125xi32, #tpu.memory_space<hbm>>
        tpu.enqueue_dma source(%dma_start3A_67 : memref<16x125xi32, #tpu.memory_space<hbm>>) target(%arg7 : memref<16x125xi32, #tpu.memory_space<vmem>>) target_semaphore(%run_scoped3A : memref<!tpu.dma_semaphore, #tpu.memory_space<semaphore_mem>>)
        %dma_wait3A_68 = arith.constant 0 : i32
        %dma_wait3A_69 = tpu.memref_slice %arg4[%add3A, %mul3A_49, %dma_wait3A_68] : memref<32x80x125xi32, #tpu.memory_space<hbm>> -> memref<1x16x125xi32, #tpu.memory_space<hbm>>
        %dma_wait3A_70 = tpu.memref_squeeze %dma_wait3A_69 : memref<1x16x125xi32, #tpu.memory_space<hbm>> -> memref<16x125xi32, #tpu.memory_space<hbm>>
        %dma_wait3A_71 = arith.constant 0 : i32
        %dma_wait3A_72 = tpu.memref_slice %arg4[%add3A, %mul3A_49, %dma_wait3A_71] : memref<32x80x125xi32, #tpu.memory_space<hbm>> -> memref<1x16x125xi32, #tpu.memory_space<hbm>>
        %dma_wait3A_73 = tpu.memref_squeeze %dma_wait3A_72 : memref<1x16x125xi32, #tpu.memory_space<hbm>> -> memref<16x125xi32, #tpu.memory_space<hbm>>
        tpu.wait_dma2 semaphore(%run_scoped3A : memref<!tpu.dma_semaphore, #tpu.memory_space<semaphore_mem>>) src(%dma_wait3A_73 : memref<16x125xi32, #tpu.memory_space<hbm>>) dst(%arg7 : memref<16x125xi32, #tpu.memory_space<vmem>>)
        tpu.yield
      }) : () -> ()
      %dma_start3A = arith.constant 0 : i32
      %dma_start3A_50 = arith.constant 0 : i32
      %dma_start3A_51 = tpu.memref_slice %arg6[%dma_start3A, %dma_start3A_50] : memref<16x125xi32, #tpu.memory_space<vmem>> -> memref<1x125xi32, #tpu.memory_space<vmem>>
      %dma_start3A_52 = tpu.memref_squeeze %dma_start3A_51 : memref<1x125xi32, #tpu.memory_space<vmem>> -> memref<125xi32, #tpu.memory_space<vmem>>
      %dma_start3A_53 = arith.constant 0 : i32
      %dma_start3A_54 = arith.constant 0 : i32
      %dma_start3A_55 = tpu.memref_slice %arg2[%dma_start3A_53, %dma_start3A_54] : memref<10000x64xf32, #tpu.memory_space<hbm>> -> memref<10000x64xf32, #tpu.memory_space<hbm>>
      tpu.enqueue_indirect_dma source(%dma_start3A_55 : memref<10000x64xf32, #tpu.memory_space<hbm>>) target(%arg8 : memref<125x64xf32, #tpu.memory_space<vmem>>) offsets(%dma_start3A_52 : memref<125xi32, #tpu.memory_space<vmem>>) semaphore(%arg11 : memref<!tpu.dma_semaphore, #tpu.memory_space<semaphore_mem>>)
      %scan3A_56 = arith.constant 0 : i32
      %scan3A_57 = arith.constant 0 : i32
      %scan3A_58 = arith.constant 8 : i32
      %scan3A_59 = arith.addi %scan3A_57, %scan3A_58 : i32
      %scan3A_60 = arith.constant 1 : i32
      scf.for %scan3A_62 = %scan3A_57 to %scan3A_59 step %scan3A_60  : i32 {
        %mul3A_63 = arith.constant 2 : i32
        %mul3A_64 = arith.muli %mul3A_63, %scan3A_62 : i32
        %dma_wait3A_65 = arith.constant 0 : i32
        %dma_wait3A_66 = tpu.memref_slice %arg6[%mul3A_64, %dma_wait3A_65] : memref<16x125xi32, #tpu.memory_space<vmem>> -> memref<1x125xi32, #tpu.memory_space<vmem>>
        %dma_wait3A_67 = tpu.memref_squeeze %dma_wait3A_66 : memref<1x125xi32, #tpu.memory_space<vmem>> -> memref<125xi32, #tpu.memory_space<vmem>>
        %dma_wait3A_68 = arith.constant 0 : i32
        %dma_wait3A_69 = arith.constant 0 : i32
        %dma_wait3A_70 = tpu.memref_slice %arg2[%dma_wait3A_68, %dma_wait3A_69] : memref<10000x64xf32, #tpu.memory_space<hbm>> -> memref<10000x64xf32, #tpu.memory_space<hbm>>
        tpu.wait_indirect_dma semaphore(%arg11 : memref<!tpu.dma_semaphore, #tpu.memory_space<semaphore_mem>>) src(%dma_wait3A_70 : memref<10000x64xf32, #tpu.memory_space<hbm>>) dst(%arg8 : memref<125x64xf32, #tpu.memory_space<vmem>>)
        %gt3A_71 = arith.constant 0 : i32
        %gt3A_72 = arith.cmpi sgt, %scan3A_62, %gt3A_71 : i32
        %convert_element_type3A_73 = arith.extui %gt3A_72 : i1 to i32
        %cond3A_74 = arith.constant 0 : i32
        %cond3A_75 = arith.cmpi ne, %convert_element_type3A_73, %cond3A_74 : i32
        scf.if %cond3A_75 {
          %dma_wait3A_113 = arith.constant 0 : i32
          %dma_wait3A_114 = arith.constant 0 : i32
          %dma_wait3A_115 = tpu.memref_slice %arg7[%dma_wait3A_113, %dma_wait3A_114] : memref<16x125xi32, #tpu.memory_space<vmem>> -> memref<1x125xi32, #tpu.memory_space<vmem>>
          %dma_wait3A_116 = tpu.memref_squeeze %dma_wait3A_115 : memref<1x125xi32, #tpu.memory_space<vmem>> -> memref<125xi32, #tpu.memory_space<vmem>>
          %dma_wait3A_117 = arith.constant 0 : i32
          %dma_wait3A_118 = arith.constant 0 : i32
          %dma_wait3A_119 = tpu.memref_slice %arg10[%dma_wait3A_117, %dma_wait3A_118] : memref<10000x64xf32, #tpu.memory_space<vmem_shared>> -> memref<10000x64xf32, #tpu.memory_space<vmem_shared>>
          tpu.wait_indirect_dma semaphore(%arg14 : memref<!tpu.dma_semaphore, #tpu.memory_space<semaphore_mem>>) src(%arg9 : memref<125x64xf32, #tpu.memory_space<vmem>>) dst(%dma_wait3A_119 : memref<10000x64xf32, #tpu.memory_space<vmem_shared>>)
        } else {
        }
        %add3A_76 = arith.constant 1 : i32
        %add3A_77 = arith.addi %mul3A_64, %add3A_76 : i32
        %dma_start3A_78 = arith.constant 0 : i32
        %dma_start3A_79 = tpu.memref_slice %arg6[%add3A_77, %dma_start3A_78] : memref<16x125xi32, #tpu.memory_space<vmem>> -> memref<1x125xi32, #tpu.memory_space<vmem>>
        %dma_start3A_80 = tpu.memref_squeeze %dma_start3A_79 : memref<1x125xi32, #tpu.memory_space<vmem>> -> memref<125xi32, #tpu.memory_space<vmem>>
        %dma_start3A_81 = arith.constant 0 : i32
        %dma_start3A_82 = arith.constant 0 : i32
        %dma_start3A_83 = tpu.memref_slice %arg2[%dma_start3A_81, %dma_start3A_82] : memref<10000x64xf32, #tpu.memory_space<hbm>> -> memref<10000x64xf32, #tpu.memory_space<hbm>>
        tpu.enqueue_indirect_dma source(%dma_start3A_83 : memref<10000x64xf32, #tpu.memory_space<hbm>>) target(%arg9 : memref<125x64xf32, #tpu.memory_space<vmem>>) offsets(%dma_start3A_80 : memref<125xi32, #tpu.memory_space<vmem>>) semaphore(%arg12 : memref<!tpu.dma_semaphore, #tpu.memory_space<semaphore_mem>>)
        %dma_start3A_84 = arith.constant 0 : i32
        %dma_start3A_85 = tpu.memref_slice %arg7[%mul3A_64, %dma_start3A_84] : memref<16x125xi32, #tpu.memory_space<vmem>> -> memref<1x125xi32, #tpu.memory_space<vmem>>
        %dma_start3A_86 = tpu.memref_squeeze %dma_start3A_85 : memref<1x125xi32, #tpu.memory_space<vmem>> -> memref<125xi32, #tpu.memory_space<vmem>>
        %dma_start3A_87 = arith.constant 0 : i32
        %dma_start3A_88 = arith.constant 0 : i32
        %dma_start3A_89 = tpu.memref_slice %arg10[%dma_start3A_87, %dma_start3A_88] : memref<10000x64xf32, #tpu.memory_space<vmem_shared>> -> memref<10000x64xf32, #tpu.memory_space<vmem_shared>>
        tpu.enqueue_indirect_dma source(%arg8 : memref<125x64xf32, #tpu.memory_space<vmem>>) target(%dma_start3A_89 : memref<10000x64xf32, #tpu.memory_space<vmem_shared>>) offsets(%dma_start3A_86 : memref<125xi32, #tpu.memory_space<vmem>>) semaphore(%arg13 : memref<!tpu.dma_semaphore, #tpu.memory_space<semaphore_mem>>) {add = true}
        %add3A_90 = arith.constant 1 : i32
        %add3A_91 = arith.addi %mul3A_64, %add3A_90 : i32
        %dma_wait3A_92 = arith.constant 0 : i32
        %dma_wait3A_93 = tpu.memref_slice %arg6[%add3A_91, %dma_wait3A_92] : memref<16x125xi32, #tpu.memory_space<vmem>> -> memref<1x125xi32, #tpu.memory_space<vmem>>
        %dma_wait3A_94 = tpu.memref_squeeze %dma_wait3A_93 : memref<1x125xi32, #tpu.memory_space<vmem>> -> memref<125xi32, #tpu.memory_space<vmem>>
        %dma_wait3A_95 = arith.constant 0 : i32
        %dma_wait3A_96 = arith.constant 0 : i32
        %dma_wait3A_97 = tpu.memref_slice %arg2[%dma_wait3A_95, %dma_wait3A_96] : memref<10000x64xf32, #tpu.memory_space<hbm>> -> memref<10000x64xf32, #tpu.memory_space<hbm>>
        tpu.wait_indirect_dma semaphore(%arg12 : memref<!tpu.dma_semaphore, #tpu.memory_space<semaphore_mem>>) src(%dma_wait3A_97 : memref<10000x64xf32, #tpu.memory_space<hbm>>) dst(%arg9 : memref<125x64xf32, #tpu.memory_space<vmem>>)
        %add3A_98 = arith.constant 2 : i32
        %add3A_99 = arith.addi %mul3A_64, %add3A_98 : i32
        %lt3A_100 = arith.constant 16 : i32
        %lt3A_101 = arith.cmpi slt, %add3A_99, %lt3A_100 : i32
        %convert_element_type3A_102 = arith.extui %lt3A_101 : i1 to i32
        %cond3A_103 = arith.constant 0 : i32
        %cond3A_104 = arith.cmpi ne, %convert_element_type3A_102, %cond3A_103 : i32
        scf.if %cond3A_104 {
          %dma_wait3A_113 = arith.constant 0 : i32
          %dma_wait3A_114 = arith.constant 0 : i32
          %dma_wait3A_115 = tpu.memref_slice %arg7[%dma_wait3A_113, %dma_wait3A_114] : memref<16x125xi32, #tpu.memory_space<vmem>> -> memref<1x125xi32, #tpu.memory_space<vmem>>
          %dma_wait3A_116 = tpu.memref_squeeze %dma_wait3A_115 : memref<1x125xi32, #tpu.memory_space<vmem>> -> memref<125xi32, #tpu.memory_space<vmem>>
          %dma_wait3A_117 = arith.constant 0 : i32
          %dma_wait3A_118 = arith.constant 0 : i32
          %dma_wait3A_119 = tpu.memref_slice %arg10[%dma_wait3A_117, %dma_wait3A_118] : memref<10000x64xf32, #tpu.memory_space<vmem_shared>> -> memref<10000x64xf32, #tpu.memory_space<vmem_shared>>
          tpu.wait_indirect_dma semaphore(%arg13 : memref<!tpu.dma_semaphore, #tpu.memory_space<semaphore_mem>>) src(%arg8 : memref<125x64xf32, #tpu.memory_space<vmem>>) dst(%dma_wait3A_119 : memref<10000x64xf32, #tpu.memory_space<vmem_shared>>)
          %add3A_120 = arith.constant 2 : i32
          %add3A_121 = arith.addi %mul3A_64, %add3A_120 : i32
          %dma_start3A_122 = arith.constant 0 : i32
          %dma_start3A_123 = tpu.memref_slice %arg6[%add3A_121, %dma_start3A_122] : memref<16x125xi32, #tpu.memory_space<vmem>> -> memref<1x125xi32, #tpu.memory_space<vmem>>
          %dma_start3A_124 = tpu.memref_squeeze %dma_start3A_123 : memref<1x125xi32, #tpu.memory_space<vmem>> -> memref<125xi32, #tpu.memory_space<vmem>>
          %dma_start3A_125 = arith.constant 0 : i32
          %dma_start3A_126 = arith.constant 0 : i32
          %dma_start3A_127 = tpu.memref_slice %arg2[%dma_start3A_125, %dma_start3A_126] : memref<10000x64xf32, #tpu.memory_space<hbm>> -> memref<10000x64xf32, #tpu.memory_space<hbm>>
          tpu.enqueue_indirect_dma source(%dma_start3A_127 : memref<10000x64xf32, #tpu.memory_space<hbm>>) target(%arg8 : memref<125x64xf32, #tpu.memory_space<vmem>>) offsets(%dma_start3A_124 : memref<125xi32, #tpu.memory_space<vmem>>) semaphore(%arg11 : memref<!tpu.dma_semaphore, #tpu.memory_space<semaphore_mem>>)
        } else {
        }
        %add3A_105 = arith.constant 1 : i32
        %add3A_106 = arith.addi %mul3A_64, %add3A_105 : i32
        %dma_start3A_107 = arith.constant 0 : i32
        %dma_start3A_108 = tpu.memref_slice %arg7[%add3A_106, %dma_start3A_107] : memref<16x125xi32, #tpu.memory_space<vmem>> -> memref<1x125xi32, #tpu.memory_space<vmem>>
        %dma_start3A_109 = tpu.memref_squeeze %dma_start3A_108 : memref<1x125xi32, #tpu.memory_space<vmem>> -> memref<125xi32, #tpu.memory_space<vmem>>
        %dma_start3A_110 = arith.constant 0 : i32
        %dma_start3A_111 = arith.constant 0 : i32
        %dma_start3A_112 = tpu.memref_slice %arg10[%dma_start3A_110, %dma_start3A_111] : memref<10000x64xf32, #tpu.memory_space<vmem_shared>> -> memref<10000x64xf32, #tpu.memory_space<vmem_shared>>
        tpu.enqueue_indirect_dma source(%arg9 : memref<125x64xf32, #tpu.memory_space<vmem>>) target(%dma_start3A_112 : memref<10000x64xf32, #tpu.memory_space<vmem_shared>>) offsets(%dma_start3A_109 : memref<125xi32, #tpu.memory_space<vmem>>) semaphore(%arg14 : memref<!tpu.dma_semaphore, #tpu.memory_space<semaphore_mem>>) {add = true}
      }
      %scan3A_61 = arith.constant 8 : i32
    }
    %scan3A_24 = arith.constant 5 : i32
    %dma_wait3A = arith.constant 0 : i32
    %dma_wait3A_25 = arith.constant 0 : i32
    %dma_wait3A_26 = tpu.memref_slice %arg7[%dma_wait3A, %dma_wait3A_25] : memref<16x125xi32, #tpu.memory_space<vmem>> -> memref<1x125xi32, #tpu.memory_space<vmem>>
    %dma_wait3A_27 = tpu.memref_squeeze %dma_wait3A_26 : memref<1x125xi32, #tpu.memory_space<vmem>> -> memref<125xi32, #tpu.memory_space<vmem>>
    %dma_wait3A_28 = arith.constant 0 : i32
    %dma_wait3A_29 = arith.constant 0 : i32
    %dma_wait3A_30 = tpu.memref_slice %arg10[%dma_wait3A_28, %dma_wait3A_29] : memref<10000x64xf32, #tpu.memory_space<vmem_shared>> -> memref<10000x64xf32, #tpu.memory_space<vmem_shared>>
    tpu.wait_indirect_dma semaphore(%arg13 : memref<!tpu.dma_semaphore, #tpu.memory_space<semaphore_mem>>) src(%arg8 : memref<125x64xf32, #tpu.memory_space<vmem>>) dst(%dma_wait3A_30 : memref<10000x64xf32, #tpu.memory_space<vmem_shared>>)
    %dma_wait3A_31 = arith.constant 0 : i32
    %dma_wait3A_32 = arith.constant 0 : i32
    %dma_wait3A_33 = tpu.memref_slice %arg7[%dma_wait3A_31, %dma_wait3A_32] : memref<16x125xi32, #tpu.memory_space<vmem>> -> memref<1x125xi32, #tpu.memory_space<vmem>>
    %dma_wait3A_34 = tpu.memref_squeeze %dma_wait3A_33 : memref<1x125xi32, #tpu.memory_space<vmem>> -> memref<125xi32, #tpu.memory_space<vmem>>
    %dma_wait3A_35 = arith.constant 0 : i32
    %dma_wait3A_36 = arith.constant 0 : i32
    %dma_wait3A_37 = tpu.memref_slice %arg10[%dma_wait3A_35, %dma_wait3A_36] : memref<10000x64xf32, #tpu.memory_space<vmem_shared>> -> memref<10000x64xf32, #tpu.memory_space<vmem_shared>>
    tpu.wait_indirect_dma semaphore(%arg14 : memref<!tpu.dma_semaphore, #tpu.memory_space<semaphore_mem>>) src(%arg9 : memref<125x64xf32, #tpu.memory_space<vmem>>) dst(%dma_wait3A_37 : memref<10000x64xf32, #tpu.memory_space<vmem_shared>>)
    %barrier3A_38 = arith.constant 0 : index
    tpu.barrier barrier_id(%barrier3A_38)
    %lt3A = arith.constant 10 : i32
    %lt3A_39 = arith.cmpi slt, %arg1, %lt3A : i32
    %convert_element_type3A = arith.extui %lt3A_39 : i1 to i32
    %cond3A = arith.constant 0 : i32
    %cond3A_40 = arith.cmpi ne, %convert_element_type3A, %cond3A : i32
    scf.if %cond3A_40 {
      %mul3A_41 = arith.constant 1000 : i32
      %mul3A_42 = arith.muli %arg1, %mul3A_41 : i32
      "tpu.region"() ({
        %run_scoped3A = tpu.sem_alloc : memref<!tpu.dma_semaphore, #tpu.memory_space<semaphore_mem>>
        %dma_start3A = arith.constant 0 : i32
        %dma_start3A_43 = tpu.memref_slice %arg5[%arg0, %mul3A_42, %dma_start3A] : memref<2x10000x64xf32, #tpu.memory_space<hbm>> -> memref<1x1000x64xf32, #tpu.memory_space<hbm>>
        %dma_start3A_44 = tpu.memref_squeeze %dma_start3A_43 : memref<1x1000x64xf32, #tpu.memory_space<hbm>> -> memref<1000x64xf32, #tpu.memory_space<hbm>>
        %dma_start3A_45 = arith.constant 0 : i32
        %dma_start3A_46 = tpu.memref_slice %arg10[%mul3A_42, %dma_start3A_45] : memref<10000x64xf32, #tpu.memory_space<vmem_shared>> -> memref<1000x64xf32, #tpu.memory_space<vmem_shared>>
        tpu.enqueue_dma source(%dma_start3A_46 : memref<1000x64xf32, #tpu.memory_space<vmem_shared>>) target(%dma_start3A_44 : memref<1000x64xf32, #tpu.memory_space<hbm>>) target_semaphore(%run_scoped3A : memref<!tpu.dma_semaphore, #tpu.memory_space<semaphore_mem>>)
        %dma_wait3A_47 = arith.constant 0 : i32
        %dma_wait3A_48 = tpu.memref_slice %arg5[%arg0, %mul3A_42, %dma_wait3A_47] : memref<2x10000x64xf32, #tpu.memory_space<hbm>> -> memref<1x1000x64xf32, #tpu.memory_space<hbm>>
        %dma_wait3A_49 = tpu.memref_squeeze %dma_wait3A_48 : memref<1x1000x64xf32, #tpu.memory_space<hbm>> -> memref<1000x64xf32, #tpu.memory_space<hbm>>
        %dma_wait3A_50 = arith.constant 0 : i32
        %dma_wait3A_51 = tpu.memref_slice %arg10[%mul3A_42, %dma_wait3A_50] : memref<10000x64xf32, #tpu.memory_space<vmem_shared>> -> memref<1000x64xf32, #tpu.memory_space<vmem_shared>>
        tpu.wait_dma2 semaphore(%run_scoped3A : memref<!tpu.dma_semaphore, #tpu.memory_space<semaphore_mem>>) src(%dma_wait3A_51 : memref<1000x64xf32, #tpu.memory_space<vmem_shared>>) dst(%dma_wait3A_49 : memref<1000x64xf32, #tpu.memory_space<hbm>>)
        tpu.yield
      }) : () -> ()
    } else {
    }
    return
  }
}

module attributes {stable_mosaic.version = 14 : i64} {
  func.func @_mid_body(%arg0: i32, %arg1: memref<2x2000x128xf32, #tpu.memory_space<vmem>>, %arg2: memref<2x2000x16xf32, #tpu.memory_space<vmem>>, %arg3: memref<1x128xf32, #tpu.memory_space<vmem>>, %arg4: memref<128x128xf32, #tpu.memory_space<vmem>>, %arg5: memref<128x64xf32, #tpu.memory_space<vmem>>, %arg6: memref<2000x64xf32, #tpu.memory_space<vmem>>) attributes {dimension_semantics = [#tpu.dimension_semantics<arbitrary>], iteration_bounds = array<i64: 5>, scalar_prefetch = 0 : i64, scratch_operands = 0 : i64, tpu.core_type = #tpu.core_type<tc>, window_params = [{transform_indices = @transform_0, window_bounds = array<i64: 2, 2000, 128>}, {transform_indices = @transform_1, window_bounds = array<i64: 2, 2000, 16>}, {pipeline_mode = #tpu.pipeline_mode<synchronous>, transform_indices = @transform_2, window_bounds = array<i64: 1, 128>}, {pipeline_mode = #tpu.pipeline_mode<synchronous>, transform_indices = @transform_3, window_bounds = array<i64: 128, 128>}, {pipeline_mode = #tpu.pipeline_mode<synchronous>, transform_indices = @transform_4, window_bounds = array<i64: 128, 64>}, {transform_indices = @transform_5, window_bounds = array<i64: 2000, 64>}]} {
    %get3A = arith.constant 0 : index
    %get3A_0 = arith.constant 0 : index
    %get3A_1 = arith.constant 0 : index
    %get3A_2 = vector.load %arg1[%get3A, %get3A_0, %get3A_1] : memref<2x2000x128xf32, #tpu.memory_space<vmem>>, vector<1x2000x128xf32>
    %get3A_3 = vector.shape_cast %get3A_2 : vector<1x2000x128xf32> to vector<2000x128xf32>
    %get3A_4 = arith.constant 1 : index
    %get3A_5 = arith.constant 0 : index
    %get3A_6 = arith.constant 0 : index
    %get3A_7 = vector.load %arg1[%get3A_4, %get3A_5, %get3A_6] : memref<2x2000x128xf32, #tpu.memory_space<vmem>>, vector<1x2000x128xf32>
    %get3A_8 = vector.shape_cast %get3A_7 : vector<1x2000x128xf32> to vector<2000x128xf32>
    %add3A = arith.addf %get3A_3, %get3A_8 : vector<2000x128xf32>
    %get3A_9 = arith.constant 0 : index
    %get3A_10 = arith.constant 0 : index
    %get3A_11 = arith.constant 0 : index
    %get3A_12 = vector.load %arg2[%get3A_9, %get3A_10, %get3A_11] : memref<2x2000x16xf32, #tpu.memory_space<vmem>>, vector<1x2000x1xf32>
    %get3A_13 = vector.shape_cast %get3A_12 : vector<1x2000x1xf32> to vector<2000x1xf32>
    %get3A_14 = arith.constant 1 : index
    %get3A_15 = arith.constant 0 : index
    %get3A_16 = arith.constant 0 : index
    %get3A_17 = vector.load %arg2[%get3A_14, %get3A_15, %get3A_16] : memref<2x2000x16xf32, #tpu.memory_space<vmem>>, vector<1x2000x1xf32>
    %get3A_18 = vector.shape_cast %get3A_17 : vector<1x2000x1xf32> to vector<2000x1xf32>
    %add3A_19 = arith.addf %get3A_13, %get3A_18 : vector<2000x1xf32>
    %max3A = arith.constant 1.000000e+00 : f32
    %max3A_20 = vector.broadcast %max3A : f32 to vector<2000x1xf32>
    %max3A_21 = arith.maximumf %add3A_19, %max3A_20 : vector<2000x1xf32>
    %div3A = vector.broadcast %max3A_21 : vector<2000x1xf32> to vector<2000x128xf32>
    %div3A_22 = arith.divf %add3A, %div3A : vector<2000x128xf32>
    %get3A_23 = arith.constant 0 : index
    %get3A_24 = arith.constant 0 : index
    %get3A_25 = vector.load %arg4[%get3A_23, %get3A_24] : memref<128x128xf32, #tpu.memory_space<vmem>>, vector<128x128xf32>
    %dot_general3A = arith.constant dense<0.000000e+00> : vector<2000x128xf32>
    %dot_general3A_26 = tpu.matmul %div3A_22, %get3A_25, %dot_general3A {dimension_numbers = #tpu.dot_dimension_numbers<[1], [0], [0], [1], [0, 0, 1, 1], [], []>, transpose_lhs_hint = false} : vector<2000x128xf32>, vector<128x128xf32>, vector<2000x128xf32> -> vector<2000x128xf32>
    %get3A_27 = arith.constant 0 : index
    %get3A_28 = arith.constant 0 : index
    %get3A_29 = vector.load %arg3[%get3A_27, %get3A_28] : memref<1x128xf32, #tpu.memory_space<vmem>>, vector<1x128xf32>
    %add3A_30 = vector.broadcast %get3A_29 : vector<1x128xf32> to vector<2000x128xf32>
    %add3A_31 = arith.addf %dot_general3A_26, %add3A_30 : vector<2000x128xf32>
    %max3A_32 = arith.constant 0.000000e+00 : f32
    %max3A_33 = vector.broadcast %max3A_32 : f32 to vector<2000x128xf32>
    %max3A_34 = arith.maximumf %add3A_31, %max3A_33 : vector<2000x128xf32>
    %get3A_35 = arith.constant 0 : index
    %get3A_36 = arith.constant 0 : index
    %get3A_37 = vector.load %arg5[%get3A_35, %get3A_36] : memref<128x64xf32, #tpu.memory_space<vmem>>, vector<128x64xf32>
    %dot_general3A_38 = arith.constant dense<0.000000e+00> : vector<2000x64xf32>
    %dot_general3A_39 = tpu.matmul %max3A_34, %get3A_37, %dot_general3A_38 {dimension_numbers = #tpu.dot_dimension_numbers<[1], [0], [0], [1], [0, 0, 1, 1], [], []>, transpose_lhs_hint = false} : vector<2000x128xf32>, vector<128x64xf32>, vector<2000x64xf32> -> vector<2000x64xf32>
    %swap3A = arith.constant 0 : index
    %swap3A_40 = arith.constant 0 : index
    %swap3A_41 = vector.load %arg6[%swap3A, %swap3A_40] : memref<2000x64xf32, #tpu.memory_space<vmem>>, vector<2000x64xf32>
    tpu.vector_store %arg6[%swap3A, %swap3A_40], %dot_general3A_39 {strides = array<i32>} : memref<2000x64xf32, #tpu.memory_space<vmem>>, vector<2000x64xf32>,
    return
  }
  func.func @transform_0(%arg0: i32) -> (i32, i32, i32) {
    %c0_i32 = arith.constant 0 : i32
    %c0_i32_0 = arith.constant 0 : i32
    %c0_i32_1 = arith.constant 0 : i32
    return %c0_i32, %arg0, %c0_i32_0 : i32, i32, i32
  }
  func.func @transform_1(%arg0: i32) -> (i32, i32, i32) {
    %c0_i32 = arith.constant 0 : i32
    %c0_i32_0 = arith.constant 0 : i32
    %c0_i32_1 = arith.constant 0 : i32
    return %c0_i32, %arg0, %c0_i32_0 : i32, i32, i32
  }
  func.func @transform_2(%arg0: i32) -> (i32, i32) {
    %c0_i32 = arith.constant 0 : i32
    %c0_i32_0 = arith.constant 0 : i32
    %c0_i32_1 = arith.constant 0 : i32
    return %c0_i32, %c0_i32_0 : i32, i32
  }
  func.func @transform_3(%arg0: i32) -> (i32, i32) {
    %c0_i32 = arith.constant 0 : i32
    %c0_i32_0 = arith.constant 0 : i32
    %c0_i32_1 = arith.constant 0 : i32
    return %c0_i32, %c0_i32_0 : i32, i32
  }
  func.func @transform_4(%arg0: i32) -> (i32, i32) {
    %c0_i32 = arith.constant 0 : i32
    %c0_i32_0 = arith.constant 0 : i32
    %c0_i32_1 = arith.constant 0 : i32
    return %c0_i32, %c0_i32_0 : i32, i32
  }
  func.func @transform_5(%arg0: i32) -> (i32, i32) {
    %c0_i32 = arith.constant 0 : i32
    %c0_i32_0 = arith.constant 0 : i32
    return %arg0, %c0_i32 : i32, i32
  }
}

module attributes {stable_mosaic.version = 14 : i64} {
  func.func @_out_body(%arg0: i32, %arg1: memref<2x2000x64xf32, #tpu.memory_space<vmem>>, %arg2: memref<2x2000x16xf32, #tpu.memory_space<vmem>>, %arg3: memref<1x64xf32, #tpu.memory_space<vmem>>, %arg4: memref<2000x64xf32, #tpu.memory_space<vmem>>) attributes {dimension_semantics = [#tpu.dimension_semantics<arbitrary>], iteration_bounds = array<i64: 5>, scalar_prefetch = 0 : i64, scratch_operands = 0 : i64, tpu.core_type = #tpu.core_type<tc>, window_params = [{transform_indices = @transform_0, window_bounds = array<i64: 2, 2000, 64>}, {transform_indices = @transform_1, window_bounds = array<i64: 2, 2000, 16>}, {pipeline_mode = #tpu.pipeline_mode<synchronous>, transform_indices = @transform_2, window_bounds = array<i64: 1, 64>}, {transform_indices = @transform_3, window_bounds = array<i64: 2000, 64>}]} {
    %get3A = arith.constant 0 : index
    %get3A_0 = arith.constant 0 : index
    %get3A_1 = arith.constant 0 : index
    %get3A_2 = vector.load %arg1[%get3A, %get3A_0, %get3A_1] : memref<2x2000x64xf32, #tpu.memory_space<vmem>>, vector<1x2000x64xf32>
    %get3A_3 = vector.shape_cast %get3A_2 : vector<1x2000x64xf32> to vector<2000x64xf32>
    %get3A_4 = arith.constant 1 : index
    %get3A_5 = arith.constant 0 : index
    %get3A_6 = arith.constant 0 : index
    %get3A_7 = vector.load %arg1[%get3A_4, %get3A_5, %get3A_6] : memref<2x2000x64xf32, #tpu.memory_space<vmem>>, vector<1x2000x64xf32>
    %get3A_8 = vector.shape_cast %get3A_7 : vector<1x2000x64xf32> to vector<2000x64xf32>
    %add3A = arith.addf %get3A_3, %get3A_8 : vector<2000x64xf32>
    %get3A_9 = arith.constant 0 : index
    %get3A_10 = arith.constant 0 : index
    %get3A_11 = arith.constant 0 : index
    %get3A_12 = vector.load %arg2[%get3A_9, %get3A_10, %get3A_11] : memref<2x2000x16xf32, #tpu.memory_space<vmem>>, vector<1x2000x1xf32>
    %get3A_13 = vector.shape_cast %get3A_12 : vector<1x2000x1xf32> to vector<2000x1xf32>
    %get3A_14 = arith.constant 1 : index
    %get3A_15 = arith.constant 0 : index
    %get3A_16 = arith.constant 0 : index
    %get3A_17 = vector.load %arg2[%get3A_14, %get3A_15, %get3A_16] : memref<2x2000x16xf32, #tpu.memory_space<vmem>>, vector<1x2000x1xf32>
    %get3A_18 = vector.shape_cast %get3A_17 : vector<1x2000x1xf32> to vector<2000x1xf32>
    %add3A_19 = arith.addf %get3A_13, %get3A_18 : vector<2000x1xf32>
    %max3A = arith.constant 1.000000e+00 : f32
    %max3A_20 = vector.broadcast %max3A : f32 to vector<2000x1xf32>
    %max3A_21 = arith.maximumf %add3A_19, %max3A_20 : vector<2000x1xf32>
    %div3A = vector.broadcast %max3A_21 : vector<2000x1xf32> to vector<2000x64xf32>
    %div3A_22 = arith.divf %add3A, %div3A : vector<2000x64xf32>
    %get3A_23 = arith.constant 0 : index
    %get3A_24 = arith.constant 0 : index
    %get3A_25 = vector.load %arg3[%get3A_23, %get3A_24] : memref<1x64xf32, #tpu.memory_space<vmem>>, vector<1x64xf32>
    %add3A_26 = vector.broadcast %get3A_25 : vector<1x64xf32> to vector<2000x64xf32>
    %add3A_27 = arith.addf %div3A_22, %add3A_26 : vector<2000x64xf32>
    %swap3A = arith.constant 0 : index
    %swap3A_28 = arith.constant 0 : index
    %swap3A_29 = vector.load %arg4[%swap3A, %swap3A_28] : memref<2000x64xf32, #tpu.memory_space<vmem>>, vector<2000x64xf32>
    tpu.vector_store %arg4[%swap3A, %swap3A_28], %add3A_27 {strides = array<i32>} : memref<2000x64xf32, #tpu.memory_space<vmem>>, vector<2000x64xf32>,
    return
  }
  func.func @transform_0(%arg0: i32) -> (i32, i32, i32) {
    %c0_i32 = arith.constant 0 : i32
    %c0_i32_0 = arith.constant 0 : i32
    %c0_i32_1 = arith.constant 0 : i32
    return %c0_i32, %arg0, %c0_i32_0 : i32, i32, i32
  }
  func.func @transform_1(%arg0: i32) -> (i32, i32, i32) {
    %c0_i32 = arith.constant 0 : i32
    %c0_i32_0 = arith.constant 0 : i32
    %c0_i32_1 = arith.constant 0 : i32
    return %c0_i32, %arg0, %c0_i32_0 : i32, i32, i32
  }
  func.func @transform_2(%arg0: i32) -> (i32, i32) {
    %c0_i32 = arith.constant 0 : i32
    %c0_i32_0 = arith.constant 0 : i32
    %c0_i32_1 = arith.constant 0 : i32
    return %c0_i32, %c0_i32_0 : i32, i32
  }
  func.func @transform_3(%arg0: i32) -> (i32, i32) {
    %c0_i32 = arith.constant 0 : i32
    %c0_i32_0 = arith.constant 0 : i32
    return %arg0, %c0_i32 : i32, i32
  }
}

</mosaic_0001>

<sc_bundles>
// kernel: kernel.10.cloned.1.call-start
scs
__scs_entry_jumppad:
0x0: {  	(pc) =	sbr.rel $0x88, $3  }
0x1: {  	(tag) =	ssettag $0x0;
	lr =	simm.s32 $0x1  }
0x2: {  	[smem:$0x3F9B] =	sst lr;
	_ =	strace $0xD0000000  }
0x3: {  	_ = 	snop  }
0x4: {  	_ = 	snop  }
0x5: {  	_ = 	snop  }
0x6: {  	_ = 	snop  }
0x7: {  	_ = 	snop  }
__scs_overlays_trampoline_lowered:
0x8: {  	[smem:$0x3FAA] =	sst s0  }
0x9: {  	[smem:$0x3FAB] =	sst s1  }
0xa: {  	[smem:$0x3FAC] =	sst s2  }
0xb: {  	[smem:$0x3FAD] =	sst s3  }
0xc: {  	[smem:$0x3FAE] =	sst s4  }
0xd: {  	[smem:$0x3FAF] =	sst s5  }
0xe: {  	[smem:$0x3FB0] =	sst s6  }
0xf: {  	[smem:$0x3FB1] =	sst s7  }
0x10: {  	[smem:$0x3FB2] =	sst s8  }
0x11: {  	[smem:$0x3FB3] =	sst s9;
	s0 =	simm.s32 @!p0 $0x0  }
0x12: {  	s1 =	sld [smem:$0x3F99];
	s0 =	simm.s32 @p0 $0x1  }
0x13: {  	[smem:$0x3FB4] =	sst s0;
	s0 =	simm.s32 @!p1 $0x0  }
0x14: {  	s2 =	sld [smem:$0x3F98];
	s0 =	simm.s32 @p1 $0x1  }
0x15: {  	[smem:$0x3FB5] =	sst s0;
	s0 =	simm.s32 @!p2 $0x0  }
0x16: {  	s3 =	sld [smem:$0x3FDB];
	s0 =	simm.s32 @p2 $0x1  }
0x17: {  	s4 =	simm.s32 $0x1BF5;
	[smem:$0x3FB7] =	sst s0  }
0x18: {  	s0 =	sld [smem:$0x3F9A];
	_ =	swait.ge [sflag:s4], $0x0  }
0x19: {  	s7 =	sld [smem:$0x3F9B]  }
0x1a: {  	s8 =	sadd.s32 $0xFFFFE003, lr  }
0x1b: {  	s9 =	sadd.s32 $0xFFFFFEF7, lr;
	s5 =	simm.s32 $0xFFFFFFFF;
	p2 =	slt.u32 s8, $0xFFFFF086  }
0x1c: {  	p1 =	slt.u32 s9, $0xF7A;
	s5 =	simm.s32 @!p2 $0x0  }
0x1d: {  	s5 =	simm.s32 @p1 $0x1;
	p0 =	seq.s32 s7, s2  }
0x1e: {  	s7 =	smul.u32 @!p0 $0xF7A, s2;
	p2 =	seq.s32 @!p0 s5, $0x0  }
0x1f: {  	s9 =	smul.u32 $0xF7A, s1;
	s8 =	simm.s32 @!p0 $0x1BF5;
	p2 =	por !p2, p0  }
0x20: {  	[sflag:s8] =	ssyncset.s32 @!p0 $0xFFFFF086;
	s6 =	sadd.s32 @!p0 s3, s7;
	s7 =	simm.s32 @!p0 $0x108  }
0x21: {  	s3 =	sadd.s32 s3, s9;
	s6 =	sadd.s32 @!p0 $0x88, s6;
	s7 =	simm.s32 @p2 $0x1082  }
0x22: {  	[simem:s7], [sflag:s8] =	dma.local @!p0 [hbm:s6], $0xF7A  }
0x23: {  	s9 =	sor.u32 $0xD0000000, s2;
	s6 =	simm.s32 $0x108;
	_ =	swait.ge @!p0 [sflag:s8], $0x0  }
0x24: {  	s3 =	sadd.s32 $0x88, s3;
	s6 =	simm.s32 @!p1 $0x1082;
	[sflag:s4] =	ssyncset.s32 $0xFFFFF086  }
0x25: {  	[simem:s6], [sflag:s4] =	dma.local [hbm:s3], $0xF7A  }
0x26: {  	[smem:$0x3F9B] =	sst s1;
	(tag) =	ssettag s2;
	_ =	strace s9  }
0x27: {  	s1 =	sld [smem:$0x3FAB]  }
0x28: {  	s2 =	sld [smem:$0x3FAC]  }
0x29: {  	s4 =	sld [smem:$0x3FAE]  }
0x2a: {  	p0 =	seq.s32 s5, $0x0;
	s5 =	sld [smem:$0x3FAF]  }
0x2b: {  	s6 =	sld [smem:$0x3FB0]  }
0x2c: {  	s7 =	sld [smem:$0x3FB1]  }
0x2d: {  	s3 =	simm.s32 $0x108;
	s8 =	sld [smem:$0x3FB2]  }
0x2e: {  	s3 =	simm.s32 @!p0 $0x1082;
	s9 =	sld [smem:$0x3FB3]  }
0x2f: {  	lr =	sadd.s32 s0, s3;
	s0 =	sld [smem:$0x3FAA]  }
0x30: {  	s3 =	sld [smem:$0x3FAD]  }
0x31: {  	[smem:$0x3FB6] =	sst s10  }
0x32: {  	s10 =	sld [smem:$0x3FB4];
	_ =	sdelay $0x3  }
0x33: {  	p0 =	seq.s32 s10, $0x1;
	s10 =	sld [smem:$0x3FB6];
	_ =	sdelay $0x3  }
0x34: {  	[smem:$0x3FB6] =	sst s10  }
0x35: {  	s10 =	sld [smem:$0x3FB5];
	_ =	sdelay $0x3  }
0x36: {  	p1 =	seq.s32 s10, $0x1;
	s10 =	sld [smem:$0x3FB6];
	_ =	sdelay $0x3  }
0x37: {  	[smem:$0x3FB6] =	sst s10  }
0x38: {  	s10 =	sld [smem:$0x3FB7]  }
0x39: {  	_ = 	snop;
	(pc) =	sbr.ind lr, $3  }
0x3a: {  	_ = 	snop  }
0x3b: {  	_ = 	snop  }
0x3c: {  	p2 =	seq.s32 s10, $0x1;
	s10 =	sld [smem:$0x3FB6]  }
0x3d: {  	_ =	shalt  }
0x3e: {  	_ =	shalt  }
0x3f: {  	_ =	shalt  }
0x40: {  	_ =	shalt  }
0x41: {  	_ =	shalt  }
0x42: {  	_ =	shalt  }
0x43: {  	_ =	shalt  }
0x44: {  	_ =	shalt  }
0x45: {  	_ =	shalt  }
0x46: {  	_ =	shalt  }
0x47: {  	_ =	shalt  }
0x48: {  	_ =	shalt  }
0x49: {  	_ =	shalt  }
0x4a: {  	_ =	shalt  }
0x4b: {  	_ =	shalt  }
0x4c: {  	_ =	shalt  }
0x4d: {  	_ =	shalt  }
0x4e: {  	_ =	shalt  }
0x4f: {  	_ =	shalt  }
0x50: {  	_ =	shalt  }
0x51: {  	_ =	shalt  }
0x52: {  	_ =	shalt  }
0x53: {  	_ =	shalt  }
0x54: {  	_ =	shalt  }
0x55: {  	_ =	shalt  }
0x56: {  	_ =	shalt  }
0x57: {  	_ =	shalt  }
0x58: {  	_ =	shalt  }
0x59: {  	_ =	shalt  }
0x5a: {  	_ =	shalt  }
0x5b: {  	_ =	shalt  }
0x5c: {  	_ =	shalt  }
0x5d: {  	_ =	shalt  }
0x5e: {  	_ =	shalt  }
0x5f: {  	_ =	shalt  }
0x60: {  	_ =	shalt  }
0x61: {  	_ =	shalt  }
0x62: {  	_ =	shalt  }
0x63: {  	_ =	shalt  }
0x64: {  	_ =	shalt  }
0x65: {  	_ =	shalt  }
0x66: {  	_ =	shalt  }
0x67: {  	_ =	shalt  }
0x68: {  	_ =	shalt  }
0x69: {  	_ =	shalt  }
0x6a: {  	_ =	shalt  }
0x6b: {  	_ =	shalt  }
0x6c: {  	_ =	shalt  }
0x6d: {  	_ =	shalt  }
0x6e: {  	_ =	shalt  }
0x6f: {  	_ =	shalt  }
0x70: {  	_ =	shalt  }
0x71: {  	_ =	shalt  }
0x72: {  	_ =	shalt  }
0x73: {  	_ =	shalt  }
0x74: {  	_ =	shalt  }
0x75: {  	_ =	shalt  }
0x76: {  	_ =	shalt  }
0x77: {  	_ =	shalt  }
0x78: {  	_ =	shalt  }
0x79: {  	_ =	shalt  }
0x7a: {  	_ =	shalt  }
0x7b: {  	_ =	shalt  }
0x7c: {  	_ =	shalt  }
0x7d: {  	_ =	shalt  }
0x7e: {  	_ =	shalt  }
0x7f: {  	_ =	shalt  }
0x80: {  	_ =	shalt  }
0x81: {  	_ =	shalt  }
0x82: {  	_ =	shalt  }
0x83: {  	_ =	shalt  }
0x84: {  	_ =	shalt  }
0x85: {  	_ =	shalt  }
0x86: {  	_ =	shalt  }
0x87: {  	_ =	shalt  }
.Lfunc_end0:
.L_simem_size_0:
called_computation.1_lowered:
.L_overlay_start_0:
0x88: {  	s2 =	sld [smem:$0x3FD9]  }
0x89: {  	s3 =	sld [smem:$0x3FFE];
	_ =	sdelay $0x1  }
0x8a: {  	s1 =	srdreg.scid  }
0x8b: {  	s0 =	sand.u32 $0x1, s1  }
0x8c: {  	s17 =	sshll.u32 s0, $0xA;
	s2 =	sadd.s32 s3, s2  }
0x8d: {  	s2 =	sadd.s32 s2, s17  }
0x8e: {  	[smem:$0x3FC2] =	sst s2  }
0x8f: {  	_ = 	snop  }
0x90: {  	s18 =	sld [smem:$0x3FC9];
	(tm) =	ssettm $0x1  }
0x91: {  	s19 =	sld [smem:$0x3FFB];
	_ =	sdelay $0x3  }
0x92: {  	_ =	strace s19  }
0x93: {  	s2 =	sld [smem:$0x3FFC];
	_ =	sdelay $0x3  }
0x94: {  	_ =	strace s2  }
0x95: {  	s2 =	sld [smem:$0x3FFD];
	_ =	sdelay $0x3  }
0x96: {  	_ =	strace s2  }
0x97: {  	_ =	strace $0x8FFFFFFF  }
0x98: {  	s20 =	sld [smem:$0x3FDB];
	_ =	sdelay $0x1  }
0x99: {  	s4 =	simm.s32 $_scs_section_size  }
0x9a: {  	s5 =	simm.s32 $_size__tile_overlayer_lowered;
	s6 =	simm.s32 $_tile_overlayer_lowered  }
0x9b: {  	s7 =	simm.s32 $0x1BFF;
	s21 =	sshll.u32 s6, $0x1;
	s4 =	sadd.s32 s4, s20  }
0x9c: {  	s22 =	simm.s32 $0x0;
	s5 =	sshll.u32 s5, $0x1;
	s6 =	sadd.s32 s21, s4  }
0x9d: {  	[timem:s22], [sflag:s7] =	dma.local [hbm:s6], s5  }
0x9e: {  	_ =	swait.ge [sflag:s7], s5  }
0x9f: {  	s5 =	ssub.s32 $0x0, s5;
	[sflag:s7] =	ssyncset.done $0x0  }
0xa0: {  	[sflag:s7] =	ssyncadd.s32 s5;
	_ =	sdelay $0x1  }
0xa1: {  	s23 =	simm.s32 $0x1B8B  }
0xa2: {  	_ =	swait.ge [sflag:s23], $0x1  }
0xa3: {  	[sflag:s23] =	ssyncset.done $0x0  }
0xa4: {  	[sflag:s23] =	ssyncadd.s32 $0xFFFFFFFF  }
0xa5: {  	s5 =	sld [smem:$0x0]  }
0xa6: {  	s6 =	sand.u32 $0xFFFFFFFE, s1  }
0xa7: {  	p0 =	sne.s32 s1, s6  }
0xa8: {  	s6 =	sshll.u32 @p0 s6, $0xE  }
0xa9: {  	s6 =	sadd.s32 @p0 $0x11B8D, s6;
	s7 =	sshll.u32 @p0 s5, $0x11  }
0xaa: {  	s6 =	sor.u32 @p0 s7, s6  }
0xab: {  	[sflag:s6] =	ssyncadd.remote.s32 @p0 $0x1;
	_ =	sdelay $0x1  }
0xac: {  	s6 =	simm.s32 @p0 $0x1B8D  }
0xad: {  	_ =	swait.eq @p0 [sflag:s6], $0x1  }
0xae: {  	[sflag:s6] =	ssyncadd.s32 @p0 $0xFFFFFFFF  }
0xaf: {  	s7 =	sshll.u32 @!p0 s1, $0xE  }
0xb0: {  	s7 =	sor.u32 @!p0 $0x4000, s7;
	s6 =	simm.s32 @!p0 $0x1B8D  }
0xb1: {  	s5 =	sshll.u32 @!p0 s5, $0x11;
	s7 =	sadd.s32 @!p0 $0x11B8D, s7;
	_ =	swait.eq @!p0 [sflag:s6], $0x1  }
0xb2: {  	s5 =	sor.u32 @!p0 s5, s7;
	[sflag:s6] =	ssyncadd.s32 @!p0 $0xFFFFFFFF  }
0xb3: {  	s25 =	simm.s32 $0x1B8E;
	s24 =	sld [smem:$0x3FFE];
	[sflag:s5] =	ssyncadd.remote.s32 @!p0 $0x1  }
0xb4: {  	s26 =	simm.s32 $execute0_lowered;
	[smem:$0x3FD2] =	sst s25  }
0xb5: {  	s6 =	sshll.u32 s26, $0x1;
	_ =	strace $0x80000049;
	[dreg:$0x1] =	wrdreg $0xFFFFFFFF  }
0xb6: {  	s28 =	simm.s32 $_size_execute0_lowered;
	s4 =	sadd.s32 s4, s6;
	[dreg:$0x0] =	wrdreg $0x0  }
0xb7: {  	s6 =	sshll.u32 s28, $0x1;
	[dreg:$0x2] =	wrdreg s4  }
0xb8: {  	[dreg:$0x3] =	wrdreg s6  }
0xb9: {  	[dreg:$0x4] =	wrdreg $0xC0  }
0xba: {  	_ =	task [dreg:s22], $0x5FFFF  }
0xbb: {  	[dreg:$0x1] =	wrdreg $0xFFFFFFFF  }
0xbc: {  	[dreg:$0x0] =	wrdreg $0x60  }
0xbd: {  	[dreg:$0x2] =	wrdreg s18  }
0xbe: {  	[dreg:$0x3] =	wrdreg s24  }
0xbf: {  	[dreg:$0x4] =	wrdreg $0x8D000  }
0xc0: {  	[dreg:$0x5] =	wrdreg $0xA  }
0xc1: {  	_ =	task.clear_ibuf [dreg:s22], $0x6FFFF;
	_ =	strace $0x90000049  }
0xc2: {  	s29 =	simm.s32 $0xA;
	_ =	strace $0x8000004B  }
0xc3: {  	_ =	swait.ge [sflag:s29], $0x1  }
0xc4: {  	[sflag:s29] =	ssyncadd.s32 $0xFFFFFFFF  }
0xc5: {  	_ =	strace $0x9000004B  }
0xc6: {  	_ =	sfence  }
0xc7: {  	s30 =	sld [smem:$0x0];
	_ =	sdelay $0x2  }
0xc8: {  	s31 =	sshll.u32 s1, $0xD;
	s1 =	sshrl.u32 s1, $0x2  }
0xc9: {  	s4 =	sand.u32 $0x4000, s31;
	s1 =	sadd.s32 s1, s30  }
0xca: {  	s0 =	sor.u32 s4, s0;
	s1 =	sshll.u32 s1, $0x11  }
0xcb: {  	s0 =	sor.u32 s1, s0  }
0xcc: {  	s0 =	sadd.s32 $0x8F2B, s0  }
0xcd: {  	[sflag:s0] =	ssyncadd.remote.s32 $0x1  }
0xce: {  	_ =	sfence.sel $0xFFFF  }
0xcf: {  	[dreg:$0x0] =	wrdreg $0xFFFFFFFF;
	(pc) =	sbr.abs _section_cstart, $3  }
0xd0: {  	[dreg:$0x1] =	wrdreg $0xFFFFFFFF  }
0xd1: {  	_ =	task.clear_ibuf [dreg:s22], $0x2FFFF;
	_ =	strace $0x9FFFFFFF  }
0xd2: {  	(tm) =	ssettm $0x7FFFFFFF  }
0xd3: {  	_ =	shalt  }
tec
execute0_lowered:
.L_overlay_start_1:
0x0: {  	(tag) =	ssettag $0x1  }
0x1: {  	s0 =	srdreg.scid;
	s2 =	rddreg [dreg:$0x0]  }
0x2: {  	s10 =	stileid.u32;
	s6 =	rddreg [dreg:$0x1]  }
0x3: {  	s3 =	rddreg [dreg:$0x2];
	s4 =	simm.s32 $0x0;
	s23 =	simm.s32 $0x80  }
0x4: {  	s24 =	simm.s32 $0x100;
	s26 =	simm.s32 $0x880;
	s11 =	simm.s32 $0x180  }
0x5: {  	s13 =	simm.s32 $0x900;
	s14 =	simm.s32 $0x200;
	[smem:$0x7FF] =	sst s4  }
0x6: {  	s16 =	simm.s32 $0x980;
	_ =	strace $0x8000004A;
	[dreg:$0x6] =	wrdreg s23  }
0x7: {  	s17 =	simm.s32 $0x280;
	s18 =	simm.s32 $0xA00;
	[dreg:$0x7] =	wrdreg s24  }
0x8: {  	s28 =	simm.s32 $0xD80;
	s29 =	simm.s32 $0x680;
	[dreg:$0x8] =	wrdreg s26  }
0x9: {  	s30 =	simm.s32 $0xE00;
	s5 =	smul.u32 $0x2800, s10;
	[dreg:$0x9] =	wrdreg s11  }
0xa: {  	s31 =	simm.s32 $0x700;
	s8 =	smul.u32 $0x1F400, s10;
	[dreg:$0xa] =	wrdreg s13  }
0xb: {  	s0 =	sand.u32 $0x1, s0;
	s21 =	smul.u32 $0x4E200, s10;
	[dreg:$0xb] =	wrdreg s14  }
0xc: {  	p0 =	sgt.u32 s10, $0x9;
	s1 =	smul.u32 $0x28000, s0;
	[dreg:$0xc] =	wrdreg s16  }
0xd: {  	s7 =	smul.u32 $0x138800, s0;
	s0 =	ssub.s32 $0x2, s0;
	[dreg:$0xd] =	wrdreg s17  }
0xe: {  	[dreg:$0xe] =	wrdreg s18;
	s13 =	simm.s32 $0x5;
	s14 =	simm.s32 $0x800  }
0xf: {  	s16 =	simm.s32 $0x1;
	s23 =	simm.s32 $0x400;
	s17 =	simm.s32 $0x4E80  }
0x10: {  	s24 =	simm.s32 $0xB80;
	s18 =	simm.s32 $0x2;
	[dreg:$0x13] =	wrdreg s23  }
0x11: {  	s26 =	simm.s32 $0xC00;
	s20 =	sshrl.u32 s0, $0x1;
	[dreg:$0x14] =	wrdreg s24  }
0x12: {  	s22 =	sshrl.u32 s21, $0x2;
	s21 =	simm.s32 $0x380;
	[dreg:$0x16] =	wrdreg s26  }
0x13: {  	s23 =	simm.s32 $0x580;
	s24 =	simm.s32 $0xD00;
	s26 =	simm.s32 $0x600  }
0x14: {  	s1 =	sadd.s32 s5, s1;
	s19 =	sadd.s32 s8, s7;
	s0 =	ssub.s32 s0, s20  }
0x15: {  	s20 =	simm.s32 $0xA80;
	[dreg:$0x11] =	wrdreg s21;
	s1 =	sshrl.u32 s1, $0x3  }
0x16: {  	s5 =	sshrl.u32 s19, $0x3;
	s0 =	smax.u32 s0, $0x1;
	[dreg:$0x10] =	wrdreg s20  }
0x17: {  	s19 =	simm.s32 $0x300;
	s1 =	sadd.s32 s1, s6;
	[dreg:$0x1d] =	wrdreg s0  }
0x18: {  	s6 =	sadd.s32 s5, s6;
	s5 =	sadd.s32 s22, s3;
	[dreg:$0xf] =	wrdreg s19  }
0x19: {  	s21 =	simm.s32 $0x500;
	s22 =	simm.s32 $0xB00;
	[dreg:$0x17] =	wrdreg s5  }
0x1a: {  	s7 =	simm.s32 $0xF80;
	s9 =	sadd.s32 $0xE00, s1;
	[dreg:$0x12] =	wrdreg s22  }
0x1b: {  	s20 =	simm.s32 $0x4;
	s1 =	sadd.s32 $0xAE00, s1;
	[dreg:$0x4] =	wrdreg s9  }
0x1c: {  	s19 =	simm.s32 $0x3;
	s25 =	sadd.s32 $0x3E80, s5;
	[dreg:$0x5] =	wrdreg s1  }
0x1d: {  	s12 =	sadd.s32 $0xBB80, s5;
	s15 =	sadd.s32 $0x14E00, s6;
	[dreg:$0x18] =	wrdreg s25  }
0x1e: {  	s6 =	sadd.s32 s8, s3;
	s22 =	simm.s32 $0xC80;
	[dreg:$0x1a] =	wrdreg s12  }
0x1f: {  	s8 =	simm.s32 $0x0;
	s9 =	sadd.s32 $0x7D00, s5;
	[dreg:$0x1c] =	wrdreg s15  }
0x20: {  	s5 =	sadd.s32 $0xFA00, s5;
	s12 =	simm.s32 $0x1000;
	[dreg:$0x19] =	wrdreg s9  }
0x21: {  	s15 =	simm.s32 $0x7D;
	s25 =	simm.s32 $0x480;
	[dreg:$0x1b] =	wrdreg s5  }
0x22: {  	s0 =	sshrl.u32 @!p0 s6, $0x3;
	s1 =	simm.s32 $0xE80;
	[dreg:$0x15] =	wrdreg s25  }
0x23: {  	v0 =	vimm.f32 $0.0e+00;
	s6 =	simm.s32 $0xF00;
	[dreg:$0x1e] =	wrdreg s0;
	s0 =	simm.s32 $0x780  }
.LBB2_1:
0x24: {  	s9 =	simm.s32 $0x0;
	s10 =	simm.s32 $0x200  }
.LBB2_2:
0x25: {  	p1 =	sne.s32 s10, $0xF800;
	[tilespmem:s9+$0x1070] =	vst v0  }
0x26: {  	[tilespmem:s9+$0x1000] =	vst v0  }
0x27: {  	[tilespmem:s9+$0x1010] =	vst v0  }
.Ltmp0:
0x28: {  	[tilespmem:s9+$0x1020] =	vst v0;
	(pc) =	sbr.rel @p1 .LBB2_2-.Ltmp0, $4  }
0x29: {  	[tilespmem:s9+$0x1030] =	vst v0  }
0x2a: {  	[tilespmem:s9+$0x1040] =	vst v0  }
0x2b: {  	[tilespmem:s9+$0x1050] =	vst v0  }
0x2c: {  	[tilespmem:s9+$0x1060] =	vst v0;
	s9 =	sshra.s32 s10, $0x2;
	s10 =	sadd.s32 $0x200, s10  }
0x2d: {  	[tilespmem:s9+$0x1070] =	vst v0  }
0x2e: {  	[tilespmem:s9+$0x1000] =	vst v0  }
0x2f: {  	[tilespmem:s9+$0x1010] =	vst v0  }
0x30: {  	[tilespmem:s9+$0x1020] =	vst v0  }
0x31: {  	[tilespmem:s9+$0x1030] =	vst v0  }
0x32: {  	[tilespmem:s9+$0x1040] =	vst v0  }
0x33: {  	[tilespmem:s9+$0x1050] =	vst v0  }
0x34: {  	[tilespmem:s9+$0x1060] =	vst v0;
	s5 =	rddreg [dreg:$0x17]  }
0x35: {  	[spmem:s5] =	stream.linear.scatter [tilespmem:s12], [sflag:$0x5], $0x3E80, $0x38;
	[tilespmem:$0x1C580] =	vst v63  }
0x36: {  	_ =	swait.ge [sflag:s13], $0x3E80  }
0x37: {  	[sflag:s13] =	ssyncset.done $0x0  }
0x38: {  	s9 =	rddreg [dreg:$0x18];
	[sflag:s13] =	ssyncadd.s32 $0xFFFFC180  }
0x39: {  	[spmem:s9] =	stream.linear.scatter [tilespmem:s12], [sflag:$0x5], $0x3E80, $0x38;
	[tilespmem:$0x1C580] =	vst v63  }
0x3a: {  	_ =	swait.ge [sflag:s13], $0x3E80  }
0x3b: {  	[sflag:s13] =	ssyncset.done $0x0  }
0x3c: {  	s10 =	rddreg [dreg:$0x19];
	[sflag:s13] =	ssyncadd.s32 $0xFFFFC180  }
0x3d: {  	[spmem:s10] =	stream.linear.scatter [tilespmem:s12], [sflag:$0x5], $0x3E80, $0x38;
	[tilespmem:$0x1C580] =	vst v63  }
0x3e: {  	_ =	swait.ge [sflag:s13], $0x3E80  }
0x3f: {  	[sflag:s13] =	ssyncset.done $0x0  }
0x40: {  	s11 =	rddreg [dreg:$0x1a];
	[sflag:s13] =	ssyncadd.s32 $0xFFFFC180  }
0x41: {  	[spmem:s11] =	stream.linear.scatter [tilespmem:s12], [sflag:$0x5], $0x3E80, $0x38;
	[tilespmem:$0x1C580] =	vst v63  }
0x42: {  	_ =	swait.ge [sflag:s13], $0x3E80  }
0x43: {  	[sflag:s13] =	ssyncset.done $0x0  }
0x44: {  	s25 =	rddreg [dreg:$0x1b];
	[sflag:s13] =	ssyncadd.s32 $0xFFFFC180  }
0x45: {  	[spmem:s25] =	stream.linear.scatter [tilespmem:s12], [sflag:$0x5], $0x3E80, $0x38;
	[tilespmem:$0x1C580] =	vst v63  }
0x46: {  	_ =	swait.ge [sflag:s13], $0x3E80  }
0x47: {  	p1 =	por $0x1, $0x1;
	[sflag:s13] =	ssyncset.done $0x0  }
0x48: {  	p1 =	por p1, p1;
	[sflag:s13] =	ssyncadd.s32 $0xFFFFC180  }
0x49: {  	s9 =	simm.s32 @!p1 $0x3;
	[bflag:$0x0] =	sbarrier.arrive $0xFFFF  }
0x4a: {  	_ =	swait.ge @!p1 [sflag:s9], $0x3E80  }
0x4b: {  	[sflag:s9] =	ssyncset.done @!p1 $0x0  }
0x4c: {  	[sflag:s9] =	ssyncadd.s32 @!p1 $0xFFFFC180;
	s9 =	simm.s32 @!p1 $0x4  }
0x4d: {  	_ =	swait.ge @!p1 [sflag:s9], $0x3E80  }
0x4e: {  	s10 =	rddreg [dreg:$0x5];
	[sflag:s9] =	ssyncset.done @!p1 $0x0  }
0x4f: {  	[sflag:s9] =	ssyncadd.s32 @!p1 $0xFFFFC180;
	s5 =	sadd.s32 $0x0, s10  }
0x50: {  	[tilespmem:s4], [sflag:$0x5] =	stream.linear.gather [hbm4b:s5+s4], $0x800, $0x38;
	[tilespmem:$0x1C580] =	vst v63  }
0x51: {  	_ =	swait.ge [sflag:s13], $0x800  }
0x52: {  	s10 =	rddreg [dreg:$0x4];
	[sflag:s13] =	ssyncset.done $0x0  }
0x53: {  	[sflag:s13] =	ssyncadd.s32 $0xFFFFF800;
	s9 =	sadd.s32 $0x0, s10  }
0x54: {  	[tilespmem:s14], [sflag:$0x5] =	stream.linear.gather [hbm4b:s9+s4], $0x800, $0x38;
	[tilespmem:$0x1C580] =	vst v63  }
0x55: {  	_ =	swait.ge [sflag:s13], $0x800  }
0x56: {  	[sflag:s13] =	ssyncset.done $0x0  }
0x57: {  	[sflag:s13] =	ssyncadd.s32 $0xFFFFF800  }
0x58: {  	[tilespmem:s12], [sflag:$0x1] =	stream.indirect.gather [hbm4b:s2+s15], $0x80, s4, s15, $0xb8;
	[tilespmem:$0x1C580] =	vst v63  }
0x59: {  	_ =	swait.ge [sflag:s16], $0x3E80  }
0x5a: {  	[sflag:s16] =	ssyncset.done $0x0  }
0x5b: {  	s11 =	rddreg [dreg:$0x6];
	[sflag:s16] =	ssyncadd.s32 $0xFFFFC180  }
0x5c: {  	[tilespmem:s17], [sflag:$0x2] =	stream.indirect.gather [hbm4b:s2+s15], $0x80, s11, s15, $0xb8;
	[tilespmem:$0x1C580] =	vst v63  }
0x5d: {  	_ = 	snop  }
0x5e: {  	[spmem:s3] =	stream.indirect.scatter.add.f32 [tilespmem:s12], [sflag:$0x3], $0x80, s14, s15, $0xb8;
	[tilespmem:$0x1C580] =	vst v63  }
0x5f: {  	_ =	swait.ge [sflag:s18], $0x3E80  }
0x60: {  	[sflag:s18] =	ssyncset.done $0x0  }
0x61: {  	[sflag:s18] =	ssyncadd.s32 $0xFFFFC180  }
0x62: {  	_ =	swait.ge [sflag:s19], $0x3E80  }
0x63: {  	[sflag:s19] =	ssyncset.done $0x0  }
0x64: {  	s25 =	rddreg [dreg:$0x7];
	[sflag:s19] =	ssyncadd.s32 $0xFFFFC180  }
0x65: {  	[tilespmem:s12], [sflag:$0x1] =	stream.indirect.gather [hbm4b:s2+s15], $0x80, s25, s15, $0xb8;
	[tilespmem:$0x1C580] =	vst v63  }
0x66: {  	s5 =	rddreg [dreg:$0x8]  }
0x67: {  	[spmem:s3] =	stream.indirect.scatter.add.f32 [tilespmem:s17], [sflag:$0x4], $0x80, s5, s15, $0xb8;
	[tilespmem:$0x1C580] =	vst v63  }
0x68: {  	_ =	swait.ge [sflag:s16], $0x3E80  }
0x69: {  	[sflag:s16] =	ssyncset.done $0x0  }
0x6a: {  	[sflag:s16] =	ssyncadd.s32 $0xFFFFC180  }
0x6b: {  	_ =	swait.ge [sflag:s20], $0x3E80  }
0x6c: {  	[sflag:s20] =	ssyncset.done $0x0  }
0x6d: {  	s10 =	rddreg [dreg:$0x9];
	[sflag:s20] =	ssyncadd.s32 $0xFFFFC180  }
0x6e: {  	[tilespmem:s17], [sflag:$0x2] =	stream.indirect.gather [hbm4b:s2+s15], $0x80, s10, s15, $0xb8;
	[tilespmem:$0x1C580] =	vst v63  }
0x6f: {  	s11 =	rddreg [dreg:$0xa]  }
0x70: {  	[spmem:s3] =	stream.indirect.scatter.add.f32 [tilespmem:s12], [sflag:$0x3], $0x80, s11, s15, $0xb8;
	[tilespmem:$0x1C580] =	vst v63  }
0x71: {  	_ =	swait.ge [sflag:s18], $0x3E80  }
0x72: {  	[sflag:s18] =	ssyncset.done $0x0  }
0x73: {  	[sflag:s18] =	ssyncadd.s32 $0xFFFFC180  }
0x74: {  	_ =	swait.ge [sflag:s19], $0x3E80  }
0x75: {  	[sflag:s19] =	ssyncset.done $0x0  }
0x76: {  	s25 =	rddreg [dreg:$0xb];
	[sflag:s19] =	ssyncadd.s32 $0xFFFFC180  }
0x77: {  	[tilespmem:s12], [sflag:$0x1] =	stream.indirect.gather [hbm4b:s2+s15], $0x80, s25, s15, $0xb8;
	[tilespmem:$0x1C580] =	vst v63  }
0x78: {  	s5 =	rddreg [dreg:$0xc]  }
0x79: {  	[spmem:s3] =	stream.indirect.scatter.add.f32 [tilespmem:s17], [sflag:$0x4], $0x80, s5, s15, $0xb8;
	[tilespmem:$0x1C580] =	vst v63  }
0x7a: {  	_ =	swait.ge [sflag:s16], $0x3E80  }
0x7b: {  	[sflag:s16] =	ssyncset.done $0x0  }
0x7c: {  	[sflag:s16] =	ssyncadd.s32 $0xFFFFC180  }
0x7d: {  	_ =	swait.ge [sflag:s20], $0x3E80  }
0x7e: {  	[sflag:s20] =	ssyncset.done $0x0  }
0x7f: {  	s10 =	rddreg [dreg:$0xd];
	[sflag:s20] =	ssyncadd.s32 $0xFFFFC180  }
0x80: {  	[tilespmem:s17], [sflag:$0x2] =	stream.indirect.gather [hbm4b:s2+s15], $0x80, s10, s15, $0xb8;
	[tilespmem:$0x1C580] =	vst v63  }
0x81: {  	s11 =	rddreg [dreg:$0xe]  }
0x82: {  	[spmem:s3] =	stream.indirect.scatter.add.f32 [tilespmem:s12], [sflag:$0x3], $0x80, s11, s15, $0xb8;
	[tilespmem:$0x1C580] =	vst v63  }
0x83: {  	_ =	swait.ge [sflag:s18], $0x3E80  }
0x84: {  	[sflag:s18] =	ssyncset.done $0x0  }
0x85: {  	[sflag:s18] =	ssyncadd.s32 $0xFFFFC180  }
0x86: {  	_ =	swait.ge [sflag:s19], $0x3E80  }
0x87: {  	[sflag:s19] =	ssyncset.done $0x0  }
0x88: {  	s25 =	rddreg [dreg:$0xf];
	[sflag:s19] =	ssyncadd.s32 $0xFFFFC180  }
0x89: {  	[tilespmem:s12], [sflag:$0x1] =	stream.indirect.gather [hbm4b:s2+s15], $0x80, s25, s15, $0xb8;
	[tilespmem:$0x1C580] =	vst v63  }
0x8a: {  	s5 =	rddreg [dreg:$0x10]  }
0x8b: {  	[spmem:s3] =	stream.indirect.scatter.add.f32 [tilespmem:s17], [sflag:$0x4], $0x80, s5, s15, $0xb8;
	[tilespmem:$0x1C580] =	vst v63  }
0x8c: {  	_ =	swait.ge [sflag:s16], $0x3E80  }
0x8d: {  	[sflag:s16] =	ssyncset.done $0x0  }
0x8e: {  	[sflag:s16] =	ssyncadd.s32 $0xFFFFC180  }
0x8f: {  	_ =	swait.ge [sflag:s20], $0x3E80  }
0x90: {  	[sflag:s20] =	ssyncset.done $0x0  }
0x91: {  	s10 =	rddreg [dreg:$0x11];
	[sflag:s20] =	ssyncadd.s32 $0xFFFFC180  }
0x92: {  	[tilespmem:s17], [sflag:$0x2] =	stream.indirect.gather [hbm4b:s2+s15], $0x80, s10, s15, $0xb8;
	[tilespmem:$0x1C580] =	vst v63  }
0x93: {  	s11 =	rddreg [dreg:$0x12]  }
0x94: {  	[spmem:s3] =	stream.indirect.scatter.add.f32 [tilespmem:s12], [sflag:$0x3], $0x80, s11, s15, $0xb8;
	[tilespmem:$0x1C580] =	vst v63  }
0x95: {  	_ =	swait.ge [sflag:s18], $0x3E80  }
0x96: {  	[sflag:s18] =	ssyncset.done $0x0  }
0x97: {  	[sflag:s18] =	ssyncadd.s32 $0xFFFFC180  }
0x98: {  	_ =	swait.ge [sflag:s19], $0x3E80  }
0x99: {  	[sflag:s19] =	ssyncset.done $0x0  }
0x9a: {  	s25 =	rddreg [dreg:$0x13];
	[sflag:s19] =	ssyncadd.s32 $0xFFFFC180  }
0x9b: {  	[tilespmem:s12], [sflag:$0x1] =	stream.indirect.gather [hbm4b:s2+s15], $0x80, s25, s15, $0xb8;
	[tilespmem:$0x1C580] =	vst v63  }
0x9c: {  	s5 =	rddreg [dreg:$0x14]  }
0x9d: {  	[spmem:s3] =	stream.indirect.scatter.add.f32 [tilespmem:s17], [sflag:$0x4], $0x80, s5, s15, $0xb8;
	[tilespmem:$0x1C580] =	vst v63  }
0x9e: {  	_ =	swait.ge [sflag:s16], $0x3E80  }
0x9f: {  	[sflag:s16] =	ssyncset.done $0x0  }
0xa0: {  	[sflag:s16] =	ssyncadd.s32 $0xFFFFC180  }
0xa1: {  	_ =	swait.ge [sflag:s20], $0x3E80  }
0xa2: {  	[sflag:s20] =	ssyncset.done $0x0  }
0xa3: {  	s11 =	rddreg [dreg:$0x15];
	[sflag:s20] =	ssyncadd.s32 $0xFFFFC180  }
0xa4: {  	[tilespmem:s17], [sflag:$0x2] =	stream.indirect.gather [hbm4b:s2+s15], $0x80, s11, s15, $0xb8;
	[tilespmem:$0x1C580] =	vst v63  }
0xa5: {  	s25 =	rddreg [dreg:$0x16]  }
0xa6: {  	[spmem:s3] =	stream.indirect.scatter.add.f32 [tilespmem:s12], [sflag:$0x3], $0x80, s25, s15, $0xb8;
	[tilespmem:$0x1C580] =	vst v63  }
0xa7: {  	_ =	swait.ge [sflag:s18], $0x3E80  }
0xa8: {  	[sflag:s18] =	ssyncset.done $0x0  }
0xa9: {  	[sflag:s18] =	ssyncadd.s32 $0xFFFFC180  }
0xaa: {  	_ =	swait.ge [sflag:s19], $0x3E80  }
0xab: {  	[sflag:s19] =	ssyncset.done $0x0  }
0xac: {  	[sflag:s19] =	ssyncadd.s32 $0xFFFFC180  }
0xad: {  	[tilespmem:s12], [sflag:$0x1] =	stream.indirect.gather [hbm4b:s2+s15], $0x80, s21, s15, $0xb8;
	[tilespmem:$0x1C580] =	vst v63  }
0xae: {  	_ = 	snop  }
0xaf: {  	[spmem:s3] =	stream.indirect.scatter.add.f32 [tilespmem:s17], [sflag:$0x4], $0x80, s22, s15, $0xb8;
	[tilespmem:$0x1C580] =	vst v63  }
0xb0: {  	_ =	swait.ge [sflag:s16], $0x3E80  }
0xb1: {  	[sflag:s16] =	ssyncset.done $0x0  }
0xb2: {  	[sflag:s16] =	ssyncadd.s32 $0xFFFFC180  }
0xb3: {  	_ =	swait.ge [sflag:s20], $0x3E80  }
0xb4: {  	[sflag:s20] =	ssyncset.done $0x0  }
0xb5: {  	[sflag:s20] =	ssyncadd.s32 $0xFFFFC180  }
0xb6: {  	[tilespmem:s17], [sflag:$0x2] =	stream.indirect.gather [hbm4b:s2+s15], $0x80, s23, s15, $0xb8;
	[tilespmem:$0x1C580] =	vst v63  }
0xb7: {  	_ = 	snop  }
0xb8: {  	[spmem:s3] =	stream.indirect.scatter.add.f32 [tilespmem:s12], [sflag:$0x3], $0x80, s24, s15, $0xb8;
	[tilespmem:$0x1C580] =	vst v63  }
0xb9: {  	_ =	swait.ge [sflag:s18], $0x3E80  }
0xba: {  	[sflag:s18] =	ssyncset.done $0x0  }
0xbb: {  	[sflag:s18] =	ssyncadd.s32 $0xFFFFC180  }
0xbc: {  	_ =	swait.ge [sflag:s19], $0x3E80  }
0xbd: {  	[sflag:s19] =	ssyncset.done $0x0  }
0xbe: {  	[sflag:s19] =	ssyncadd.s32 $0xFFFFC180  }
0xbf: {  	[tilespmem:s12], [sflag:$0x1] =	stream.indirect.gather [hbm4b:s2+s15], $0x80, s26, s15, $0xb8;
	[tilespmem:$0x1C580] =	vst v63  }
0xc0: {  	_ = 	snop  }
0xc1: {  	[spmem:s3] =	stream.indirect.scatter.add.f32 [tilespmem:s17], [sflag:$0x4], $0x80, s28, s15, $0xb8;
	[tilespmem:$0x1C580] =	vst v63  }
0xc2: {  	_ =	swait.ge [sflag:s16], $0x3E80  }
0xc3: {  	[sflag:s16] =	ssyncset.done $0x0  }
0xc4: {  	[sflag:s16] =	ssyncadd.s32 $0xFFFFC180  }
0xc5: {  	_ =	swait.ge [sflag:s20], $0x3E80  }
0xc6: {  	[sflag:s20] =	ssyncset.done $0x0  }
0xc7: {  	[sflag:s20] =	ssyncadd.s32 $0xFFFFC180  }
0xc8: {  	[tilespmem:s17], [sflag:$0x2] =	stream.indirect.gather [hbm4b:s2+s15], $0x80, s29, s15, $0xb8;
	[tilespmem:$0x1C580] =	vst v63  }
0xc9: {  	_ = 	snop  }
0xca: {  	[spmem:s3] =	stream.indirect.scatter.add.f32 [tilespmem:s12], [sflag:$0x3], $0x80, s30, s15, $0xb8;
	[tilespmem:$0x1C580] =	vst v63  }
0xcb: {  	_ =	swait.ge [sflag:s18], $0x3E80  }
0xcc: {  	[sflag:s18] =	ssyncset.done $0x0  }
0xcd: {  	[sflag:s18] =	ssyncadd.s32 $0xFFFFC180  }
0xce: {  	_ =	swait.ge [sflag:s19], $0x3E80  }
0xcf: {  	[sflag:s19] =	ssyncset.done $0x0  }
0xd0: {  	[sflag:s19] =	ssyncadd.s32 $0xFFFFC180  }
0xd1: {  	[tilespmem:s12], [sflag:$0x1] =	stream.indirect.gather [hbm4b:s2+s15], $0x80, s31, s15, $0xb8;
	[tilespmem:$0x1C580] =	vst v63  }
0xd2: {  	_ = 	snop  }
0xd3: {  	[spmem:s3] =	stream.indirect.scatter.add.f32 [tilespmem:s17], [sflag:$0x4], $0x80, s1, s15, $0xb8;
	[tilespmem:$0x1C580] =	vst v63  }
0xd4: {  	_ =	swait.ge [sflag:s16], $0x3E80  }
0xd5: {  	[sflag:s16] =	ssyncset.done $0x0  }
0xd6: {  	[sflag:s16] =	ssyncadd.s32 $0xFFFFC180  }
0xd7: {  	_ =	swait.ge [sflag:s20], $0x3E80  }
0xd8: {  	[sflag:s20] =	ssyncset.done $0x0  }
0xd9: {  	[sflag:s20] =	ssyncadd.s32 $0xFFFFC180  }
0xda: {  	[tilespmem:s17], [sflag:$0x2] =	stream.indirect.gather [hbm4b:s2+s15], $0x80, s0, s15, $0xb8;
	[tilespmem:$0x1C580] =	vst v63  }
0xdb: {  	_ = 	snop  }
0xdc: {  	[spmem:s3] =	stream.indirect.scatter.add.f32 [tilespmem:s12], [sflag:$0x3], $0x80, s6, s15, $0xb8;
	[tilespmem:$0x1C580] =	vst v63  }
0xdd: {  	p6 =	por $0x0, $0x0;
	_ =	swait.ge [sflag:s18], $0x3E80  }
0xde: {  	p1 =	por p6, p6;
	[sflag:s18] =	ssyncset.done $0x0  }
0xdf: {  	s9 =	simm.s32 $0x100;
	s10 =	simm.s32 $0x200;
	[sflag:s18] =	ssyncadd.s32 $0xFFFFC180  }
.LBB2_4:
0xe0: {  	[spmem:s3] =	stream.indirect.scatter.add.f32 [tilespmem:s17], [sflag:$0x4], $0x80, s7, s15, $0xb8;
	[tilespmem:$0x1C580] =	vst v63  }
0xe1: {  	s25 =	simm.s32 @!p1 $0x3  }
0xe2: {  	_ =	swait.ge @!p1 [sflag:s25], $0x3E80  }
0xe3: {  	[sflag:s25] =	ssyncset.done @!p1 $0x0  }
0xe4: {  	[sflag:s25] =	ssyncadd.s32 @!p1 $0xFFFFC180;
	s25 =	simm.s32 @!p1 $0x4  }
0xe5: {  	_ =	swait.ge @!p1 [sflag:s25], $0x3E80  }
0xe6: {  	s5 =	rddreg [dreg:$0x5];
	[sflag:s25] =	ssyncset.done @!p1 $0x0  }
0xe7: {  	[sflag:s25] =	ssyncadd.s32 @!p1 $0xFFFFC180;
	s5 =	sadd.s32 s9, s5  }
0xe8: {  	[tilespmem:s4], [sflag:$0x5] =	stream.linear.gather [hbm4b:s5+s4], $0x800, $0x38;
	[tilespmem:$0x1C580] =	vst v63  }
0xe9: {  	_ =	swait.ge [sflag:s13], $0x800  }
0xea: {  	s25 =	rddreg [dreg:$0x4];
	[sflag:s13] =	ssyncset.done $0x0  }
0xeb: {  	[sflag:s13] =	ssyncadd.s32 $0xFFFFF800;
	s5 =	sadd.s32 s9, s25  }
0xec: {  	[tilespmem:s14], [sflag:$0x5] =	stream.linear.gather [hbm4b:s5+s4], $0x800, $0x38;
	[tilespmem:$0x1C580] =	vst v63  }
0xed: {  	_ =	swait.ge [sflag:s13], $0x800  }
0xee: {  	[sflag:s13] =	ssyncset.done $0x0  }
0xef: {  	[sflag:s13] =	ssyncadd.s32 $0xFFFFF800  }
0xf0: {  	[tilespmem:s12], [sflag:$0x1] =	stream.indirect.gather [hbm4b:s2+s15], $0x80, s4, s15, $0xb8;
	[tilespmem:$0x1C580] =	vst v63  }
0xf1: {  	_ =	swait.ge [sflag:s16], $0x3E80  }
0xf2: {  	[sflag:s16] =	ssyncset.done $0x0  }
0xf3: {  	s25 =	rddreg [dreg:$0x6];
	[sflag:s16] =	ssyncadd.s32 $0xFFFFC180  }
0xf4: {  	[tilespmem:s17], [sflag:$0x2] =	stream.indirect.gather [hbm4b:s2+s15], $0x80, s25, s15, $0xb8;
	[tilespmem:$0x1C580] =	vst v63  }
0xf5: {  	_ = 	snop  }
0xf6: {  	[spmem:s3] =	stream.indirect.scatter.add.f32 [tilespmem:s12], [sflag:$0x3], $0x80, s14, s15, $0xb8;
	[tilespmem:$0x1C580] =	vst v63  }
0xf7: {  	_ =	swait.ge [sflag:s18], $0x3E80  }
0xf8: {  	[sflag:s18] =	ssyncset.done $0x0  }
0xf9: {  	[sflag:s18] =	ssyncadd.s32 $0xFFFFC180  }
0xfa: {  	s11 =	smov.u32 s10;
	_ =	swait.ge [sflag:s19], $0x3E80  }
0xfb: {  	p3 =	seq.s32 s11, $0x0;
	[sflag:s19] =	ssyncset.done $0x0  }
0xfc: {  	s9 =	smov.u32 s11;
	s11 =	rddreg [dreg:$0x7];
	[sflag:s19] =	ssyncadd.s32 $0xFFFFC180  }
0xfd: {  	[tilespmem:s12], [sflag:$0x1] =	stream.indirect.gather [hbm4b:s2+s15], $0x80, s11, s15, $0xb8;
	[tilespmem:$0x1C580] =	vst v63  }
0xfe: {  	s25 =	rddreg [dreg:$0x8]  }
0xff: {  	[spmem:s3] =	stream.indirect.scatter.add.f32 [tilespmem:s17], [sflag:$0x4], $0x80, s25, s15, $0xb8;
	[tilespmem:$0x1C580] =	vst v63  }
0x100: {  	_ =	swait.ge [sflag:s16], $0x3E80  }
0x101: {  	[sflag:s16] =	ssyncset.done $0x0  }
0x102: {  	[sflag:s16] =	ssyncadd.s32 $0xFFFFC180  }
0x103: {  	_ =	swait.ge [sflag:s20], $0x3E80  }
0x104: {  	[sflag:s20] =	ssyncset.done $0x0  }
0x105: {  	s11 =	rddreg [dreg:$0x9];
	[sflag:s20] =	ssyncadd.s32 $0xFFFFC180  }
0x106: {  	[tilespmem:s17], [sflag:$0x2] =	stream.indirect.gather [hbm4b:s2+s15], $0x80, s11, s15, $0xb8;
	[tilespmem:$0x1C580] =	vst v63  }
0x107: {  	s25 =	rddreg [dreg:$0xa]  }
0x108: {  	[spmem:s3] =	stream.indirect.scatter.add.f32 [tilespmem:s12], [sflag:$0x3], $0x80, s25, s15, $0xb8;
	[tilespmem:$0x1C580] =	vst v63  }
0x109: {  	_ =	swait.ge [sflag:s18], $0x3E80  }
0x10a: {  	[sflag:s18] =	ssyncset.done $0x0  }
0x10b: {  	[sflag:s18] =	ssyncadd.s32 $0xFFFFC180  }
0x10c: {  	_ =	swait.ge [sflag:s19], $0x3E80  }
0x10d: {  	[sflag:s19] =	ssyncset.done $0x0  }
0x10e: {  	s11 =	rddreg [dreg:$0xb];
	[sflag:s19] =	ssyncadd.s32 $0xFFFFC180  }
0x10f: {  	[tilespmem:s12], [sflag:$0x1] =	stream.indirect.gather [hbm4b:s2+s15], $0x80, s11, s15, $0xb8;
	[tilespmem:$0x1C580] =	vst v63  }
0x110: {  	s25 =	rddreg [dreg:$0xc]  }
0x111: {  	[spmem:s3] =	stream.indirect.scatter.add.f32 [tilespmem:s17], [sflag:$0x4], $0x80, s25, s15, $0xb8;
	[tilespmem:$0x1C580] =	vst v63  }
0x112: {  	_ =	swait.ge [sflag:s16], $0x3E80  }
0x113: {  	[sflag:s16] =	ssyncset.done $0x0  }
0x114: {  	[sflag:s16] =	ssyncadd.s32 $0xFFFFC180  }
0x115: {  	_ =	swait.ge [sflag:s20], $0x3E80  }
0x116: {  	[sflag:s20] =	ssyncset.done $0x0  }
0x117: {  	s11 =	rddreg [dreg:$0xd];
	[sflag:s20] =	ssyncadd.s32 $0xFFFFC180  }
0x118: {  	[tilespmem:s17], [sflag:$0x2] =	stream.indirect.gather [hbm4b:s2+s15], $0x80, s11, s15, $0xb8;
	[tilespmem:$0x1C580] =	vst v63  }
0x119: {  	s25 =	rddreg [dreg:$0xe]  }
0x11a: {  	[spmem:s3] =	stream.indirect.scatter.add.f32 [tilespmem:s12], [sflag:$0x3], $0x80, s25, s15, $0xb8;
	[tilespmem:$0x1C580] =	vst v63  }
0x11b: {  	_ =	swait.ge [sflag:s18], $0x3E80  }
0x11c: {  	[sflag:s18] =	ssyncset.done $0x0  }
0x11d: {  	[sflag:s18] =	ssyncadd.s32 $0xFFFFC180  }
0x11e: {  	_ =	swait.ge [sflag:s19], $0x3E80  }
0x11f: {  	[sflag:s19] =	ssyncset.done $0x0  }
0x120: {  	s11 =	rddreg [dreg:$0xf];
	[sflag:s19] =	ssyncadd.s32 $0xFFFFC180  }
0x121: {  	[tilespmem:s12], [sflag:$0x1] =	stream.indirect.gather [hbm4b:s2+s15], $0x80, s11, s15, $0xb8;
	[tilespmem:$0x1C580] =	vst v63  }
0x122: {  	s25 =	rddreg [dreg:$0x10]  }
0x123: {  	[spmem:s3] =	stream.indirect.scatter.add.f32 [tilespmem:s17], [sflag:$0x4], $0x80, s25, s15, $0xb8;
	[tilespmem:$0x1C580] =	vst v63  }
0x124: {  	_ =	swait.ge [sflag:s16], $0x3E80  }
0x125: {  	[sflag:s16] =	ssyncset.done $0x0  }
0x126: {  	[sflag:s16] =	ssyncadd.s32 $0xFFFFC180  }
0x127: {  	_ =	swait.ge [sflag:s20], $0x3E80  }
0x128: {  	[sflag:s20] =	ssyncset.done $0x0  }
0x129: {  	s11 =	rddreg [dreg:$0x11];
	[sflag:s20] =	ssyncadd.s32 $0xFFFFC180  }
0x12a: {  	[tilespmem:s17], [sflag:$0x2] =	stream.indirect.gather [hbm4b:s2+s15], $0x80, s11, s15, $0xb8;
	[tilespmem:$0x1C580] =	vst v63  }
0x12b: {  	s25 =	rddreg [dreg:$0x12]  }
0x12c: {  	[spmem:s3] =	stream.indirect.scatter.add.f32 [tilespmem:s12], [sflag:$0x3], $0x80, s25, s15, $0xb8;
	[tilespmem:$0x1C580] =	vst v63  }
0x12d: {  	_ =	swait.ge [sflag:s18], $0x3E80  }
0x12e: {  	[sflag:s18] =	ssyncset.done $0x0  }
0x12f: {  	[sflag:s18] =	ssyncadd.s32 $0xFFFFC180  }
0x130: {  	_ =	swait.ge [sflag:s19], $0x3E80  }
0x131: {  	[sflag:s19] =	ssyncset.done $0x0  }
0x132: {  	s11 =	rddreg [dreg:$0x13];
	[sflag:s19] =	ssyncadd.s32 $0xFFFFC180  }
0x133: {  	[tilespmem:s12], [sflag:$0x1] =	stream.indirect.gather [hbm4b:s2+s15], $0x80, s11, s15, $0xb8;
	[tilespmem:$0x1C580] =	vst v63  }
0x134: {  	s25 =	rddreg [dreg:$0x14]  }
0x135: {  	[spmem:s3] =	stream.indirect.scatter.add.f32 [tilespmem:s17], [sflag:$0x4], $0x80, s25, s15, $0xb8;
	[tilespmem:$0x1C580] =	vst v63  }
0x136: {  	_ =	swait.ge [sflag:s16], $0x3E80  }
0x137: {  	[sflag:s16] =	ssyncset.done $0x0  }
0x138: {  	[sflag:s16] =	ssyncadd.s32 $0xFFFFC180  }
0x139: {  	_ =	swait.ge [sflag:s20], $0x3E80  }
0x13a: {  	[sflag:s20] =	ssyncset.done $0x0  }
0x13b: {  	s11 =	rddreg [dreg:$0x15];
	[sflag:s20] =	ssyncadd.s32 $0xFFFFC180  }
0x13c: {  	[tilespmem:s17], [sflag:$0x2] =	stream.indirect.gather [hbm4b:s2+s15], $0x80, s11, s15, $0xb8;
	[tilespmem:$0x1C580] =	vst v63  }
0x13d: {  	s25 =	rddreg [dreg:$0x16]  }
0x13e: {  	[spmem:s3] =	stream.indirect.scatter.add.f32 [tilespmem:s12], [sflag:$0x3], $0x80, s25, s15, $0xb8;
	[tilespmem:$0x1C580] =	vst v63  }
0x13f: {  	_ =	swait.ge [sflag:s18], $0x3E80  }
0x140: {  	[sflag:s18] =	ssyncset.done $0x0  }
0x141: {  	[sflag:s18] =	ssyncadd.s32 $0xFFFFC180  }
0x142: {  	_ =	swait.ge [sflag:s19], $0x3E80  }
0x143: {  	[sflag:s19] =	ssyncset.done $0x0  }
0x144: {  	[sflag:s19] =	ssyncadd.s32 $0xFFFFC180  }
0x145: {  	[tilespmem:s12], [sflag:$0x1] =	stream.indirect.gather [hbm4b:s2+s15], $0x80, s21, s15, $0xb8;
	[tilespmem:$0x1C580] =	vst v63  }
0x146: {  	_ = 	snop  }
0x147: {  	[spmem:s3] =	stream.indirect.scatter.add.f32 [tilespmem:s17], [sflag:$0x4], $0x80, s22, s15, $0xb8;
	[tilespmem:$0x1C580] =	vst v63  }
0x148: {  	_ =	swait.ge [sflag:s16], $0x3E80  }
0x149: {  	[sflag:s16] =	ssyncset.done $0x0  }
0x14a: {  	[sflag:s16] =	ssyncadd.s32 $0xFFFFC180  }
0x14b: {  	_ =	swait.ge [sflag:s20], $0x3E80  }
0x14c: {  	[sflag:s20] =	ssyncset.done $0x0  }
0x14d: {  	[sflag:s20] =	ssyncadd.s32 $0xFFFFC180  }
0x14e: {  	[tilespmem:s17], [sflag:$0x2] =	stream.indirect.gather [hbm4b:s2+s15], $0x80, s23, s15, $0xb8;
	[tilespmem:$0x1C580] =	vst v63  }
0x14f: {  	_ = 	snop  }
0x150: {  	[spmem:s3] =	stream.indirect.scatter.add.f32 [tilespmem:s12], [sflag:$0x3], $0x80, s24, s15, $0xb8;
	[tilespmem:$0x1C580] =	vst v63  }
0x151: {  	_ =	swait.ge [sflag:s18], $0x3E80  }
0x152: {  	[sflag:s18] =	ssyncset.done $0x0  }
0x153: {  	[sflag:s18] =	ssyncadd.s32 $0xFFFFC180  }
0x154: {  	_ =	swait.ge [sflag:s19], $0x3E80  }
0x155: {  	[sflag:s19] =	ssyncset.done $0x0  }
0x156: {  	[sflag:s19] =	ssyncadd.s32 $0xFFFFC180  }
0x157: {  	[tilespmem:s12], [sflag:$0x1] =	stream.indirect.gather [hbm4b:s2+s15], $0x80, s26, s15, $0xb8;
	[tilespmem:$0x1C580] =	vst v63  }
0x158: {  	_ = 	snop  }
0x159: {  	[spmem:s3] =	stream.indirect.scatter.add.f32 [tilespmem:s17], [sflag:$0x4], $0x80, s28, s15, $0xb8;
	[tilespmem:$0x1C580] =	vst v63  }
0x15a: {  	_ =	swait.ge [sflag:s16], $0x3E80  }
0x15b: {  	[sflag:s16] =	ssyncset.done $0x0  }
0x15c: {  	[sflag:s16] =	ssyncadd.s32 $0xFFFFC180  }
0x15d: {  	_ =	swait.ge [sflag:s20], $0x3E80  }
0x15e: {  	[sflag:s20] =	ssyncset.done $0x0  }
0x15f: {  	[sflag:s20] =	ssyncadd.s32 $0xFFFFC180  }
0x160: {  	[tilespmem:s17], [sflag:$0x2] =	stream.indirect.gather [hbm4b:s2+s15], $0x80, s29, s15, $0xb8;
	[tilespmem:$0x1C580] =	vst v63  }
0x161: {  	_ = 	snop  }
0x162: {  	[spmem:s3] =	stream.indirect.scatter.add.f32 [tilespmem:s12], [sflag:$0x3], $0x80, s30, s15, $0xb8;
	[tilespmem:$0x1C580] =	vst v63  }
0x163: {  	_ =	swait.ge [sflag:s18], $0x3E80  }
0x164: {  	[sflag:s18] =	ssyncset.done $0x0  }
0x165: {  	[sflag:s18] =	ssyncadd.s32 $0xFFFFC180  }
0x166: {  	_ =	swait.ge [sflag:s19], $0x3E80  }
0x167: {  	[sflag:s19] =	ssyncset.done $0x0  }
0x168: {  	[sflag:s19] =	ssyncadd.s32 $0xFFFFC180  }
0x169: {  	[tilespmem:s12], [sflag:$0x1] =	stream.indirect.gather [hbm4b:s2+s15], $0x80, s31, s15, $0xb8;
	[tilespmem:$0x1C580] =	vst v63  }
0x16a: {  	_ = 	snop  }
0x16b: {  	[spmem:s3] =	stream.indirect.scatter.add.f32 [tilespmem:s17], [sflag:$0x4], $0x80, s1, s15, $0xb8;
	[tilespmem:$0x1C580] =	vst v63  }
0x16c: {  	_ =	swait.ge [sflag:s16], $0x3E80  }
0x16d: {  	[sflag:s16] =	ssyncset.done $0x0  }
0x16e: {  	[sflag:s16] =	ssyncadd.s32 $0xFFFFC180  }
0x16f: {  	_ =	swait.ge [sflag:s20], $0x3E80  }
0x170: {  	s10 =	sadd.s32 $0x100, s10;
	[sflag:s20] =	ssyncset.done $0x0  }
0x171: {  	p2 =	sne.s32 s10, $0x500;
	[sflag:s20] =	ssyncadd.s32 $0xFFFFC180  }
0x172: {  	[tilespmem:s17], [sflag:$0x2] =	stream.indirect.gather [hbm4b:s2+s15], $0x80, s0, s15, $0xb8;
	[tilespmem:$0x1C580] =	vst v63  }
.Ltmp1:
0x173: {  	_ = 	snop;
	(pc) =	sbr.rel @p2 .LBB2_4-.Ltmp1, $4  }
0x174: {  	[spmem:s3] =	stream.indirect.scatter.add.f32 [tilespmem:s12], [sflag:$0x3], $0x80, s6, s15, $0xb8;
	[tilespmem:$0x1C580] =	vst v63  }
0x175: {  	_ =	swait.ge [sflag:s18], $0x3E80  }
0x176: {  	[sflag:s18] =	ssyncset.done $0x0  }
0x177: {  	p1 =	por p3, p3;
	[sflag:s18] =	ssyncadd.s32 $0xFFFFC180  }
0x178: {  	[spmem:s3] =	stream.indirect.scatter.add.f32 [tilespmem:s17], [sflag:$0x4], $0x80, s7, s15, $0xb8;
	[tilespmem:$0x1C580] =	vst v63  }
0x179: {  	s5 =	simm.s32 @!p1 $0x3  }
0x17a: {  	_ =	swait.ge @!p1 [sflag:s5], $0x3E80  }
0x17b: {  	[sflag:s5] =	ssyncset.done @!p1 $0x0  }
0x17c: {  	[sflag:s5] =	ssyncadd.s32 @!p1 $0xFFFFC180;
	s5 =	simm.s32 @!p1 $0x4  }
0x17d: {  	_ =	swait.ge @!p1 [sflag:s5], $0x3E80  }
0x17e: {  	s10 =	rddreg [dreg:$0x5];
	[sflag:s5] =	ssyncset.done @!p1 $0x0  }
0x17f: {  	[sflag:s5] =	ssyncadd.s32 @!p1 $0xFFFFC180;
	s11 =	sadd.s32 s9, s10  }
0x180: {  	[tilespmem:s4], [sflag:$0x5] =	stream.linear.gather [hbm4b:s11+s4], $0x800, $0x38;
	[tilespmem:$0x1C580] =	vst v63  }
0x181: {  	_ =	swait.ge [sflag:s13], $0x800  }
0x182: {  	s25 =	rddreg [dreg:$0x4];
	[sflag:s13] =	ssyncset.done $0x0  }
0x183: {  	[sflag:s13] =	ssyncadd.s32 $0xFFFFF800;
	s5 =	sadd.s32 s9, s25  }
0x184: {  	[tilespmem:s14], [sflag:$0x5] =	stream.linear.gather [hbm4b:s5+s4], $0x800, $0x38;
	[tilespmem:$0x1C580] =	vst v63  }
0x185: {  	_ =	swait.ge [sflag:s13], $0x800  }
0x186: {  	[sflag:s13] =	ssyncset.done $0x0  }
0x187: {  	[sflag:s13] =	ssyncadd.s32 $0xFFFFF800  }
0x188: {  	[tilespmem:s12], [sflag:$0x1] =	stream.indirect.gather [hbm4b:s2+s15], $0x80, s4, s15, $0xb8;
	[tilespmem:$0x1C580] =	vst v63  }
0x189: {  	_ =	swait.ge [sflag:s16], $0x3E80  }
0x18a: {  	[sflag:s16] =	ssyncset.done $0x0  }
0x18b: {  	s10 =	rddreg [dreg:$0x6];
	[sflag:s16] =	ssyncadd.s32 $0xFFFFC180  }
0x18c: {  	[tilespmem:s17], [sflag:$0x2] =	stream.indirect.gather [hbm4b:s2+s15], $0x80, s10, s15, $0xb8;
	[tilespmem:$0x1C580] =	vst v63  }
0x18d: {  	_ = 	snop  }
0x18e: {  	[spmem:s3] =	stream.indirect.scatter.add.f32 [tilespmem:s12], [sflag:$0x3], $0x80, s14, s15, $0xb8;
	[tilespmem:$0x1C580] =	vst v63  }
0x18f: {  	_ =	swait.ge [sflag:s18], $0x3E80  }
0x190: {  	[sflag:s18] =	ssyncset.done $0x0  }
0x191: {  	[sflag:s18] =	ssyncadd.s32 $0xFFFFC180  }
0x192: {  	_ =	swait.ge [sflag:s19], $0x3E80  }
0x193: {  	[sflag:s19] =	ssyncset.done $0x0  }
0x194: {  	s11 =	rddreg [dreg:$0x7];
	[sflag:s19] =	ssyncadd.s32 $0xFFFFC180  }
0x195: {  	[tilespmem:s12], [sflag:$0x1] =	stream.indirect.gather [hbm4b:s2+s15], $0x80, s11, s15, $0xb8;
	[tilespmem:$0x1C580] =	vst v63  }
0x196: {  	s25 =	rddreg [dreg:$0x8]  }
0x197: {  	[spmem:s3] =	stream.indirect.scatter.add.f32 [tilespmem:s17], [sflag:$0x4], $0x80, s25, s15, $0xb8;
	[tilespmem:$0x1C580] =	vst v63  }
0x198: {  	_ =	swait.ge [sflag:s16], $0x3E80  }
0x199: {  	[sflag:s16] =	ssyncset.done $0x0  }
0x19a: {  	[sflag:s16] =	ssyncadd.s32 $0xFFFFC180  }
0x19b: {  	_ =	swait.ge [sflag:s20], $0x3E80  }
0x19c: {  	[sflag:s20] =	ssyncset.done $0x0  }
0x19d: {  	s9 =	rddreg [dreg:$0x9];
	[sflag:s20] =	ssyncadd.s32 $0xFFFFC180  }
0x19e: {  	[tilespmem:s17], [sflag:$0x2] =	stream.indirect.gather [hbm4b:s2+s15], $0x80, s9, s15, $0xb8;
	[tilespmem:$0x1C580] =	vst v63  }
0x19f: {  	s10 =	rddreg [dreg:$0xa]  }
0x1a0: {  	[spmem:s3] =	stream.indirect.scatter.add.f32 [tilespmem:s12], [sflag:$0x3], $0x80, s10, s15, $0xb8;
	[tilespmem:$0x1C580] =	vst v63  }
0x1a1: {  	_ =	swait.ge [sflag:s18], $0x3E80  }
0x1a2: {  	[sflag:s18] =	ssyncset.done $0x0  }
0x1a3: {  	[sflag:s18] =	ssyncadd.s32 $0xFFFFC180  }
0x1a4: {  	_ =	swait.ge [sflag:s19], $0x3E80  }
0x1a5: {  	[sflag:s19] =	ssyncset.done $0x0  }
0x1a6: {  	s11 =	rddreg [dreg:$0xb];
	[sflag:s19] =	ssyncadd.s32 $0xFFFFC180  }
0x1a7: {  	[tilespmem:s12], [sflag:$0x1] =	stream.indirect.gather [hbm4b:s2+s15], $0x80, s11, s15, $0xb8;
	[tilespmem:$0x1C580] =	vst v63  }
0x1a8: {  	s25 =	rddreg [dreg:$0xc]  }
0x1a9: {  	[spmem:s3] =	stream.indirect.scatter.add.f32 [tilespmem:s17], [sflag:$0x4], $0x80, s25, s15, $0xb8;
	[tilespmem:$0x1C580] =	vst v63  }
0x1aa: {  	_ =	swait.ge [sflag:s16], $0x3E80  }
0x1ab: {  	[sflag:s16] =	ssyncset.done $0x0  }
0x1ac: {  	[sflag:s16] =	ssyncadd.s32 $0xFFFFC180  }
0x1ad: {  	_ =	swait.ge [sflag:s20], $0x3E80  }
0x1ae: {  	[sflag:s20] =	ssyncset.done $0x0  }
0x1af: {  	s9 =	rddreg [dreg:$0xd];
	[sflag:s20] =	ssyncadd.s32 $0xFFFFC180  }
0x1b0: {  	[tilespmem:s17], [sflag:$0x2] =	stream.indirect.gather [hbm4b:s2+s15], $0x80, s9, s15, $0xb8;
	[tilespmem:$0x1C580] =	vst v63  }
0x1b1: {  	s10 =	rddreg [dreg:$0xe]  }
0x1b2: {  	[spmem:s3] =	stream.indirect.scatter.add.f32 [tilespmem:s12], [sflag:$0x3], $0x80, s10, s15, $0xb8;
	[tilespmem:$0x1C580] =	vst v63  }
0x1b3: {  	_ =	swait.ge [sflag:s18], $0x3E80  }
0x1b4: {  	[sflag:s18] =	ssyncset.done $0x0  }
0x1b5: {  	[sflag:s18] =	ssyncadd.s32 $0xFFFFC180  }
0x1b6: {  	_ =	swait.ge [sflag:s19], $0x3E80  }
0x1b7: {  	[sflag:s19] =	ssyncset.done $0x0  }
0x1b8: {  	s11 =	rddreg [dreg:$0xf];
	[sflag:s19] =	ssyncadd.s32 $0xFFFFC180  }
0x1b9: {  	[tilespmem:s12], [sflag:$0x1] =	stream.indirect.gather [hbm4b:s2+s15], $0x80, s11, s15, $0xb8;
	[tilespmem:$0x1C580] =	vst v63  }
0x1ba: {  	s25 =	rddreg [dreg:$0x10]  }
0x1bb: {  	[spmem:s3] =	stream.indirect.scatter.add.f32 [tilespmem:s17], [sflag:$0x4], $0x80, s25, s15, $0xb8;
	[tilespmem:$0x1C580] =	vst v63  }
0x1bc: {  	_ =	swait.ge [sflag:s16], $0x3E80  }
0x1bd: {  	[sflag:s16] =	ssyncset.done $0x0  }
0x1be: {  	[sflag:s16] =	ssyncadd.s32 $0xFFFFC180  }
0x1bf: {  	_ =	swait.ge [sflag:s20], $0x3E80  }
0x1c0: {  	[sflag:s20] =	ssyncset.done $0x0  }
0x1c1: {  	s9 =	rddreg [dreg:$0x11];
	[sflag:s20] =	ssyncadd.s32 $0xFFFFC180  }
0x1c2: {  	[tilespmem:s17], [sflag:$0x2] =	stream.indirect.gather [hbm4b:s2+s15], $0x80, s9, s15, $0xb8;
	[tilespmem:$0x1C580] =	vst v63  }
0x1c3: {  	s10 =	rddreg [dreg:$0x12]  }
0x1c4: {  	[spmem:s3] =	stream.indirect.scatter.add.f32 [tilespmem:s12], [sflag:$0x3], $0x80, s10, s15, $0xb8;
	[tilespmem:$0x1C580] =	vst v63  }
0x1c5: {  	_ =	swait.ge [sflag:s18], $0x3E80  }
0x1c6: {  	[sflag:s18] =	ssyncset.done $0x0  }
0x1c7: {  	[sflag:s18] =	ssyncadd.s32 $0xFFFFC180  }
0x1c8: {  	_ =	swait.ge [sflag:s19], $0x3E80  }
0x1c9: {  	[sflag:s19] =	ssyncset.done $0x0  }
0x1ca: {  	s11 =	rddreg [dreg:$0x13];
	[sflag:s19] =	ssyncadd.s32 $0xFFFFC180  }
0x1cb: {  	[tilespmem:s12], [sflag:$0x1] =	stream.indirect.gather [hbm4b:s2+s15], $0x80, s11, s15, $0xb8;
	[tilespmem:$0x1C580] =	vst v63  }
0x1cc: {  	s25 =	rddreg [dreg:$0x14]  }
0x1cd: {  	[spmem:s3] =	stream.indirect.scatter.add.f32 [tilespmem:s17], [sflag:$0x4], $0x80, s25, s15, $0xb8;
	[tilespmem:$0x1C580] =	vst v63  }
0x1ce: {  	_ =	swait.ge [sflag:s16], $0x3E80  }
0x1cf: {  	[sflag:s16] =	ssyncset.done $0x0  }
0x1d0: {  	[sflag:s16] =	ssyncadd.s32 $0xFFFFC180  }
0x1d1: {  	_ =	swait.ge [sflag:s20], $0x3E80  }
0x1d2: {  	[sflag:s20] =	ssyncset.done $0x0  }
0x1d3: {  	s10 =	rddreg [dreg:$0x15];
	[sflag:s20] =	ssyncadd.s32 $0xFFFFC180  }
0x1d4: {  	[tilespmem:s17], [sflag:$0x2] =	stream.indirect.gather [hbm4b:s2+s15], $0x80, s10, s15, $0xb8;
	[tilespmem:$0x1C580] =	vst v63  }
0x1d5: {  	s11 =	rddreg [dreg:$0x16]  }
0x1d6: {  	[spmem:s3] =	stream.indirect.scatter.add.f32 [tilespmem:s12], [sflag:$0x3], $0x80, s11, s15, $0xb8;
	[tilespmem:$0x1C580] =	vst v63  }
0x1d7: {  	_ =	swait.ge [sflag:s18], $0x3E80  }
0x1d8: {  	[sflag:s18] =	ssyncset.done $0x0  }
0x1d9: {  	[sflag:s18] =	ssyncadd.s32 $0xFFFFC180  }
0x1da: {  	_ =	swait.ge [sflag:s19], $0x3E80  }
0x1db: {  	[sflag:s19] =	ssyncset.done $0x0  }
0x1dc: {  	[sflag:s19] =	ssyncadd.s32 $0xFFFFC180  }
0x1dd: {  	[tilespmem:s12], [sflag:$0x1] =	stream.indirect.gather [hbm4b:s2+s15], $0x80, s21, s15, $0xb8;
	[tilespmem:$0x1C580] =	vst v63  }
0x1de: {  	_ = 	snop  }
0x1df: {  	[spmem:s3] =	stream.indirect.scatter.add.f32 [tilespmem:s17], [sflag:$0x4], $0x80, s22, s15, $0xb8;
	[tilespmem:$0x1C580] =	vst v63  }
0x1e0: {  	_ =	swait.ge [sflag:s16], $0x3E80  }
0x1e1: {  	[sflag:s16] =	ssyncset.done $0x0  }
0x1e2: {  	[sflag:s16] =	ssyncadd.s32 $0xFFFFC180  }
0x1e3: {  	_ =	swait.ge [sflag:s20], $0x3E80  }
0x1e4: {  	[sflag:s20] =	ssyncset.done $0x0  }
0x1e5: {  	[sflag:s20] =	ssyncadd.s32 $0xFFFFC180  }
0x1e6: {  	[tilespmem:s17], [sflag:$0x2] =	stream.indirect.gather [hbm4b:s2+s15], $0x80, s23, s15, $0xb8;
	[tilespmem:$0x1C580] =	vst v63  }
0x1e7: {  	_ = 	snop  }
0x1e8: {  	[spmem:s3] =	stream.indirect.scatter.add.f32 [tilespmem:s12], [sflag:$0x3], $0x80, s24, s15, $0xb8;
	[tilespmem:$0x1C580] =	vst v63  }
0x1e9: {  	_ =	swait.ge [sflag:s18], $0x3E80  }
0x1ea: {  	[sflag:s18] =	ssyncset.done $0x0  }
0x1eb: {  	[sflag:s18] =	ssyncadd.s32 $0xFFFFC180  }
0x1ec: {  	_ =	swait.ge [sflag:s19], $0x3E80  }
0x1ed: {  	[sflag:s19] =	ssyncset.done $0x0  }
0x1ee: {  	[sflag:s19] =	ssyncadd.s32 $0xFFFFC180  }
0x1ef: {  	[tilespmem:s12], [sflag:$0x1] =	stream.indirect.gather [hbm4b:s2+s15], $0x80, s26, s15, $0xb8;
	[tilespmem:$0x1C580] =	vst v63  }
0x1f0: {  	_ = 	snop  }
0x1f1: {  	[spmem:s3] =	stream.indirect.scatter.add.f32 [tilespmem:s17], [sflag:$0x4], $0x80, s28, s15, $0xb8;
	[tilespmem:$0x1C580] =	vst v63  }
0x1f2: {  	_ =	swait.ge [sflag:s16], $0x3E80  }
0x1f3: {  	[sflag:s16] =	ssyncset.done $0x0  }
0x1f4: {  	[sflag:s16] =	ssyncadd.s32 $0xFFFFC180  }
0x1f5: {  	_ =	swait.ge [sflag:s20], $0x3E80  }
0x1f6: {  	[sflag:s20] =	ssyncset.done $0x0  }
0x1f7: {  	[sflag:s20] =	ssyncadd.s32 $0xFFFFC180  }
0x1f8: {  	[tilespmem:s17], [sflag:$0x2] =	stream.indirect.gather [hbm4b:s2+s15], $0x80, s29, s15, $0xb8;
	[tilespmem:$0x1C580] =	vst v63  }
0x1f9: {  	_ = 	snop  }
0x1fa: {  	[spmem:s3] =	stream.indirect.scatter.add.f32 [tilespmem:s12], [sflag:$0x3], $0x80, s30, s15, $0xb8;
	[tilespmem:$0x1C580] =	vst v63  }
0x1fb: {  	_ =	swait.ge [sflag:s18], $0x3E80  }
0x1fc: {  	[sflag:s18] =	ssyncset.done $0x0  }
0x1fd: {  	[sflag:s18] =	ssyncadd.s32 $0xFFFFC180  }
0x1fe: {  	_ =	swait.ge [sflag:s19], $0x3E80  }
0x1ff: {  	[sflag:s19] =	ssyncset.done $0x0  }
0x200: {  	[sflag:s19] =	ssyncadd.s32 $0xFFFFC180  }
0x201: {  	[tilespmem:s12], [sflag:$0x1] =	stream.indirect.gather [hbm4b:s2+s15], $0x80, s31, s15, $0xb8;
	[tilespmem:$0x1C580] =	vst v63  }
0x202: {  	_ = 	snop  }
0x203: {  	[spmem:s3] =	stream.indirect.scatter.add.f32 [tilespmem:s17], [sflag:$0x4], $0x80, s1, s15, $0xb8;
	[tilespmem:$0x1C580] =	vst v63  }
0x204: {  	_ =	swait.ge [sflag:s16], $0x3E80  }
0x205: {  	[sflag:s16] =	ssyncset.done $0x0  }
0x206: {  	[sflag:s16] =	ssyncadd.s32 $0xFFFFC180  }
0x207: {  	_ =	swait.ge [sflag:s20], $0x3E80  }
0x208: {  	[sflag:s20] =	ssyncset.done $0x0  }
0x209: {  	[sflag:s20] =	ssyncadd.s32 $0xFFFFC180  }
0x20a: {  	[tilespmem:s17], [sflag:$0x2] =	stream.indirect.gather [hbm4b:s2+s15], $0x80, s0, s15, $0xb8;
	[tilespmem:$0x1C580] =	vst v63  }
0x20b: {  	_ = 	snop  }
0x20c: {  	[spmem:s3] =	stream.indirect.scatter.add.f32 [tilespmem:s12], [sflag:$0x3], $0x80, s6, s15, $0xb8;
	[tilespmem:$0x1C580] =	vst v63  }
0x20d: {  	_ =	swait.ge [sflag:s18], $0x3E80  }
0x20e: {  	[sflag:s18] =	ssyncset.done $0x0  }
0x20f: {  	[sflag:s18] =	ssyncadd.s32 $0xFFFFC180  }
0x210: {  	[spmem:s3] =	stream.indirect.scatter.add.f32 [tilespmem:s17], [sflag:$0x4], $0x80, s7, s15, $0xb8;
	[tilespmem:$0x1C580] =	vst v63  }
0x211: {  	_ =	swait.ge [sflag:s19], $0x3E80  }
0x212: {  	[sflag:s19] =	ssyncset.done $0x0  }
0x213: {  	[sflag:s19] =	ssyncadd.s32 $0xFFFFC180  }
0x214: {  	_ =	swait.ge [sflag:s20], $0x3E80  }
0x215: {  	[sflag:s20] =	ssyncset.done $0x0  }
0x216: {  	[sflag:s20] =	ssyncadd.s32 $0xFFFFC180  }
0x217: {  	s5 =	stileid.u32;
	[bflag:$0x0] =	sbarrier.arrive $0xFFFF  }
0x218: {  	s5 =	sshll.u32 @!p0 s5, $0x6;
	s9 =	rddreg [dreg:$0x1c]  }
0x219: {  	s5 =	sor.u32 @!p0 $0x1C05, s5;
	s10 =	rddreg [dreg:$0x1e]  }
0x21a: {  	[hbm:s9], [sflag:s5] =	dma.local @!p0 [spmem:s10], $0x3E80  }
0x21b: {  	s5 =	simm.s32 @!p0 $0x5  }
0x21c: {  	_ =	swait.ge @!p0 [sflag:s5], $0x3E80  }
0x21d: {  	s8 =	sadd.s32 $0x1, s8;
	s25 =	rddreg [dreg:$0x1d]  }
0x21e: {  	p1 =	sne.s32 s8, s25  }
.Ltmp2:
0x21f: {  	_ = 	snop;
	(pc) =	sbr.rel @p1 .LBB2_1-.Ltmp2, $3  }
0x220: {  	_ =	sdelay $0x1  }
0x221: {  	[sflag:s5] =	ssyncset.done @!p0 $0x0  }
0x222: {  	[sflag:s5] =	ssyncadd.s32 @!p0 $0xFFFFC180  }
0x223: {  	_ =	sfence.sel $0x180000  }
0x224: {  	[bflag:$0x0] =	sbarrier.arrive $0xFFFF  }
0x225: {  	_ =	strace $0x9000004A  }
0x226: {  	s0 =	stileid.u32;
	[bflag:$0x2] =	sbarrier.arrive $0xFFFF  }
0x227: {  	p0 =	sne.s32 s0, $0x0;
	s0 =	rddreg [dreg:$0x3]  }
0x228: {  	s0 =	sadd.s32 @!p0 $0x100000, s0  }
0x229: {  	[sflag:s0] =	ssyncadd.tile.s32 @!p0 $0x1;
	_ =	shalt  }
.Lfunc_end2:
_tile_overlayer_lowered:
.L_overlay_start_2:
0x22a: {  	(tag) =	ssettag $0x2  }
0x22b: {  	s0 =	rddreg [dreg:$0x0];
	s2 =	stileid.u32  }
0x22c: {  	s1 =	rddreg [dreg:$0x1];
	p0 =	sne.s32 s2, $0x0  }
0x22d: {  	s3 =	rddreg [dreg:$0x2];
	[bflag:$0x3] =	sbarrier.arrive $0xFFFF;
	s2 =	simm.s32 @!p0 $0x1C05  }
0x22e: {  	[timem:s3], [sflag:s2] =	dma.local @!p0 [hbm:s0], s1  }
0x22f: {  	s0 =	simm.s32 @!p0 $0x5  }
0x230: {  	_ =	swait.ge @!p0 [sflag:s0], s1  }
0x231: {  	s1 =	ssub.s32 @!p0 $0x0, s1;
	[sflag:s0] =	ssyncset.done @!p0 $0x0  }
0x232: {  	[sflag:s0] =	ssyncadd.s32 @!p0 s1  }
0x233: {  	[bflag:$0x3] =	sbarrier.arrive $0xFFFF  }
0x234: {  	_ =	shalt  }

// kernel: kernel.13.cloned.1.call-start
scs
__scs_entry_jumppad:
0x0: {  	(pc) =	sbr.rel $0x88, $3  }
0x1: {  	(tag) =	ssettag $0x0;
	lr =	simm.s32 $0x1  }
0x2: {  	[smem:$0x3F9B] =	sst lr;
	_ =	strace $0xD0000000  }
0x3: {  	_ = 	snop  }
0x4: {  	_ = 	snop  }
0x5: {  	_ = 	snop  }
0x6: {  	_ = 	snop  }
0x7: {  	_ = 	snop  }
__scs_overlays_trampoline_lowered:
0x8: {  	[smem:$0x3FAA] =	sst s0  }
0x9: {  	[smem:$0x3FAB] =	sst s1  }
0xa: {  	[smem:$0x3FAC] =	sst s2  }
0xb: {  	[smem:$0x3FAD] =	sst s3  }
0xc: {  	[smem:$0x3FAE] =	sst s4  }
0xd: {  	[smem:$0x3FAF] =	sst s5  }
0xe: {  	[smem:$0x3FB0] =	sst s6  }
0xf: {  	[smem:$0x3FB1] =	sst s7  }
0x10: {  	[smem:$0x3FB2] =	sst s8  }
0x11: {  	[smem:$0x3FB3] =	sst s9;
	s0 =	simm.s32 @!p0 $0x0  }
0x12: {  	s1 =	sld [smem:$0x3F99];
	s0 =	simm.s32 @p0 $0x1  }
0x13: {  	[smem:$0x3FB4] =	sst s0;
	s0 =	simm.s32 @!p1 $0x0  }
0x14: {  	s2 =	sld [smem:$0x3F98];
	s0 =	simm.s32 @p1 $0x1  }
0x15: {  	[smem:$0x3FB5] =	sst s0;
	s0 =	simm.s32 @!p2 $0x0  }
0x16: {  	s3 =	sld [smem:$0x3FDB];
	s0 =	simm.s32 @p2 $0x1  }
0x17: {  	s4 =	simm.s32 $0x1BF5;
	[smem:$0x3FB7] =	sst s0  }
0x18: {  	s0 =	sld [smem:$0x3F9A];
	_ =	swait.ge [sflag:s4], $0x0  }
0x19: {  	s7 =	sld [smem:$0x3F9B]  }
0x1a: {  	s8 =	sadd.s32 $0xFFFFE003, lr  }
0x1b: {  	s9 =	sadd.s32 $0xFFFFFEF7, lr;
	s5 =	simm.s32 $0xFFFFFFFF;
	p2 =	slt.u32 s8, $0xFFFFF086  }
0x1c: {  	p1 =	slt.u32 s9, $0xF7A;
	s5 =	simm.s32 @!p2 $0x0  }
0x1d: {  	s5 =	simm.s32 @p1 $0x1;
	p0 =	seq.s32 s7, s2  }
0x1e: {  	s7 =	smul.u32 @!p0 $0xF7A, s2;
	p2 =	seq.s32 @!p0 s5, $0x0  }
0x1f: {  	s9 =	smul.u32 $0xF7A, s1;
	s8 =	simm.s32 @!p0 $0x1BF5;
	p2 =	por !p2, p0  }
0x20: {  	[sflag:s8] =	ssyncset.s32 @!p0 $0xFFFFF086;
	s6 =	sadd.s32 @!p0 s3, s7;
	s7 =	simm.s32 @!p0 $0x108  }
0x21: {  	s3 =	sadd.s32 s3, s9;
	s6 =	sadd.s32 @!p0 $0x88, s6;
	s7 =	simm.s32 @p2 $0x1082  }
0x22: {  	[simem:s7], [sflag:s8] =	dma.local @!p0 [hbm:s6], $0xF7A  }
0x23: {  	s9 =	sor.u32 $0xD0000000, s2;
	s6 =	simm.s32 $0x108;
	_ =	swait.ge @!p0 [sflag:s8], $0x0  }
0x24: {  	s3 =	sadd.s32 $0x88, s3;
	s6 =	simm.s32 @!p1 $0x1082;
	[sflag:s4] =	ssyncset.s32 $0xFFFFF086  }
0x25: {  	[simem:s6], [sflag:s4] =	dma.local [hbm:s3], $0xF7A  }
0x26: {  	[smem:$0x3F9B] =	sst s1;
	(tag) =	ssettag s2;
	_ =	strace s9  }
0x27: {  	s1 =	sld [smem:$0x3FAB]  }
0x28: {  	s2 =	sld [smem:$0x3FAC]  }
0x29: {  	s4 =	sld [smem:$0x3FAE]  }
0x2a: {  	p0 =	seq.s32 s5, $0x0;
	s5 =	sld [smem:$0x3FAF]  }
0x2b: {  	s6 =	sld [smem:$0x3FB0]  }
0x2c: {  	s7 =	sld [smem:$0x3FB1]  }
0x2d: {  	s3 =	simm.s32 $0x108;
	s8 =	sld [smem:$0x3FB2]  }
0x2e: {  	s3 =	simm.s32 @!p0 $0x1082;
	s9 =	sld [smem:$0x3FB3]  }
0x2f: {  	lr =	sadd.s32 s0, s3;
	s0 =	sld [smem:$0x3FAA]  }
0x30: {  	s3 =	sld [smem:$0x3FAD]  }
0x31: {  	[smem:$0x3FB6] =	sst s10  }
0x32: {  	s10 =	sld [smem:$0x3FB4];
	_ =	sdelay $0x3  }
0x33: {  	p0 =	seq.s32 s10, $0x1;
	s10 =	sld [smem:$0x3FB6];
	_ =	sdelay $0x3  }
0x34: {  	[smem:$0x3FB6] =	sst s10  }
0x35: {  	s10 =	sld [smem:$0x3FB5];
	_ =	sdelay $0x3  }
0x36: {  	p1 =	seq.s32 s10, $0x1;
	s10 =	sld [smem:$0x3FB6];
	_ =	sdelay $0x3  }
0x37: {  	[smem:$0x3FB6] =	sst s10  }
0x38: {  	s10 =	sld [smem:$0x3FB7]  }
0x39: {  	_ = 	snop;
	(pc) =	sbr.ind lr, $3  }
0x3a: {  	_ = 	snop  }
0x3b: {  	_ = 	snop  }
0x3c: {  	p2 =	seq.s32 s10, $0x1;
	s10 =	sld [smem:$0x3FB6]  }
0x3d: {  	_ =	shalt  }
0x3e: {  	_ =	shalt  }
0x3f: {  	_ =	shalt  }
0x40: {  	_ =	shalt  }
0x41: {  	_ =	shalt  }
0x42: {  	_ =	shalt  }
0x43: {  	_ =	shalt  }
0x44: {  	_ =	shalt  }
0x45: {  	_ =	shalt  }
0x46: {  	_ =	shalt  }
0x47: {  	_ =	shalt  }
0x48: {  	_ =	shalt  }
0x49: {  	_ =	shalt  }
0x4a: {  	_ =	shalt  }
0x4b: {  	_ =	shalt  }
0x4c: {  	_ =	shalt  }
0x4d: {  	_ =	shalt  }
0x4e: {  	_ =	shalt  }
0x4f: {  	_ =	shalt  }
0x50: {  	_ =	shalt  }
0x51: {  	_ =	shalt  }
0x52: {  	_ =	shalt  }
0x53: {  	_ =	shalt  }
0x54: {  	_ =	shalt  }
0x55: {  	_ =	shalt  }
0x56: {  	_ =	shalt  }
0x57: {  	_ =	shalt  }
0x58: {  	_ =	shalt  }
0x59: {  	_ =	shalt  }
0x5a: {  	_ =	shalt  }
0x5b: {  	_ =	shalt  }
0x5c: {  	_ =	shalt  }
0x5d: {  	_ =	shalt  }
0x5e: {  	_ =	shalt  }
0x5f: {  	_ =	shalt  }
0x60: {  	_ =	shalt  }
0x61: {  	_ =	shalt  }
0x62: {  	_ =	shalt  }
0x63: {  	_ =	shalt  }
0x64: {  	_ =	shalt  }
0x65: {  	_ =	shalt  }
0x66: {  	_ =	shalt  }
0x67: {  	_ =	shalt  }
0x68: {  	_ =	shalt  }
0x69: {  	_ =	shalt  }
0x6a: {  	_ =	shalt  }
0x6b: {  	_ =	shalt  }
0x6c: {  	_ =	shalt  }
0x6d: {  	_ =	shalt  }
0x6e: {  	_ =	shalt  }
0x6f: {  	_ =	shalt  }
0x70: {  	_ =	shalt  }
0x71: {  	_ =	shalt  }
0x72: {  	_ =	shalt  }
0x73: {  	_ =	shalt  }
0x74: {  	_ =	shalt  }
0x75: {  	_ =	shalt  }
0x76: {  	_ =	shalt  }
0x77: {  	_ =	shalt  }
0x78: {  	_ =	shalt  }
0x79: {  	_ =	shalt  }
0x7a: {  	_ =	shalt  }
0x7b: {  	_ =	shalt  }
0x7c: {  	_ =	shalt  }
0x7d: {  	_ =	shalt  }
0x7e: {  	_ =	shalt  }
0x7f: {  	_ =	shalt  }
0x80: {  	_ =	shalt  }
0x81: {  	_ =	shalt  }
0x82: {  	_ =	shalt  }
0x83: {  	_ =	shalt  }
0x84: {  	_ =	shalt  }
0x85: {  	_ =	shalt  }
0x86: {  	_ =	shalt  }
0x87: {  	_ =	shalt  }
.Lfunc_end0:
.L_simem_size_0:
called_computation.2_lowered:
.L_overlay_start_0:
0x88: {  	s2 =	sld [smem:$0x3FD9]  }
0x89: {  	s3 =	sld [smem:$0x3FFE];
	_ =	sdelay $0x1  }
0x8a: {  	s1 =	srdreg.scid  }
0x8b: {  	s0 =	sand.u32 $0x1, s1  }
0x8c: {  	s17 =	sshll.u32 s0, $0xA;
	s2 =	sadd.s32 s3, s2  }
0x8d: {  	s2 =	sadd.s32 s2, s17  }
0x8e: {  	[smem:$0x3FC2] =	sst s2  }
0x8f: {  	_ = 	snop  }
0x90: {  	s2 =	sld [smem:$0x3FD0];
	(tm) =	ssettm $0x1  }
0x91: {  	s18 =	sld [smem:$0x3FFB];
	_ =	sdelay $0x3  }
0x92: {  	_ =	strace s18  }
0x93: {  	s3 =	sld [smem:$0x3FFC];
	_ =	sdelay $0x3  }
0x94: {  	_ =	strace s3  }
0x95: {  	s3 =	sld [smem:$0x3FFD];
	_ =	sdelay $0x3  }
0x96: {  	_ =	strace s3  }
0x97: {  	_ =	strace $0x8FFFFFFF  }
0x98: {  	s19 =	sld [smem:$0x3FDB];
	_ =	sdelay $0x1  }
0x99: {  	s4 =	simm.s32 $_scs_section_size  }
0x9a: {  	s5 =	simm.s32 $_size__tile_overlayer_lowered;
	s6 =	simm.s32 $_tile_overlayer_lowered  }
0x9b: {  	s22 =	simm.s32 $0x1BFF;
	s21 =	sshll.u32 s6, $0x1;
	s3 =	sadd.s32 s4, s19  }
0x9c: {  	s7 =	simm.s32 $0x0;
	s20 =	sshll.u32 s5, $0x1;
	s5 =	sadd.s32 s21, s3  }
0x9d: {  	[timem:s7], [sflag:s22] =	dma.local [hbm:s5], s20  }
0x9e: {  	_ =	swait.ge [sflag:s22], s20  }
0x9f: {  	s4 =	ssub.s32 $0x0, s20;
	[sflag:s22] =	ssyncset.done $0x0  }
0xa0: {  	[sflag:s22] =	ssyncadd.s32 s4;
	_ =	sdelay $0x1  }
0xa1: {  	s23 =	simm.s32 $0x1B8B  }
0xa2: {  	_ =	swait.ge [sflag:s23], $0x1  }
0xa3: {  	[sflag:s23] =	ssyncset.done $0x0  }
0xa4: {  	s25 =	simm.s32 $0x1B8E;
	s24 =	sld [smem:$0x3FFE];
	[sflag:s23] =	ssyncadd.s32 $0xFFFFFFFF  }
0xa5: {  	s26 =	simm.s32 $execute0_lowered;
	[smem:$0x3FD2] =	sst s25  }
0xa6: {  	s5 =	sshll.u32 s26, $0x1;
	_ =	strace $0x8000004C;
	[dreg:$0x1] =	wrdreg $0xFFFFFFFF  }
0xa7: {  	s28 =	simm.s32 $_size_execute0_lowered;
	s3 =	sadd.s32 s3, s5;
	[dreg:$0x0] =	wrdreg $0x0  }
0xa8: {  	s5 =	sshll.u32 s28, $0x1;
	[dreg:$0x2] =	wrdreg s3  }
0xa9: {  	[dreg:$0x3] =	wrdreg s5  }
0xaa: {  	[dreg:$0x4] =	wrdreg $0xC0  }
0xab: {  	_ =	task [dreg:s7], $0x5FFFF  }
0xac: {  	[dreg:$0x1] =	wrdreg $0xFFFFFFFF  }
0xad: {  	[dreg:$0x0] =	wrdreg $0x60  }
0xae: {  	[dreg:$0x2] =	wrdreg s2  }
0xaf: {  	[dreg:$0x3] =	wrdreg s24  }
0xb0: {  	[dreg:$0x4] =	wrdreg $0x4E800  }
0xb1: {  	[dreg:$0x5] =	wrdreg $0x9  }
0xb2: {  	_ =	task.clear_ibuf [dreg:s7], $0x6FFFF;
	_ =	strace $0x9000004C  }
0xb3: {  	s29 =	simm.s32 $0x9;
	_ =	strace $0x8000004E  }
0xb4: {  	_ =	swait.ge [sflag:s29], $0x1  }
0xb5: {  	[sflag:s29] =	ssyncadd.s32 $0xFFFFFFFF  }
0xb6: {  	_ =	strace $0x9000004E  }
0xb7: {  	_ =	sfence  }
0xb8: {  	s30 =	sld [smem:$0x0];
	_ =	sdelay $0x2  }
0xb9: {  	s31 =	sshll.u32 s1, $0xD;
	s1 =	sshrl.u32 s1, $0x2  }
0xba: {  	s3 =	sand.u32 $0x4000, s31;
	s1 =	sadd.s32 s1, s30  }
0xbb: {  	s0 =	sor.u32 s3, s0;
	s1 =	sshll.u32 s1, $0x11  }
0xbc: {  	s0 =	sor.u32 s1, s0  }
0xbd: {  	s0 =	sadd.s32 $0x8F2B, s0  }
0xbe: {  	[sflag:s0] =	ssyncadd.remote.s32 $0x1  }
0xbf: {  	_ =	sfence.sel $0xFFFF  }
0xc0: {  	[dreg:$0x0] =	wrdreg $0xFFFFFFFF;
	(pc) =	sbr.abs _section_cstart, $3  }
0xc1: {  	[dreg:$0x1] =	wrdreg $0xFFFFFFFF  }
0xc2: {  	_ =	task.clear_ibuf [dreg:s7], $0x2FFFF;
	_ =	strace $0x9FFFFFFF  }
0xc3: {  	(tm) =	ssettm $0x7FFFFFFF  }
tec
execute0_lowered:
.L_overlay_start_1:
0x0: {  	(tag) =	ssettag $0x1  }
0x1: {  	s0 =	srdreg.scid;
	s2 =	rddreg [dreg:$0x0]  }
0x2: {  	s10 =	stileid.u32;
	s6 =	rddreg [dreg:$0x1]  }
0x3: {  	s3 =	rddreg [dreg:$0x2];
	s4 =	simm.s32 $0x0;
	s23 =	simm.s32 $0x80  }
0x4: {  	s24 =	simm.s32 $0x100;
	s26 =	simm.s32 $0x880;
	s11 =	simm.s32 $0x180  }
0x5: {  	s13 =	simm.s32 $0x900;
	s14 =	simm.s32 $0x200;
	[smem:$0x7FF] =	sst s4  }
0x6: {  	s16 =	simm.s32 $0x980;
	_ =	strace $0x8000004D;
	[dreg:$0x6] =	wrdreg s23  }
0x7: {  	s17 =	simm.s32 $0x280;
	s18 =	simm.s32 $0xA00;
	[dreg:$0x7] =	wrdreg s24  }
0x8: {  	s28 =	simm.s32 $0xD80;
	s29 =	simm.s32 $0x680;
	[dreg:$0x8] =	wrdreg s26  }
0x9: {  	s30 =	simm.s32 $0xE00;
	s5 =	smul.u32 $0x2800, s10;
	[dreg:$0x9] =	wrdreg s11  }
0xa: {  	s31 =	simm.s32 $0x700;
	s8 =	smul.u32 $0xFA00, s10;
	[dreg:$0xa] =	wrdreg s13  }
0xb: {  	s0 =	sand.u32 $0x1, s0;
	s21 =	smul.u32 $0x27100, s10;
	[dreg:$0xb] =	wrdreg s14  }
0xc: {  	p0 =	sgt.u32 s10, $0x9;
	s1 =	smul.u32 $0x28000, s0;
	[dreg:$0xc] =	wrdreg s16  }
0xd: {  	s7 =	smul.u32 $0x9C400, s0;
	s0 =	ssub.s32 $0x2, s0;
	[dreg:$0xd] =	wrdreg s17  }
0xe: {  	[dreg:$0xe] =	wrdreg s18;
	s13 =	simm.s32 $0x5;
	s14 =	simm.s32 $0x800  }
0xf: {  	s16 =	simm.s32 $0x1;
	s23 =	simm.s32 $0x400;
	s17 =	simm.s32 $0x2F40  }
0x10: {  	s24 =	simm.s32 $0xB80;
	s18 =	simm.s32 $0x2;
	[dreg:$0x13] =	wrdreg s23  }
0x11: {  	s26 =	simm.s32 $0xC00;
	s20 =	sshrl.u32 s0, $0x1;
	[dreg:$0x14] =	wrdreg s24  }
0x12: {  	s22 =	sshrl.u32 s21, $0x2;
	s21 =	simm.s32 $0x380;
	[dreg:$0x16] =	wrdreg s26  }
0x13: {  	s23 =	simm.s32 $0x580;
	s24 =	simm.s32 $0xD00;
	s26 =	simm.s32 $0x600  }
0x14: {  	s1 =	sadd.s32 s5, s1;
	s19 =	sadd.s32 s8, s7;
	s0 =	ssub.s32 s0, s20  }
0x15: {  	s20 =	simm.s32 $0xA80;
	[dreg:$0x11] =	wrdreg s21;
	s1 =	sshrl.u32 s1, $0x3  }
0x16: {  	s5 =	sshrl.u32 s19, $0x3;
	s0 =	smax.u32 s0, $0x1;
	[dreg:$0x10] =	wrdreg s20  }
0x17: {  	s19 =	simm.s32 $0x300;
	s1 =	sadd.s32 s1, s6;
	[dreg:$0x1d] =	wrdreg s0  }
0x18: {  	s6 =	sadd.s32 s5, s6;
	s5 =	sadd.s32 s22, s3;
	[dreg:$0xf] =	wrdreg s19  }
0x19: {  	s21 =	simm.s32 $0x500;
	s22 =	simm.s32 $0xB00;
	[dreg:$0x17] =	wrdreg s5  }
0x1a: {  	s7 =	simm.s32 $0xF80;
	s9 =	sadd.s32 $0xE00, s1;
	[dreg:$0x12] =	wrdreg s22  }
0x1b: {  	s20 =	simm.s32 $0x4;
	s1 =	sadd.s32 $0xAE00, s1;
	[dreg:$0x4] =	wrdreg s9  }
0x1c: {  	s19 =	simm.s32 $0x3;
	s25 =	sadd.s32 $0x1F40, s5;
	[dreg:$0x5] =	wrdreg s1  }
0x1d: {  	s12 =	sadd.s32 $0x5DC0, s5;
	s15 =	sadd.s32 $0x14E00, s6;
	[dreg:$0x18] =	wrdreg s25  }
0x1e: {  	s6 =	sadd.s32 s8, s3;
	s22 =	simm.s32 $0xC80;
	[dreg:$0x1a] =	wrdreg s12  }
0x1f: {  	s8 =	simm.s32 $0x0;
	s9 =	sadd.s32 $0x3E80, s5;
	[dreg:$0x1c] =	wrdreg s15  }
0x20: {  	s5 =	sadd.s32 $0x7D00, s5;
	s12 =	simm.s32 $0x1000;
	[dreg:$0x19] =	wrdreg s9  }
0x21: {  	s15 =	simm.s32 $0x7D;
	s25 =	simm.s32 $0x480;
	[dreg:$0x1b] =	wrdreg s5  }
0x22: {  	s0 =	sshrl.u32 @!p0 s6, $0x3;
	s1 =	simm.s32 $0xE80;
	[dreg:$0x15] =	wrdreg s25  }
0x23: {  	v0 =	vimm.f32 $0.0e+00;
	s6 =	simm.s32 $0xF00;
	[dreg:$0x1e] =	wrdreg s0;
	s0 =	simm.s32 $0x780  }
.LBB2_1:
0x24: {  	s10 =	simm.s32 $0x100;
	s9 =	simm.s32 $0x0  }
.LBB2_2:
0x25: {  	p1 =	sne.s32 s10, $0x7C00;
	[tilespmem:s9+$0x1030] =	vst v0;
	s11 =	smov.u32 s10;
	s10 =	sadd.s32 $0x100, s10  }
.Ltmp0:
0x26: {  	[tilespmem:s9+$0x1020] =	vst v0;
	(pc) =	sbr.rel @p1 .LBB2_2-.Ltmp0, $3  }
0x27: {  	[tilespmem:s9+$0x1000] =	vst v0  }
0x28: {  	[tilespmem:s9+$0x1010] =	vst v0;
	_ =	sdelay $0x1  }
0x29: {  	s9 =	sshra.s32 s11, $0x2  }
0x2a: {  	[tilespmem:s9+$0x1030] =	vst v0  }
0x2b: {  	[tilespmem:s9+$0x1020] =	vst v0  }
0x2c: {  	[tilespmem:s9+$0x1000] =	vst v0  }
0x2d: {  	[tilespmem:s9+$0x1010] =	vst v0;
	s5 =	rddreg [dreg:$0x17]  }
0x2e: {  	[spmem:s5] =	stream.linear.scatter [tilespmem:s12], [sflag:$0x5], $0x1F40, $0x38;
	[tilespmem:$0xEAC0] =	vst v63  }
0x2f: {  	_ =	swait.ge [sflag:s13], $0x1F40  }
0x30: {  	[sflag:s13] =	ssyncset.done $0x0  }
0x31: {  	s9 =	rddreg [dreg:$0x18];
	[sflag:s13] =	ssyncadd.s32 $0xFFFFE0C0  }
0x32: {  	[spmem:s9] =	stream.linear.scatter [tilespmem:s12], [sflag:$0x5], $0x1F40, $0x38;
	[tilespmem:$0xEAC0] =	vst v63  }
0x33: {  	_ =	swait.ge [sflag:s13], $0x1F40  }
0x34: {  	[sflag:s13] =	ssyncset.done $0x0  }
0x35: {  	s10 =	rddreg [dreg:$0x19];
	[sflag:s13] =	ssyncadd.s32 $0xFFFFE0C0  }
0x36: {  	[spmem:s10] =	stream.linear.scatter [tilespmem:s12], [sflag:$0x5], $0x1F40, $0x38;
	[tilespmem:$0xEAC0] =	vst v63  }
0x37: {  	_ =	swait.ge [sflag:s13], $0x1F40  }
0x38: {  	[sflag:s13] =	ssyncset.done $0x0  }
0x39: {  	s11 =	rddreg [dreg:$0x1a];
	[sflag:s13] =	ssyncadd.s32 $0xFFFFE0C0  }
0x3a: {  	[spmem:s11] =	stream.linear.scatter [tilespmem:s12], [sflag:$0x5], $0x1F40, $0x38;
	[tilespmem:$0xEAC0] =	vst v63  }
0x3b: {  	_ =	swait.ge [sflag:s13], $0x1F40  }
0x3c: {  	[sflag:s13] =	ssyncset.done $0x0  }
0x3d: {  	s25 =	rddreg [dreg:$0x1b];
	[sflag:s13] =	ssyncadd.s32 $0xFFFFE0C0  }
0x3e: {  	[spmem:s25] =	stream.linear.scatter [tilespmem:s12], [sflag:$0x5], $0x1F40, $0x38;
	[tilespmem:$0xEAC0] =	vst v63  }
0x3f: {  	_ =	swait.ge [sflag:s13], $0x1F40  }
0x40: {  	p1 =	por $0x1, $0x1;
	[sflag:s13] =	ssyncset.done $0x0  }
0x41: {  	p1 =	por p1, p1;
	[sflag:s13] =	ssyncadd.s32 $0xFFFFE0C0  }
0x42: {  	s9 =	simm.s32 @!p1 $0x3;
	[bflag:$0x0] =	sbarrier.arrive $0xFFFF  }
0x43: {  	_ =	swait.ge @!p1 [sflag:s9], $0x1F40  }
0x44: {  	[sflag:s9] =	ssyncset.done @!p1 $0x0  }
0x45: {  	[sflag:s9] =	ssyncadd.s32 @!p1 $0xFFFFE0C0;
	s9 =	simm.s32 @!p1 $0x4  }
0x46: {  	_ =	swait.ge @!p1 [sflag:s9], $0x1F40  }
0x47: {  	s10 =	rddreg [dreg:$0x5];
	[sflag:s9] =	ssyncset.done @!p1 $0x0  }
0x48: {  	[sflag:s9] =	ssyncadd.s32 @!p1 $0xFFFFE0C0;
	s5 =	sadd.s32 $0x0, s10  }
0x49: {  	[tilespmem:s4], [sflag:$0x5] =	stream.linear.gather [hbm4b:s5+s4], $0x800, $0x38;
	[tilespmem:$0xEAC0] =	vst v63  }
0x4a: {  	_ =	swait.ge [sflag:s13], $0x800  }
0x4b: {  	s10 =	rddreg [dreg:$0x4];
	[sflag:s13] =	ssyncset.done $0x0  }
0x4c: {  	[sflag:s13] =	ssyncadd.s32 $0xFFFFF800;
	s9 =	sadd.s32 $0x0, s10  }
0x4d: {  	[tilespmem:s14], [sflag:$0x5] =	stream.linear.gather [hbm4b:s9+s4], $0x800, $0x38;
	[tilespmem:$0xEAC0] =	vst v63  }
0x4e: {  	_ =	swait.ge [sflag:s13], $0x800  }
0x4f: {  	[sflag:s13] =	ssyncset.done $0x0  }
0x50: {  	[sflag:s13] =	ssyncadd.s32 $0xFFFFF800  }
0x51: {  	[tilespmem:s12], [sflag:$0x1] =	stream.indirect.gather [hbm4b:s2+s15], $0x40, s4, s15, $0xb8;
	[tilespmem:$0xEAC0] =	vst v63  }
0x52: {  	_ =	swait.ge [sflag:s16], $0x1F40  }
0x53: {  	[sflag:s16] =	ssyncset.done $0x0  }
0x54: {  	s11 =	rddreg [dreg:$0x6];
	[sflag:s16] =	ssyncadd.s32 $0xFFFFE0C0  }
0x55: {  	[tilespmem:s17], [sflag:$0x2] =	stream.indirect.gather [hbm4b:s2+s15], $0x40, s11, s15, $0xb8;
	[tilespmem:$0xEAC0] =	vst v63  }
0x56: {  	_ = 	snop  }
0x57: {  	[spmem:s3] =	stream.indirect.scatter.add.f32 [tilespmem:s12], [sflag:$0x3], $0x40, s14, s15, $0xb8;
	[tilespmem:$0xEAC0] =	vst v63  }
0x58: {  	_ =	swait.ge [sflag:s18], $0x1F40  }
0x59: {  	[sflag:s18] =	ssyncset.done $0x0  }
0x5a: {  	[sflag:s18] =	ssyncadd.s32 $0xFFFFE0C0  }
0x5b: {  	_ =	swait.ge [sflag:s19], $0x1F40  }
0x5c: {  	[sflag:s19] =	ssyncset.done $0x0  }
0x5d: {  	s25 =	rddreg [dreg:$0x7];
	[sflag:s19] =	ssyncadd.s32 $0xFFFFE0C0  }
0x5e: {  	[tilespmem:s12], [sflag:$0x1] =	stream.indirect.gather [hbm4b:s2+s15], $0x40, s25, s15, $0xb8;
	[tilespmem:$0xEAC0] =	vst v63  }
0x5f: {  	s5 =	rddreg [dreg:$0x8]  }
0x60: {  	[spmem:s3] =	stream.indirect.scatter.add.f32 [tilespmem:s17], [sflag:$0x4], $0x40, s5, s15, $0xb8;
	[tilespmem:$0xEAC0] =	vst v63  }
0x61: {  	_ =	swait.ge [sflag:s16], $0x1F40  }
0x62: {  	[sflag:s16] =	ssyncset.done $0x0  }
0x63: {  	[sflag:s16] =	ssyncadd.s32 $0xFFFFE0C0  }
0x64: {  	_ =	swait.ge [sflag:s20], $0x1F40  }
0x65: {  	[sflag:s20] =	ssyncset.done $0x0  }
0x66: {  	s10 =	rddreg [dreg:$0x9];
	[sflag:s20] =	ssyncadd.s32 $0xFFFFE0C0  }
0x67: {  	[tilespmem:s17], [sflag:$0x2] =	stream.indirect.gather [hbm4b:s2+s15], $0x40, s10, s15, $0xb8;
	[tilespmem:$0xEAC0] =	vst v63  }
0x68: {  	s11 =	rddreg [dreg:$0xa]  }
0x69: {  	[spmem:s3] =	stream.indirect.scatter.add.f32 [tilespmem:s12], [sflag:$0x3], $0x40, s11, s15, $0xb8;
	[tilespmem:$0xEAC0] =	vst v63  }
0x6a: {  	_ =	swait.ge [sflag:s18], $0x1F40  }
0x6b: {  	[sflag:s18] =	ssyncset.done $0x0  }
0x6c: {  	[sflag:s18] =	ssyncadd.s32 $0xFFFFE0C0  }
0x6d: {  	_ =	swait.ge [sflag:s19], $0x1F40  }
0x6e: {  	[sflag:s19] =	ssyncset.done $0x0  }
0x6f: {  	s25 =	rddreg [dreg:$0xb];
	[sflag:s19] =	ssyncadd.s32 $0xFFFFE0C0  }
0x70: {  	[tilespmem:s12], [sflag:$0x1] =	stream.indirect.gather [hbm4b:s2+s15], $0x40, s25, s15, $0xb8;
	[tilespmem:$0xEAC0] =	vst v63  }
0x71: {  	s5 =	rddreg [dreg:$0xc]  }
0x72: {  	[spmem:s3] =	stream.indirect.scatter.add.f32 [tilespmem:s17], [sflag:$0x4], $0x40, s5, s15, $0xb8;
	[tilespmem:$0xEAC0] =	vst v63  }
0x73: {  	_ =	swait.ge [sflag:s16], $0x1F40  }
0x74: {  	[sflag:s16] =	ssyncset.done $0x0  }
0x75: {  	[sflag:s16] =	ssyncadd.s32 $0xFFFFE0C0  }
0x76: {  	_ =	swait.ge [sflag:s20], $0x1F40  }
0x77: {  	[sflag:s20] =	ssyncset.done $0x0  }
0x78: {  	s10 =	rddreg [dreg:$0xd];
	[sflag:s20] =	ssyncadd.s32 $0xFFFFE0C0  }
0x79: {  	[tilespmem:s17], [sflag:$0x2] =	stream.indirect.gather [hbm4b:s2+s15], $0x40, s10, s15, $0xb8;
	[tilespmem:$0xEAC0] =	vst v63  }
0x7a: {  	s11 =	rddreg [dreg:$0xe]  }
0x7b: {  	[spmem:s3] =	stream.indirect.scatter.add.f32 [tilespmem:s12], [sflag:$0x3], $0x40, s11, s15, $0xb8;
	[tilespmem:$0xEAC0] =	vst v63  }
0x7c: {  	_ =	swait.ge [sflag:s18], $0x1F40  }
0x7d: {  	[sflag:s18] =	ssyncset.done $0x0  }
0x7e: {  	[sflag:s18] =	ssyncadd.s32 $0xFFFFE0C0  }
0x7f: {  	_ =	swait.ge [sflag:s19], $0x1F40  }
0x80: {  	[sflag:s19] =	ssyncset.done $0x0  }
0x81: {  	s25 =	rddreg [dreg:$0xf];
	[sflag:s19] =	ssyncadd.s32 $0xFFFFE0C0  }
0x82: {  	[tilespmem:s12], [sflag:$0x1] =	stream.indirect.gather [hbm4b:s2+s15], $0x40, s25, s15, $0xb8;
	[tilespmem:$0xEAC0] =	vst v63  }
0x83: {  	s5 =	rddreg [dreg:$0x10]  }
0x84: {  	[spmem:s3] =	stream.indirect.scatter.add.f32 [tilespmem:s17], [sflag:$0x4], $0x40, s5, s15, $0xb8;
	[tilespmem:$0xEAC0] =	vst v63  }
0x85: {  	_ =	swait.ge [sflag:s16], $0x1F40  }
0x86: {  	[sflag:s16] =	ssyncset.done $0x0  }
0x87: {  	[sflag:s16] =	ssyncadd.s32 $0xFFFFE0C0  }
0x88: {  	_ =	swait.ge [sflag:s20], $0x1F40  }
0x89: {  	[sflag:s20] =	ssyncset.done $0x0  }
0x8a: {  	s10 =	rddreg [dreg:$0x11];
	[sflag:s20] =	ssyncadd.s32 $0xFFFFE0C0  }
0x8b: {  	[tilespmem:s17], [sflag:$0x2] =	stream.indirect.gather [hbm4b:s2+s15], $0x40, s10, s15, $0xb8;
	[tilespmem:$0xEAC0] =	vst v63  }
0x8c: {  	s11 =	rddreg [dreg:$0x12]  }
0x8d: {  	[spmem:s3] =	stream.indirect.scatter.add.f32 [tilespmem:s12], [sflag:$0x3], $0x40, s11, s15, $0xb8;
	[tilespmem:$0xEAC0] =	vst v63  }
0x8e: {  	_ =	swait.ge [sflag:s18], $0x1F40  }
0x8f: {  	[sflag:s18] =	ssyncset.done $0x0  }
0x90: {  	[sflag:s18] =	ssyncadd.s32 $0xFFFFE0C0  }
0x91: {  	_ =	swait.ge [sflag:s19], $0x1F40  }
0x92: {  	[sflag:s19] =	ssyncset.done $0x0  }
0x93: {  	s25 =	rddreg [dreg:$0x13];
	[sflag:s19] =	ssyncadd.s32 $0xFFFFE0C0  }
0x94: {  	[tilespmem:s12], [sflag:$0x1] =	stream.indirect.gather [hbm4b:s2+s15], $0x40, s25, s15, $0xb8;
	[tilespmem:$0xEAC0] =	vst v63  }
0x95: {  	s5 =	rddreg [dreg:$0x14]  }
0x96: {  	[spmem:s3] =	stream.indirect.scatter.add.f32 [tilespmem:s17], [sflag:$0x4], $0x40, s5, s15, $0xb8;
	[tilespmem:$0xEAC0] =	vst v63  }
0x97: {  	_ =	swait.ge [sflag:s16], $0x1F40  }
0x98: {  	[sflag:s16] =	ssyncset.done $0x0  }
0x99: {  	[sflag:s16] =	ssyncadd.s32 $0xFFFFE0C0  }
0x9a: {  	_ =	swait.ge [sflag:s20], $0x1F40  }
0x9b: {  	[sflag:s20] =	ssyncset.done $0x0  }
0x9c: {  	s11 =	rddreg [dreg:$0x15];
	[sflag:s20] =	ssyncadd.s32 $0xFFFFE0C0  }
0x9d: {  	[tilespmem:s17], [sflag:$0x2] =	stream.indirect.gather [hbm4b:s2+s15], $0x40, s11, s15, $0xb8;
	[tilespmem:$0xEAC0] =	vst v63  }
0x9e: {  	s25 =	rddreg [dreg:$0x16]  }
0x9f: {  	[spmem:s3] =	stream.indirect.scatter.add.f32 [tilespmem:s12], [sflag:$0x3], $0x40, s25, s15, $0xb8;
	[tilespmem:$0xEAC0] =	vst v63  }
0xa0: {  	_ =	swait.ge [sflag:s18], $0x1F40  }
0xa1: {  	[sflag:s18] =	ssyncset.done $0x0  }
0xa2: {  	[sflag:s18] =	ssyncadd.s32 $0xFFFFE0C0  }
0xa3: {  	_ =	swait.ge [sflag:s19], $0x1F40  }
0xa4: {  	[sflag:s19] =	ssyncset.done $0x0  }
0xa5: {  	[sflag:s19] =	ssyncadd.s32 $0xFFFFE0C0  }
0xa6: {  	[tilespmem:s12], [sflag:$0x1] =	stream.indirect.gather [hbm4b:s2+s15], $0x40, s21, s15, $0xb8;
	[tilespmem:$0xEAC0] =	vst v63  }
0xa7: {  	_ = 	snop  }
0xa8: {  	[spmem:s3] =	stream.indirect.scatter.add.f32 [tilespmem:s17], [sflag:$0x4], $0x40, s22, s15, $0xb8;
	[tilespmem:$0xEAC0] =	vst v63  }
0xa9: {  	_ =	swait.ge [sflag:s16], $0x1F40  }
0xaa: {  	[sflag:s16] =	ssyncset.done $0x0  }
0xab: {  	[sflag:s16] =	ssyncadd.s32 $0xFFFFE0C0  }
0xac: {  	_ =	swait.ge [sflag:s20], $0x1F40  }
0xad: {  	[sflag:s20] =	ssyncset.done $0x0  }
0xae: {  	[sflag:s20] =	ssyncadd.s32 $0xFFFFE0C0  }
0xaf: {  	[tilespmem:s17], [sflag:$0x2] =	stream.indirect.gather [hbm4b:s2+s15], $0x40, s23, s15, $0xb8;
	[tilespmem:$0xEAC0] =	vst v63  }
0xb0: {  	_ = 	snop  }
0xb1: {  	[spmem:s3] =	stream.indirect.scatter.add.f32 [tilespmem:s12], [sflag:$0x3], $0x40, s24, s15, $0xb8;
	[tilespmem:$0xEAC0] =	vst v63  }
0xb2: {  	_ =	swait.ge [sflag:s18], $0x1F40  }
0xb3: {  	[sflag:s18] =	ssyncset.done $0x0  }
0xb4: {  	[sflag:s18] =	ssyncadd.s32 $0xFFFFE0C0  }
0xb5: {  	_ =	swait.ge [sflag:s19], $0x1F40  }
0xb6: {  	[sflag:s19] =	ssyncset.done $0x0  }
0xb7: {  	[sflag:s19] =	ssyncadd.s32 $0xFFFFE0C0  }
0xb8: {  	[tilespmem:s12], [sflag:$0x1] =	stream.indirect.gather [hbm4b:s2+s15], $0x40, s26, s15, $0xb8;
	[tilespmem:$0xEAC0] =	vst v63  }
0xb9: {  	_ = 	snop  }
0xba: {  	[spmem:s3] =	stream.indirect.scatter.add.f32 [tilespmem:s17], [sflag:$0x4], $0x40, s28, s15, $0xb8;
	[tilespmem:$0xEAC0] =	vst v63  }
0xbb: {  	_ =	swait.ge [sflag:s16], $0x1F40  }
0xbc: {  	[sflag:s16] =	ssyncset.done $0x0  }
0xbd: {  	[sflag:s16] =	ssyncadd.s32 $0xFFFFE0C0  }
0xbe: {  	_ =	swait.ge [sflag:s20], $0x1F40  }
0xbf: {  	[sflag:s20] =	ssyncset.done $0x0  }
0xc0: {  	[sflag:s20] =	ssyncadd.s32 $0xFFFFE0C0  }
0xc1: {  	[tilespmem:s17], [sflag:$0x2] =	stream.indirect.gather [hbm4b:s2+s15], $0x40, s29, s15, $0xb8;
	[tilespmem:$0xEAC0] =	vst v63  }
0xc2: {  	_ = 	snop  }
0xc3: {  	[spmem:s3] =	stream.indirect.scatter.add.f32 [tilespmem:s12], [sflag:$0x3], $0x40, s30, s15, $0xb8;
	[tilespmem:$0xEAC0] =	vst v63  }
0xc4: {  	_ =	swait.ge [sflag:s18], $0x1F40  }
0xc5: {  	[sflag:s18] =	ssyncset.done $0x0  }
0xc6: {  	[sflag:s18] =	ssyncadd.s32 $0xFFFFE0C0  }
0xc7: {  	_ =	swait.ge [sflag:s19], $0x1F40  }
0xc8: {  	[sflag:s19] =	ssyncset.done $0x0  }
0xc9: {  	[sflag:s19] =	ssyncadd.s32 $0xFFFFE0C0  }
0xca: {  	[tilespmem:s12], [sflag:$0x1] =	stream.indirect.gather [hbm4b:s2+s15], $0x40, s31, s15, $0xb8;
	[tilespmem:$0xEAC0] =	vst v63  }
0xcb: {  	_ = 	snop  }
0xcc: {  	[spmem:s3] =	stream.indirect.scatter.add.f32 [tilespmem:s17], [sflag:$0x4], $0x40, s1, s15, $0xb8;
	[tilespmem:$0xEAC0] =	vst v63  }
0xcd: {  	_ =	swait.ge [sflag:s16], $0x1F40  }
0xce: {  	[sflag:s16] =	ssyncset.done $0x0  }
0xcf: {  	[sflag:s16] =	ssyncadd.s32 $0xFFFFE0C0  }
0xd0: {  	_ =	swait.ge [sflag:s20], $0x1F40  }
0xd1: {  	[sflag:s20] =	ssyncset.done $0x0  }
0xd2: {  	[sflag:s20] =	ssyncadd.s32 $0xFFFFE0C0  }
0xd3: {  	[tilespmem:s17], [sflag:$0x2] =	stream.indirect.gather [hbm4b:s2+s15], $0x40, s0, s15, $0xb8;
	[tilespmem:$0xEAC0] =	vst v63  }
0xd4: {  	_ = 	snop  }
0xd5: {  	[spmem:s3] =	stream.indirect.scatter.add.f32 [tilespmem:s12], [sflag:$0x3], $0x40, s6, s15, $0xb8;
	[tilespmem:$0xEAC0] =	vst v63  }
0xd6: {  	p6 =	por $0x0, $0x0;
	_ =	swait.ge [sflag:s18], $0x1F40  }
0xd7: {  	p1 =	por p6, p6;
	[sflag:s18] =	ssyncset.done $0x0  }
0xd8: {  	s9 =	simm.s32 $0x100;
	s10 =	simm.s32 $0x200;
	[sflag:s18] =	ssyncadd.s32 $0xFFFFE0C0  }
.LBB2_4:
0xd9: {  	[spmem:s3] =	stream.indirect.scatter.add.f32 [tilespmem:s17], [sflag:$0x4], $0x40, s7, s15, $0xb8;
	[tilespmem:$0xEAC0] =	vst v63  }
0xda: {  	s25 =	simm.s32 @!p1 $0x3  }
0xdb: {  	_ =	swait.ge @!p1 [sflag:s25], $0x1F40  }
0xdc: {  	[sflag:s25] =	ssyncset.done @!p1 $0x0  }
0xdd: {  	[sflag:s25] =	ssyncadd.s32 @!p1 $0xFFFFE0C0;
	s25 =	simm.s32 @!p1 $0x4  }
0xde: {  	_ =	swait.ge @!p1 [sflag:s25], $0x1F40  }
0xdf: {  	s5 =	rddreg [dreg:$0x5];
	[sflag:s25] =	ssyncset.done @!p1 $0x0  }
0xe0: {  	[sflag:s25] =	ssyncadd.s32 @!p1 $0xFFFFE0C0;
	s5 =	sadd.s32 s9, s5  }
0xe1: {  	[tilespmem:s4], [sflag:$0x5] =	stream.linear.gather [hbm4b:s5+s4], $0x800, $0x38;
	[tilespmem:$0xEAC0] =	vst v63  }
0xe2: {  	_ =	swait.ge [sflag:s13], $0x800  }
0xe3: {  	s25 =	rddreg [dreg:$0x4];
	[sflag:s13] =	ssyncset.done $0x0  }
0xe4: {  	[sflag:s13] =	ssyncadd.s32 $0xFFFFF800;
	s5 =	sadd.s32 s9, s25  }
0xe5: {  	[tilespmem:s14], [sflag:$0x5] =	stream.linear.gather [hbm4b:s5+s4], $0x800, $0x38;
	[tilespmem:$0xEAC0] =	vst v63  }
0xe6: {  	_ =	swait.ge [sflag:s13], $0x800  }
0xe7: {  	[sflag:s13] =	ssyncset.done $0x0  }
0xe8: {  	[sflag:s13] =	ssyncadd.s32 $0xFFFFF800  }
0xe9: {  	[tilespmem:s12], [sflag:$0x1] =	stream.indirect.gather [hbm4b:s2+s15], $0x40, s4, s15, $0xb8;
	[tilespmem:$0xEAC0] =	vst v63  }
0xea: {  	_ =	swait.ge [sflag:s16], $0x1F40  }
0xeb: {  	[sflag:s16] =	ssyncset.done $0x0  }
0xec: {  	s25 =	rddreg [dreg:$0x6];
	[sflag:s16] =	ssyncadd.s32 $0xFFFFE0C0  }
0xed: {  	[tilespmem:s17], [sflag:$0x2] =	stream.indirect.gather [hbm4b:s2+s15], $0x40, s25, s15, $0xb8;
	[tilespmem:$0xEAC0] =	vst v63  }
0xee: {  	_ = 	snop  }
0xef: {  	[spmem:s3] =	stream.indirect.scatter.add.f32 [tilespmem:s12], [sflag:$0x3], $0x40, s14, s15, $0xb8;
	[tilespmem:$0xEAC0] =	vst v63  }
0xf0: {  	_ =	swait.ge [sflag:s18], $0x1F40  }
0xf1: {  	[sflag:s18] =	ssyncset.done $0x0  }
0xf2: {  	[sflag:s18] =	ssyncadd.s32 $0xFFFFE0C0  }
0xf3: {  	s11 =	smov.u32 s10;
	_ =	swait.ge [sflag:s19], $0x1F40  }
0xf4: {  	p3 =	seq.s32 s11, $0x0;
	[sflag:s19] =	ssyncset.done $0x0  }
0xf5: {  	s9 =	smov.u32 s11;
	s11 =	rddreg [dreg:$0x7];
	[sflag:s19] =	ssyncadd.s32 $0xFFFFE0C0  }
0xf6: {  	[tilespmem:s12], [sflag:$0x1] =	stream.indirect.gather [hbm4b:s2+s15], $0x40, s11, s15, $0xb8;
	[tilespmem:$0xEAC0] =	vst v63  }
0xf7: {  	s25 =	rddreg [dreg:$0x8]  }
0xf8: {  	[spmem:s3] =	stream.indirect.scatter.add.f32 [tilespmem:s17], [sflag:$0x4], $0x40, s25, s15, $0xb8;
	[tilespmem:$0xEAC0] =	vst v63  }
0xf9: {  	_ =	swait.ge [sflag:s16], $0x1F40  }
0xfa: {  	[sflag:s16] =	ssyncset.done $0x0  }
0xfb: {  	[sflag:s16] =	ssyncadd.s32 $0xFFFFE0C0  }
0xfc: {  	_ =	swait.ge [sflag:s20], $0x1F40  }
0xfd: {  	[sflag:s20] =	ssyncset.done $0x0  }
0xfe: {  	s11 =	rddreg [dreg:$0x9];
	[sflag:s20] =	ssyncadd.s32 $0xFFFFE0C0  }
0xff: {  	[tilespmem:s17], [sflag:$0x2] =	stream.indirect.gather [hbm4b:s2+s15], $0x40, s11, s15, $0xb8;
	[tilespmem:$0xEAC0] =	vst v63  }
0x100: {  	s25 =	rddreg [dreg:$0xa]  }
0x101: {  	[spmem:s3] =	stream.indirect.scatter.add.f32 [tilespmem:s12], [sflag:$0x3], $0x40, s25, s15, $0xb8;
	[tilespmem:$0xEAC0] =	vst v63  }
0x102: {  	_ =	swait.ge [sflag:s18], $0x1F40  }
0x103: {  	[sflag:s18] =	ssyncset.done $0x0  }
0x104: {  	[sflag:s18] =	ssyncadd.s32 $0xFFFFE0C0  }
0x105: {  	_ =	swait.ge [sflag:s19], $0x1F40  }
0x106: {  	[sflag:s19] =	ssyncset.done $0x0  }
0x107: {  	s11 =	rddreg [dreg:$0xb];
	[sflag:s19] =	ssyncadd.s32 $0xFFFFE0C0  }
0x108: {  	[tilespmem:s12], [sflag:$0x1] =	stream.indirect.gather [hbm4b:s2+s15], $0x40, s11, s15, $0xb8;
	[tilespmem:$0xEAC0] =	vst v63  }
0x109: {  	s25 =	rddreg [dreg:$0xc]  }
0x10a: {  	[spmem:s3] =	stream.indirect.scatter.add.f32 [tilespmem:s17], [sflag:$0x4], $0x40, s25, s15, $0xb8;
	[tilespmem:$0xEAC0] =	vst v63  }
0x10b: {  	_ =	swait.ge [sflag:s16], $0x1F40  }
0x10c: {  	[sflag:s16] =	ssyncset.done $0x0  }
0x10d: {  	[sflag:s16] =	ssyncadd.s32 $0xFFFFE0C0  }
0x10e: {  	_ =	swait.ge [sflag:s20], $0x1F40  }
0x10f: {  	[sflag:s20] =	ssyncset.done $0x0  }
0x110: {  	s11 =	rddreg [dreg:$0xd];
	[sflag:s20] =	ssyncadd.s32 $0xFFFFE0C0  }
0x111: {  	[tilespmem:s17], [sflag:$0x2] =	stream.indirect.gather [hbm4b:s2+s15], $0x40, s11, s15, $0xb8;
	[tilespmem:$0xEAC0] =	vst v63  }
0x112: {  	s25 =	rddreg [dreg:$0xe]  }
0x113: {  	[spmem:s3] =	stream.indirect.scatter.add.f32 [tilespmem:s12], [sflag:$0x3], $0x40, s25, s15, $0xb8;
	[tilespmem:$0xEAC0] =	vst v63  }
0x114: {  	_ =	swait.ge [sflag:s18], $0x1F40  }
0x115: {  	[sflag:s18] =	ssyncset.done $0x0  }
0x116: {  	[sflag:s18] =	ssyncadd.s32 $0xFFFFE0C0  }
0x117: {  	_ =	swait.ge [sflag:s19], $0x1F40  }
0x118: {  	[sflag:s19] =	ssyncset.done $0x0  }
0x119: {  	s11 =	rddreg [dreg:$0xf];
	[sflag:s19] =	ssyncadd.s32 $0xFFFFE0C0  }
0x11a: {  	[tilespmem:s12], [sflag:$0x1] =	stream.indirect.gather [hbm4b:s2+s15], $0x40, s11, s15, $0xb8;
	[tilespmem:$0xEAC0] =	vst v63  }
0x11b: {  	s25 =	rddreg [dreg:$0x10]  }
0x11c: {  	[spmem:s3] =	stream.indirect.scatter.add.f32 [tilespmem:s17], [sflag:$0x4], $0x40, s25, s15, $0xb8;
	[tilespmem:$0xEAC0] =	vst v63  }
0x11d: {  	_ =	swait.ge [sflag:s16], $0x1F40  }
0x11e: {  	[sflag:s16] =	ssyncset.done $0x0  }
0x11f: {  	[sflag:s16] =	ssyncadd.s32 $0xFFFFE0C0  }
0x120: {  	_ =	swait.ge [sflag:s20], $0x1F40  }
0x121: {  	[sflag:s20] =	ssyncset.done $0x0  }
0x122: {  	s11 =	rddreg [dreg:$0x11];
	[sflag:s20] =	ssyncadd.s32 $0xFFFFE0C0  }
0x123: {  	[tilespmem:s17], [sflag:$0x2] =	stream.indirect.gather [hbm4b:s2+s15], $0x40, s11, s15, $0xb8;
	[tilespmem:$0xEAC0] =	vst v63  }
0x124: {  	s25 =	rddreg [dreg:$0x12]  }
0x125: {  	[spmem:s3] =	stream.indirect.scatter.add.f32 [tilespmem:s12], [sflag:$0x3], $0x40, s25, s15, $0xb8;
	[tilespmem:$0xEAC0] =	vst v63  }
0x126: {  	_ =	swait.ge [sflag:s18], $0x1F40  }
0x127: {  	[sflag:s18] =	ssyncset.done $0x0  }
0x128: {  	[sflag:s18] =	ssyncadd.s32 $0xFFFFE0C0  }
0x129: {  	_ =	swait.ge [sflag:s19], $0x1F40  }
0x12a: {  	[sflag:s19] =	ssyncset.done $0x0  }
0x12b: {  	s11 =	rddreg [dreg:$0x13];
	[sflag:s19] =	ssyncadd.s32 $0xFFFFE0C0  }
0x12c: {  	[tilespmem:s12], [sflag:$0x1] =	stream.indirect.gather [hbm4b:s2+s15], $0x40, s11, s15, $0xb8;
	[tilespmem:$0xEAC0] =	vst v63  }
0x12d: {  	s25 =	rddreg [dreg:$0x14]  }
0x12e: {  	[spmem:s3] =	stream.indirect.scatter.add.f32 [tilespmem:s17], [sflag:$0x4], $0x40, s25, s15, $0xb8;
	[tilespmem:$0xEAC0] =	vst v63  }
0x12f: {  	_ =	swait.ge [sflag:s16], $0x1F40  }
0x130: {  	[sflag:s16] =	ssyncset.done $0x0  }
0x131: {  	[sflag:s16] =	ssyncadd.s32 $0xFFFFE0C0  }
0x132: {  	_ =	swait.ge [sflag:s20], $0x1F40  }
0x133: {  	[sflag:s20] =	ssyncset.done $0x0  }
0x134: {  	s11 =	rddreg [dreg:$0x15];
	[sflag:s20] =	ssyncadd.s32 $0xFFFFE0C0  }
0x135: {  	[tilespmem:s17], [sflag:$0x2] =	stream.indirect.gather [hbm4b:s2+s15], $0x40, s11, s15, $0xb8;
	[tilespmem:$0xEAC0] =	vst v63  }
0x136: {  	s25 =	rddreg [dreg:$0x16]  }
0x137: {  	[spmem:s3] =	stream.indirect.scatter.add.f32 [tilespmem:s12], [sflag:$0x3], $0x40, s25, s15, $0xb8;
	[tilespmem:$0xEAC0] =	vst v63  }
0x138: {  	_ =	swait.ge [sflag:s18], $0x1F40  }
0x139: {  	[sflag:s18] =	ssyncset.done $0x0  }
0x13a: {  	[sflag:s18] =	ssyncadd.s32 $0xFFFFE0C0  }
0x13b: {  	_ =	swait.ge [sflag:s19], $0x1F40  }
0x13c: {  	[sflag:s19] =	ssyncset.done $0x0  }
0x13d: {  	[sflag:s19] =	ssyncadd.s32 $0xFFFFE0C0  }
0x13e: {  	[tilespmem:s12], [sflag:$0x1] =	stream.indirect.gather [hbm4b:s2+s15], $0x40, s21, s15, $0xb8;
	[tilespmem:$0xEAC0] =	vst v63  }
0x13f: {  	_ = 	snop  }
0x140: {  	[spmem:s3] =	stream.indirect.scatter.add.f32 [tilespmem:s17], [sflag:$0x4], $0x40, s22, s15, $0xb8;
	[tilespmem:$0xEAC0] =	vst v63  }
0x141: {  	_ =	swait.ge [sflag:s16], $0x1F40  }
0x142: {  	[sflag:s16] =	ssyncset.done $0x0  }
0x143: {  	[sflag:s16] =	ssyncadd.s32 $0xFFFFE0C0  }
0x144: {  	_ =	swait.ge [sflag:s20], $0x1F40  }
0x145: {  	[sflag:s20] =	ssyncset.done $0x0  }
0x146: {  	[sflag:s20] =	ssyncadd.s32 $0xFFFFE0C0  }
0x147: {  	[tilespmem:s17], [sflag:$0x2] =	stream.indirect.gather [hbm4b:s2+s15], $0x40, s23, s15, $0xb8;
	[tilespmem:$0xEAC0] =	vst v63  }
0x148: {  	_ = 	snop  }
0x149: {  	[spmem:s3] =	stream.indirect.scatter.add.f32 [tilespmem:s12], [sflag:$0x3], $0x40, s24, s15, $0xb8;
	[tilespmem:$0xEAC0] =	vst v63  }
0x14a: {  	_ =	swait.ge [sflag:s18], $0x1F40  }
0x14b: {  	[sflag:s18] =	ssyncset.done $0x0  }
0x14c: {  	[sflag:s18] =	ssyncadd.s32 $0xFFFFE0C0  }
0x14d: {  	_ =	swait.ge [sflag:s19], $0x1F40  }
0x14e: {  	[sflag:s19] =	ssyncset.done $0x0  }
0x14f: {  	[sflag:s19] =	ssyncadd.s32 $0xFFFFE0C0  }
0x150: {  	[tilespmem:s12], [sflag:$0x1] =	stream.indirect.gather [hbm4b:s2+s15], $0x40, s26, s15, $0xb8;
	[tilespmem:$0xEAC0] =	vst v63  }
0x151: {  	_ = 	snop  }
0x152: {  	[spmem:s3] =	stream.indirect.scatter.add.f32 [tilespmem:s17], [sflag:$0x4], $0x40, s28, s15, $0xb8;
	[tilespmem:$0xEAC0] =	vst v63  }
0x153: {  	_ =	swait.ge [sflag:s16], $0x1F40  }
0x154: {  	[sflag:s16] =	ssyncset.done $0x0  }
0x155: {  	[sflag:s16] =	ssyncadd.s32 $0xFFFFE0C0  }
0x156: {  	_ =	swait.ge [sflag:s20], $0x1F40  }
0x157: {  	[sflag:s20] =	ssyncset.done $0x0  }
0x158: {  	[sflag:s20] =	ssyncadd.s32 $0xFFFFE0C0  }
0x159: {  	[tilespmem:s17], [sflag:$0x2] =	stream.indirect.gather [hbm4b:s2+s15], $0x40, s29, s15, $0xb8;
	[tilespmem:$0xEAC0] =	vst v63  }
0x15a: {  	_ = 	snop  }
0x15b: {  	[spmem:s3] =	stream.indirect.scatter.add.f32 [tilespmem:s12], [sflag:$0x3], $0x40, s30, s15, $0xb8;
	[tilespmem:$0xEAC0] =	vst v63  }
0x15c: {  	_ =	swait.ge [sflag:s18], $0x1F40  }
0x15d: {  	[sflag:s18] =	ssyncset.done $0x0  }
0x15e: {  	[sflag:s18] =	ssyncadd.s32 $0xFFFFE0C0  }
0x15f: {  	_ =	swait.ge [sflag:s19], $0x1F40  }
0x160: {  	[sflag:s19] =	ssyncset.done $0x0  }
0x161: {  	[sflag:s19] =	ssyncadd.s32 $0xFFFFE0C0  }
0x162: {  	[tilespmem:s12], [sflag:$0x1] =	stream.indirect.gather [hbm4b:s2+s15], $0x40, s31, s15, $0xb8;
	[tilespmem:$0xEAC0] =	vst v63  }
0x163: {  	_ = 	snop  }
0x164: {  	[spmem:s3] =	stream.indirect.scatter.add.f32 [tilespmem:s17], [sflag:$0x4], $0x40, s1, s15, $0xb8;
	[tilespmem:$0xEAC0] =	vst v63  }
0x165: {  	_ =	swait.ge [sflag:s16], $0x1F40  }
0x166: {  	[sflag:s16] =	ssyncset.done $0x0  }
0x167: {  	[sflag:s16] =	ssyncadd.s32 $0xFFFFE0C0  }
0x168: {  	_ =	swait.ge [sflag:s20], $0x1F40  }
0x169: {  	s10 =	sadd.s32 $0x100, s10;
	[sflag:s20] =	ssyncset.done $0x0  }
0x16a: {  	p2 =	sne.s32 s10, $0x500;
	[sflag:s20] =	ssyncadd.s32 $0xFFFFE0C0  }
0x16b: {  	[tilespmem:s17], [sflag:$0x2] =	stream.indirect.gather [hbm4b:s2+s15], $0x40, s0, s15, $0xb8;
	[tilespmem:$0xEAC0] =	vst v63  }
.Ltmp1:
0x16c: {  	_ = 	snop;
	(pc) =	sbr.rel @p2 .LBB2_4-.Ltmp1, $4  }
0x16d: {  	[spmem:s3] =	stream.indirect.scatter.add.f32 [tilespmem:s12], [sflag:$0x3], $0x40, s6, s15, $0xb8;
	[tilespmem:$0xEAC0] =	vst v63  }
0x16e: {  	_ =	swait.ge [sflag:s18], $0x1F40  }
0x16f: {  	[sflag:s18] =	ssyncset.done $0x0  }
0x170: {  	p1 =	por p3, p3;
	[sflag:s18] =	ssyncadd.s32 $0xFFFFE0C0  }
0x171: {  	[spmem:s3] =	stream.indirect.scatter.add.f32 [tilespmem:s17], [sflag:$0x4], $0x40, s7, s15, $0xb8;
	[tilespmem:$0xEAC0] =	vst v63  }
0x172: {  	s5 =	simm.s32 @!p1 $0x3  }
0x173: {  	_ =	swait.ge @!p1 [sflag:s5], $0x1F40  }
0x174: {  	[sflag:s5] =	ssyncset.done @!p1 $0x0  }
0x175: {  	[sflag:s5] =	ssyncadd.s32 @!p1 $0xFFFFE0C0;
	s5 =	simm.s32 @!p1 $0x4  }
0x176: {  	_ =	swait.ge @!p1 [sflag:s5], $0x1F40  }
0x177: {  	s10 =	rddreg [dreg:$0x5];
	[sflag:s5] =	ssyncset.done @!p1 $0x0  }
0x178: {  	[sflag:s5] =	ssyncadd.s32 @!p1 $0xFFFFE0C0;
	s11 =	sadd.s32 s9, s10  }
0x179: {  	[tilespmem:s4], [sflag:$0x5] =	stream.linear.gather [hbm4b:s11+s4], $0x800, $0x38;
	[tilespmem:$0xEAC0] =	vst v63  }
0x17a: {  	_ =	swait.ge [sflag:s13], $0x800  }
0x17b: {  	s25 =	rddreg [dreg:$0x4];
	[sflag:s13] =	ssyncset.done $0x0  }
0x17c: {  	[sflag:s13] =	ssyncadd.s32 $0xFFFFF800;
	s5 =	sadd.s32 s9, s25  }
0x17d: {  	[tilespmem:s14], [sflag:$0x5] =	stream.linear.gather [hbm4b:s5+s4], $0x800, $0x38;
	[tilespmem:$0xEAC0] =	vst v63  }
0x17e: {  	_ =	swait.ge [sflag:s13], $0x800  }
0x17f: {  	[sflag:s13] =	ssyncset.done $0x0  }
0x180: {  	[sflag:s13] =	ssyncadd.s32 $0xFFFFF800  }
0x181: {  	[tilespmem:s12], [sflag:$0x1] =	stream.indirect.gather [hbm4b:s2+s15], $0x40, s4, s15, $0xb8;
	[tilespmem:$0xEAC0] =	vst v63  }
0x182: {  	_ =	swait.ge [sflag:s16], $0x1F40  }
0x183: {  	[sflag:s16] =	ssyncset.done $0x0  }
0x184: {  	s10 =	rddreg [dreg:$0x6];
	[sflag:s16] =	ssyncadd.s32 $0xFFFFE0C0  }
0x185: {  	[tilespmem:s17], [sflag:$0x2] =	stream.indirect.gather [hbm4b:s2+s15], $0x40, s10, s15, $0xb8;
	[tilespmem:$0xEAC0] =	vst v63  }
0x186: {  	_ = 	snop  }
0x187: {  	[spmem:s3] =	stream.indirect.scatter.add.f32 [tilespmem:s12], [sflag:$0x3], $0x40, s14, s15, $0xb8;
	[tilespmem:$0xEAC0] =	vst v63  }
0x188: {  	_ =	swait.ge [sflag:s18], $0x1F40  }
0x189: {  	[sflag:s18] =	ssyncset.done $0x0  }
0x18a: {  	[sflag:s18] =	ssyncadd.s32 $0xFFFFE0C0  }
0x18b: {  	_ =	swait.ge [sflag:s19], $0x1F40  }
0x18c: {  	[sflag:s19] =	ssyncset.done $0x0  }
0x18d: {  	s11 =	rddreg [dreg:$0x7];
	[sflag:s19] =	ssyncadd.s32 $0xFFFFE0C0  }
0x18e: {  	[tilespmem:s12], [sflag:$0x1] =	stream.indirect.gather [hbm4b:s2+s15], $0x40, s11, s15, $0xb8;
	[tilespmem:$0xEAC0] =	vst v63  }
0x18f: {  	s25 =	rddreg [dreg:$0x8]  }
0x190: {  	[spmem:s3] =	stream.indirect.scatter.add.f32 [tilespmem:s17], [sflag:$0x4], $0x40, s25, s15, $0xb8;
	[tilespmem:$0xEAC0] =	vst v63  }
0x191: {  	_ =	swait.ge [sflag:s16], $0x1F40  }
0x192: {  	[sflag:s16] =	ssyncset.done $0x0  }
0x193: {  	[sflag:s16] =	ssyncadd.s32 $0xFFFFE0C0  }
0x194: {  	_ =	swait.ge [sflag:s20], $0x1F40  }
0x195: {  	[sflag:s20] =	ssyncset.done $0x0  }
0x196: {  	s9 =	rddreg [dreg:$0x9];
	[sflag:s20] =	ssyncadd.s32 $0xFFFFE0C0  }
0x197: {  	[tilespmem:s17], [sflag:$0x2] =	stream.indirect.gather [hbm4b:s2+s15], $0x40, s9, s15, $0xb8;
	[tilespmem:$0xEAC0] =	vst v63  }
0x198: {  	s10 =	rddreg [dreg:$0xa]  }
0x199: {  	[spmem:s3] =	stream.indirect.scatter.add.f32 [tilespmem:s12], [sflag:$0x3], $0x40, s10, s15, $0xb8;
	[tilespmem:$0xEAC0] =	vst v63  }
0x19a: {  	_ =	swait.ge [sflag:s18], $0x1F40  }
0x19b: {  	[sflag:s18] =	ssyncset.done $0x0  }
0x19c: {  	[sflag:s18] =	ssyncadd.s32 $0xFFFFE0C0  }
0x19d: {  	_ =	swait.ge [sflag:s19], $0x1F40  }
0x19e: {  	[sflag:s19] =	ssyncset.done $0x0  }
0x19f: {  	s11 =	rddreg [dreg:$0xb];
	[sflag:s19] =	ssyncadd.s32 $0xFFFFE0C0  }
0x1a0: {  	[tilespmem:s12], [sflag:$0x1] =	stream.indirect.gather [hbm4b:s2+s15], $0x40, s11, s15, $0xb8;
	[tilespmem:$0xEAC0] =	vst v63  }
0x1a1: {  	s25 =	rddreg [dreg:$0xc]  }
0x1a2: {  	[spmem:s3] =	stream.indirect.scatter.add.f32 [tilespmem:s17], [sflag:$0x4], $0x40, s25, s15, $0xb8;
	[tilespmem:$0xEAC0] =	vst v63  }
0x1a3: {  	_ =	swait.ge [sflag:s16], $0x1F40  }
0x1a4: {  	[sflag:s16] =	ssyncset.done $0x0  }
0x1a5: {  	[sflag:s16] =	ssyncadd.s32 $0xFFFFE0C0  }
0x1a6: {  	_ =	swait.ge [sflag:s20], $0x1F40  }
0x1a7: {  	[sflag:s20] =	ssyncset.done $0x0  }
0x1a8: {  	s9 =	rddreg [dreg:$0xd];
	[sflag:s20] =	ssyncadd.s32 $0xFFFFE0C0  }
0x1a9: {  	[tilespmem:s17], [sflag:$0x2] =	stream.indirect.gather [hbm4b:s2+s15], $0x40, s9, s15, $0xb8;
	[tilespmem:$0xEAC0] =	vst v63  }
0x1aa: {  	s10 =	rddreg [dreg:$0xe]  }
0x1ab: {  	[spmem:s3] =	stream.indirect.scatter.add.f32 [tilespmem:s12], [sflag:$0x3], $0x40, s10, s15, $0xb8;
	[tilespmem:$0xEAC0] =	vst v63  }
0x1ac: {  	_ =	swait.ge [sflag:s18], $0x1F40  }
0x1ad: {  	[sflag:s18] =	ssyncset.done $0x0  }
0x1ae: {  	[sflag:s18] =	ssyncadd.s32 $0xFFFFE0C0  }
0x1af: {  	_ =	swait.ge [sflag:s19], $0x1F40  }
0x1b0: {  	[sflag:s19] =	ssyncset.done $0x0  }
0x1b1: {  	s11 =	rddreg [dreg:$0xf];
	[sflag:s19] =	ssyncadd.s32 $0xFFFFE0C0  }
0x1b2: {  	[tilespmem:s12], [sflag:$0x1] =	stream.indirect.gather [hbm4b:s2+s15], $0x40, s11, s15, $0xb8;
	[tilespmem:$0xEAC0] =	vst v63  }
0x1b3: {  	s25 =	rddreg [dreg:$0x10]  }
0x1b4: {  	[spmem:s3] =	stream.indirect.scatter.add.f32 [tilespmem:s17], [sflag:$0x4], $0x40, s25, s15, $0xb8;
	[tilespmem:$0xEAC0] =	vst v63  }
0x1b5: {  	_ =	swait.ge [sflag:s16], $0x1F40  }
0x1b6: {  	[sflag:s16] =	ssyncset.done $0x0  }
0x1b7: {  	[sflag:s16] =	ssyncadd.s32 $0xFFFFE0C0  }
0x1b8: {  	_ =	swait.ge [sflag:s20], $0x1F40  }
0x1b9: {  	[sflag:s20] =	ssyncset.done $0x0  }
0x1ba: {  	s9 =	rddreg [dreg:$0x11];
	[sflag:s20] =	ssyncadd.s32 $0xFFFFE0C0  }
0x1bb: {  	[tilespmem:s17], [sflag:$0x2] =	stream.indirect.gather [hbm4b:s2+s15], $0x40, s9, s15, $0xb8;
	[tilespmem:$0xEAC0] =	vst v63  }
0x1bc: {  	s10 =	rddreg [dreg:$0x12]  }
0x1bd: {  	[spmem:s3] =	stream.indirect.scatter.add.f32 [tilespmem:s12], [sflag:$0x3], $0x40, s10, s15, $0xb8;
	[tilespmem:$0xEAC0] =	vst v63  }
0x1be: {  	_ =	swait.ge [sflag:s18], $0x1F40  }
0x1bf: {  	[sflag:s18] =	ssyncset.done $0x0  }
0x1c0: {  	[sflag:s18] =	ssyncadd.s32 $0xFFFFE0C0  }
0x1c1: {  	_ =	swait.ge [sflag:s19], $0x1F40  }
0x1c2: {  	[sflag:s19] =	ssyncset.done $0x0  }
0x1c3: {  	s11 =	rddreg [dreg:$0x13];
	[sflag:s19] =	ssyncadd.s32 $0xFFFFE0C0  }
0x1c4: {  	[tilespmem:s12], [sflag:$0x1] =	stream.indirect.gather [hbm4b:s2+s15], $0x40, s11, s15, $0xb8;
	[tilespmem:$0xEAC0] =	vst v63  }
0x1c5: {  	s25 =	rddreg [dreg:$0x14]  }
0x1c6: {  	[spmem:s3] =	stream.indirect.scatter.add.f32 [tilespmem:s17], [sflag:$0x4], $0x40, s25, s15, $0xb8;
	[tilespmem:$0xEAC0] =	vst v63  }
0x1c7: {  	_ =	swait.ge [sflag:s16], $0x1F40  }
0x1c8: {  	[sflag:s16] =	ssyncset.done $0x0  }
0x1c9: {  	[sflag:s16] =	ssyncadd.s32 $0xFFFFE0C0  }
0x1ca: {  	_ =	swait.ge [sflag:s20], $0x1F40  }
0x1cb: {  	[sflag:s20] =	ssyncset.done $0x0  }
0x1cc: {  	s10 =	rddreg [dreg:$0x15];
	[sflag:s20] =	ssyncadd.s32 $0xFFFFE0C0  }
0x1cd: {  	[tilespmem:s17], [sflag:$0x2] =	stream.indirect.gather [hbm4b:s2+s15], $0x40, s10, s15, $0xb8;
	[tilespmem:$0xEAC0] =	vst v63  }
0x1ce: {  	s11 =	rddreg [dreg:$0x16]  }
0x1cf: {  	[spmem:s3] =	stream.indirect.scatter.add.f32 [tilespmem:s12], [sflag:$0x3], $0x40, s11, s15, $0xb8;
	[tilespmem:$0xEAC0] =	vst v63  }
0x1d0: {  	_ =	swait.ge [sflag:s18], $0x1F40  }
0x1d1: {  	[sflag:s18] =	ssyncset.done $0x0  }
0x1d2: {  	[sflag:s18] =	ssyncadd.s32 $0xFFFFE0C0  }
0x1d3: {  	_ =	swait.ge [sflag:s19], $0x1F40  }
0x1d4: {  	[sflag:s19] =	ssyncset.done $0x0  }
0x1d5: {  	[sflag:s19] =	ssyncadd.s32 $0xFFFFE0C0  }
0x1d6: {  	[tilespmem:s12], [sflag:$0x1] =	stream.indirect.gather [hbm4b:s2+s15], $0x40, s21, s15, $0xb8;
	[tilespmem:$0xEAC0] =	vst v63  }
0x1d7: {  	_ = 	snop  }
0x1d8: {  	[spmem:s3] =	stream.indirect.scatter.add.f32 [tilespmem:s17], [sflag:$0x4], $0x40, s22, s15, $0xb8;
	[tilespmem:$0xEAC0] =	vst v63  }
0x1d9: {  	_ =	swait.ge [sflag:s16], $0x1F40  }
0x1da: {  	[sflag:s16] =	ssyncset.done $0x0  }
0x1db: {  	[sflag:s16] =	ssyncadd.s32 $0xFFFFE0C0  }
0x1dc: {  	_ =	swait.ge [sflag:s20], $0x1F40  }
0x1dd: {  	[sflag:s20] =	ssyncset.done $0x0  }
0x1de: {  	[sflag:s20] =	ssyncadd.s32 $0xFFFFE0C0  }
0x1df: {  	[tilespmem:s17], [sflag:$0x2] =	stream.indirect.gather [hbm4b:s2+s15], $0x40, s23, s15, $0xb8;
	[tilespmem:$0xEAC0] =	vst v63  }
0x1e0: {  	_ = 	snop  }
0x1e1: {  	[spmem:s3] =	stream.indirect.scatter.add.f32 [tilespmem:s12], [sflag:$0x3], $0x40, s24, s15, $0xb8;
	[tilespmem:$0xEAC0] =	vst v63  }
0x1e2: {  	_ =	swait.ge [sflag:s18], $0x1F40  }
0x1e3: {  	[sflag:s18] =	ssyncset.done $0x0  }
0x1e4: {  	[sflag:s18] =	ssyncadd.s32 $0xFFFFE0C0  }
0x1e5: {  	_ =	swait.ge [sflag:s19], $0x1F40  }
0x1e6: {  	[sflag:s19] =	ssyncset.done $0x0  }
0x1e7: {  	[sflag:s19] =	ssyncadd.s32 $0xFFFFE0C0  }
0x1e8: {  	[tilespmem:s12], [sflag:$0x1] =	stream.indirect.gather [hbm4b:s2+s15], $0x40, s26, s15, $0xb8;
	[tilespmem:$0xEAC0] =	vst v63  }
0x1e9: {  	_ = 	snop  }
0x1ea: {  	[spmem:s3] =	stream.indirect.scatter.add.f32 [tilespmem:s17], [sflag:$0x4], $0x40, s28, s15, $0xb8;
	[tilespmem:$0xEAC0] =	vst v63  }
0x1eb: {  	_ =	swait.ge [sflag:s16], $0x1F40  }
0x1ec: {  	[sflag:s16] =	ssyncset.done $0x0  }
0x1ed: {  	[sflag:s16] =	ssyncadd.s32 $0xFFFFE0C0  }
0x1ee: {  	_ =	swait.ge [sflag:s20], $0x1F40  }
0x1ef: {  	[sflag:s20] =	ssyncset.done $0x0  }
0x1f0: {  	[sflag:s20] =	ssyncadd.s32 $0xFFFFE0C0  }
0x1f1: {  	[tilespmem:s17], [sflag:$0x2] =	stream.indirect.gather [hbm4b:s2+s15], $0x40, s29, s15, $0xb8;
	[tilespmem:$0xEAC0] =	vst v63  }
0x1f2: {  	_ = 	snop  }
0x1f3: {  	[spmem:s3] =	stream.indirect.scatter.add.f32 [tilespmem:s12], [sflag:$0x3], $0x40, s30, s15, $0xb8;
	[tilespmem:$0xEAC0] =	vst v63  }
0x1f4: {  	_ =	swait.ge [sflag:s18], $0x1F40  }
0x1f5: {  	[sflag:s18] =	ssyncset.done $0x0  }
0x1f6: {  	[sflag:s18] =	ssyncadd.s32 $0xFFFFE0C0  }
0x1f7: {  	_ =	swait.ge [sflag:s19], $0x1F40  }
0x1f8: {  	[sflag:s19] =	ssyncset.done $0x0  }
0x1f9: {  	[sflag:s19] =	ssyncadd.s32 $0xFFFFE0C0  }
0x1fa: {  	[tilespmem:s12], [sflag:$0x1] =	stream.indirect.gather [hbm4b:s2+s15], $0x40, s31, s15, $0xb8;
	[tilespmem:$0xEAC0] =	vst v63  }
0x1fb: {  	_ = 	snop  }
0x1fc: {  	[spmem:s3] =	stream.indirect.scatter.add.f32 [tilespmem:s17], [sflag:$0x4], $0x40, s1, s15, $0xb8;
	[tilespmem:$0xEAC0] =	vst v63  }
0x1fd: {  	_ =	swait.ge [sflag:s16], $0x1F40  }
0x1fe: {  	[sflag:s16] =	ssyncset.done $0x0  }
0x1ff: {  	[sflag:s16] =	ssyncadd.s32 $0xFFFFE0C0  }
0x200: {  	_ =	swait.ge [sflag:s20], $0x1F40  }
0x201: {  	[sflag:s20] =	ssyncset.done $0x0  }
0x202: {  	[sflag:s20] =	ssyncadd.s32 $0xFFFFE0C0  }
0x203: {  	[tilespmem:s17], [sflag:$0x2] =	stream.indirect.gather [hbm4b:s2+s15], $0x40, s0, s15, $0xb8;
	[tilespmem:$0xEAC0] =	vst v63  }
0x204: {  	_ = 	snop  }
0x205: {  	[spmem:s3] =	stream.indirect.scatter.add.f32 [tilespmem:s12], [sflag:$0x3], $0x40, s6, s15, $0xb8;
	[tilespmem:$0xEAC0] =	vst v63  }
0x206: {  	_ =	swait.ge [sflag:s18], $0x1F40  }
0x207: {  	[sflag:s18] =	ssyncset.done $0x0  }
0x208: {  	[sflag:s18] =	ssyncadd.s32 $0xFFFFE0C0  }
0x209: {  	[spmem:s3] =	stream.indirect.scatter.add.f32 [tilespmem:s17], [sflag:$0x4], $0x40, s7, s15, $0xb8;
	[tilespmem:$0xEAC0] =	vst v63  }
0x20a: {  	_ =	swait.ge [sflag:s19], $0x1F40  }
0x20b: {  	[sflag:s19] =	ssyncset.done $0x0  }
0x20c: {  	[sflag:s19] =	ssyncadd.s32 $0xFFFFE0C0  }
0x20d: {  	_ =	swait.ge [sflag:s20], $0x1F40  }
0x20e: {  	[sflag:s20] =	ssyncset.done $0x0  }
0x20f: {  	[sflag:s20] =	ssyncadd.s32 $0xFFFFE0C0  }
0x210: {  	s5 =	stileid.u32;
	[bflag:$0x0] =	sbarrier.arrive $0xFFFF  }
0x211: {  	s5 =	sshll.u32 @!p0 s5, $0x6;
	s9 =	rddreg [dreg:$0x1c]  }
0x212: {  	s5 =	sor.u32 @!p0 $0x1C05, s5;
	s10 =	rddreg [dreg:$0x1e]  }
0x213: {  	[hbm:s9], [sflag:s5] =	dma.local @!p0 [spmem:s10], $0x1F40  }
0x214: {  	s5 =	simm.s32 @!p0 $0x5  }
0x215: {  	_ =	swait.ge @!p0 [sflag:s5], $0x1F40  }
0x216: {  	s8 =	sadd.s32 $0x1, s8;
	s25 =	rddreg [dreg:$0x1d]  }
0x217: {  	p1 =	sne.s32 s8, s25  }
.Ltmp2:
0x218: {  	_ = 	snop;
	(pc) =	sbr.rel @p1 .LBB2_1-.Ltmp2, $3  }
0x219: {  	_ =	sdelay $0x1  }
0x21a: {  	[sflag:s5] =	ssyncset.done @!p0 $0x0  }
0x21b: {  	[sflag:s5] =	ssyncadd.s32 @!p0 $0xFFFFE0C0  }
0x21c: {  	_ =	sfence.sel $0x180000  }
0x21d: {  	[bflag:$0x0] =	sbarrier.arrive $0xFFFF  }
0x21e: {  	_ =	strace $0x9000004D  }
0x21f: {  	s0 =	stileid.u32;
	[bflag:$0x2] =	sbarrier.arrive $0xFFFF  }
0x220: {  	p0 =	sne.s32 s0, $0x0;
	s0 =	rddreg [dreg:$0x3]  }
0x221: {  	s0 =	sadd.s32 @!p0 $0x100000, s0  }
0x222: {  	[sflag:s0] =	ssyncadd.tile.s32 @!p0 $0x1;
	_ =	shalt  }
.Lfunc_end2:
_tile_overlayer_lowered:
.L_overlay_start_2:
0x223: {  	(tag) =	ssettag $0x2  }
0x224: {  	s0 =	rddreg [dreg:$0x0];
	s2 =	stileid.u32  }
0x225: {  	s1 =	rddreg [dreg:$0x1];
	p0 =	sne.s32 s2, $0x0  }
0x226: {  	s3 =	rddreg [dreg:$0x2];
	[bflag:$0x3] =	sbarrier.arrive $0xFFFF;
	s2 =	simm.s32 @!p0 $0x1C05  }
0x227: {  	[timem:s3], [sflag:s2] =	dma.local @!p0 [hbm:s0], s1  }
0x228: {  	s0 =	simm.s32 @!p0 $0x5  }
0x229: {  	_ =	swait.ge @!p0 [sflag:s0], s1  }
0x22a: {  	s1 =	ssub.s32 @!p0 $0x0, s1;
	[sflag:s0] =	ssyncset.done @!p0 $0x0  }
0x22b: {  	[sflag:s0] =	ssyncadd.s32 @!p0 s1  }
0x22c: {  	[bflag:$0x3] =	sbarrier.arrive $0xFFFF  }
0x22d: {  	_ =	shalt  }

// kernel: kernel.7.cloned.1.call-start
scs
__scs_entry_jumppad:
0x0: {  	(pc) =	sbr.rel $0x88, $3  }
0x1: {  	(tag) =	ssettag $0x0;
	lr =	simm.s32 $0x1  }
0x2: {  	[smem:$0x3F9B] =	sst lr;
	_ =	strace $0xD0000000  }
0x3: {  	_ = 	snop  }
0x4: {  	_ = 	snop  }
0x5: {  	_ = 	snop  }
0x6: {  	_ = 	snop  }
0x7: {  	_ = 	snop  }
__scs_overlays_trampoline_lowered:
0x8: {  	[smem:$0x3FAA] =	sst s0  }
0x9: {  	[smem:$0x3FAB] =	sst s1  }
0xa: {  	[smem:$0x3FAC] =	sst s2  }
0xb: {  	[smem:$0x3FAD] =	sst s3  }
0xc: {  	[smem:$0x3FAE] =	sst s4  }
0xd: {  	[smem:$0x3FAF] =	sst s5  }
0xe: {  	[smem:$0x3FB0] =	sst s6  }
0xf: {  	[smem:$0x3FB1] =	sst s7  }
0x10: {  	[smem:$0x3FB2] =	sst s8  }
0x11: {  	[smem:$0x3FB3] =	sst s9;
	s0 =	simm.s32 @!p0 $0x0  }
0x12: {  	s1 =	sld [smem:$0x3F99];
	s0 =	simm.s32 @p0 $0x1  }
0x13: {  	[smem:$0x3FB4] =	sst s0;
	s0 =	simm.s32 @!p1 $0x0  }
0x14: {  	s2 =	sld [smem:$0x3F98];
	s0 =	simm.s32 @p1 $0x1  }
0x15: {  	[smem:$0x3FB5] =	sst s0;
	s0 =	simm.s32 @!p2 $0x0  }
0x16: {  	s3 =	sld [smem:$0x3FDB];
	s0 =	simm.s32 @p2 $0x1  }
0x17: {  	s4 =	simm.s32 $0x1BF5;
	[smem:$0x3FB7] =	sst s0  }
0x18: {  	s0 =	sld [smem:$0x3F9A];
	_ =	swait.ge [sflag:s4], $0x0  }
0x19: {  	s7 =	sld [smem:$0x3F9B]  }
0x1a: {  	s8 =	sadd.s32 $0xFFFFE003, lr  }
0x1b: {  	s9 =	sadd.s32 $0xFFFFFEF7, lr;
	s5 =	simm.s32 $0xFFFFFFFF;
	p2 =	slt.u32 s8, $0xFFFFF086  }
0x1c: {  	p1 =	slt.u32 s9, $0xF7A;
	s5 =	simm.s32 @!p2 $0x0  }
0x1d: {  	s5 =	simm.s32 @p1 $0x1;
	p0 =	seq.s32 s7, s2  }
0x1e: {  	s7 =	smul.u32 @!p0 $0xF7A, s2;
	p2 =	seq.s32 @!p0 s5, $0x0  }
0x1f: {  	s9 =	smul.u32 $0xF7A, s1;
	s8 =	simm.s32 @!p0 $0x1BF5;
	p2 =	por !p2, p0  }
0x20: {  	[sflag:s8] =	ssyncset.s32 @!p0 $0xFFFFF086;
	s6 =	sadd.s32 @!p0 s3, s7;
	s7 =	simm.s32 @!p0 $0x108  }
0x21: {  	s3 =	sadd.s32 s3, s9;
	s6 =	sadd.s32 @!p0 $0x88, s6;
	s7 =	simm.s32 @p2 $0x1082  }
0x22: {  	[simem:s7], [sflag:s8] =	dma.local @!p0 [hbm:s6], $0xF7A  }
0x23: {  	s9 =	sor.u32 $0xD0000000, s2;
	s6 =	simm.s32 $0x108;
	_ =	swait.ge @!p0 [sflag:s8], $0x0  }
0x24: {  	s3 =	sadd.s32 $0x88, s3;
	s6 =	simm.s32 @!p1 $0x1082;
	[sflag:s4] =	ssyncset.s32 $0xFFFFF086  }
0x25: {  	[simem:s6], [sflag:s4] =	dma.local [hbm:s3], $0xF7A  }
0x26: {  	[smem:$0x3F9B] =	sst s1;
	(tag) =	ssettag s2;
	_ =	strace s9  }
0x27: {  	s1 =	sld [smem:$0x3FAB]  }
0x28: {  	s2 =	sld [smem:$0x3FAC]  }
0x29: {  	s4 =	sld [smem:$0x3FAE]  }
0x2a: {  	p0 =	seq.s32 s5, $0x0;
	s5 =	sld [smem:$0x3FAF]  }
0x2b: {  	s6 =	sld [smem:$0x3FB0]  }
0x2c: {  	s7 =	sld [smem:$0x3FB1]  }
0x2d: {  	s3 =	simm.s32 $0x108;
	s8 =	sld [smem:$0x3FB2]  }
0x2e: {  	s3 =	simm.s32 @!p0 $0x1082;
	s9 =	sld [smem:$0x3FB3]  }
0x2f: {  	lr =	sadd.s32 s0, s3;
	s0 =	sld [smem:$0x3FAA]  }
0x30: {  	s3 =	sld [smem:$0x3FAD]  }
0x31: {  	[smem:$0x3FB6] =	sst s10  }
0x32: {  	s10 =	sld [smem:$0x3FB4];
	_ =	sdelay $0x3  }
0x33: {  	p0 =	seq.s32 s10, $0x1;
	s10 =	sld [smem:$0x3FB6];
	_ =	sdelay $0x3  }
0x34: {  	[smem:$0x3FB6] =	sst s10  }
0x35: {  	s10 =	sld [smem:$0x3FB5];
	_ =	sdelay $0x3  }
0x36: {  	p1 =	seq.s32 s10, $0x1;
	s10 =	sld [smem:$0x3FB6];
	_ =	sdelay $0x3  }
0x37: {  	[smem:$0x3FB6] =	sst s10  }
0x38: {  	s10 =	sld [smem:$0x3FB7]  }
0x39: {  	_ = 	snop;
	(pc) =	sbr.ind lr, $3  }
0x3a: {  	_ = 	snop  }
0x3b: {  	_ = 	snop  }
0x3c: {  	p2 =	seq.s32 s10, $0x1;
	s10 =	sld [smem:$0x3FB6]  }
0x3d: {  	_ =	shalt  }
0x3e: {  	_ =	shalt  }
0x3f: {  	_ =	shalt  }
0x40: {  	_ =	shalt  }
0x41: {  	_ =	shalt  }
0x42: {  	_ =	shalt  }
0x43: {  	_ =	shalt  }
0x44: {  	_ =	shalt  }
0x45: {  	_ =	shalt  }
0x46: {  	_ =	shalt  }
0x47: {  	_ =	shalt  }
0x48: {  	_ =	shalt  }
0x49: {  	_ =	shalt  }
0x4a: {  	_ =	shalt  }
0x4b: {  	_ =	shalt  }
0x4c: {  	_ =	shalt  }
0x4d: {  	_ =	shalt  }
0x4e: {  	_ =	shalt  }
0x4f: {  	_ =	shalt  }
0x50: {  	_ =	shalt  }
0x51: {  	_ =	shalt  }
0x52: {  	_ =	shalt  }
0x53: {  	_ =	shalt  }
0x54: {  	_ =	shalt  }
0x55: {  	_ =	shalt  }
0x56: {  	_ =	shalt  }
0x57: {  	_ =	shalt  }
0x58: {  	_ =	shalt  }
0x59: {  	_ =	shalt  }
0x5a: {  	_ =	shalt  }
0x5b: {  	_ =	shalt  }
0x5c: {  	_ =	shalt  }
0x5d: {  	_ =	shalt  }
0x5e: {  	_ =	shalt  }
0x5f: {  	_ =	shalt  }
0x60: {  	_ =	shalt  }
0x61: {  	_ =	shalt  }
0x62: {  	_ =	shalt  }
0x63: {  	_ =	shalt  }
0x64: {  	_ =	shalt  }
0x65: {  	_ =	shalt  }
0x66: {  	_ =	shalt  }
0x67: {  	_ =	shalt  }
0x68: {  	_ =	shalt  }
0x69: {  	_ =	shalt  }
0x6a: {  	_ =	shalt  }
0x6b: {  	_ =	shalt  }
0x6c: {  	_ =	shalt  }
0x6d: {  	_ =	shalt  }
0x6e: {  	_ =	shalt  }
0x6f: {  	_ =	shalt  }
0x70: {  	_ =	shalt  }
0x71: {  	_ =	shalt  }
0x72: {  	_ =	shalt  }
0x73: {  	_ =	shalt  }
0x74: {  	_ =	shalt  }
0x75: {  	_ =	shalt  }
0x76: {  	_ =	shalt  }
0x77: {  	_ =	shalt  }
0x78: {  	_ =	shalt  }
0x79: {  	_ =	shalt  }
0x7a: {  	_ =	shalt  }
0x7b: {  	_ =	shalt  }
0x7c: {  	_ =	shalt  }
0x7d: {  	_ =	shalt  }
0x7e: {  	_ =	shalt  }
0x7f: {  	_ =	shalt  }
0x80: {  	_ =	shalt  }
0x81: {  	_ =	shalt  }
0x82: {  	_ =	shalt  }
0x83: {  	_ =	shalt  }
0x84: {  	_ =	shalt  }
0x85: {  	_ =	shalt  }
0x86: {  	_ =	shalt  }
0x87: {  	_ =	shalt  }
.Lfunc_end0:
.L_simem_size_0:
called_computation_lowered:
.L_overlay_start_0:
0x88: {  	s2 =	sld [smem:$0x3FD9]  }
0x89: {  	s3 =	sld [smem:$0x3FFE];
	_ =	sdelay $0x1  }
0x8a: {  	s1 =	srdreg.scid  }
0x8b: {  	s0 =	sand.u32 $0x1, s1  }
0x8c: {  	s17 =	sshll.u32 s0, $0xA;
	s2 =	sadd.s32 s3, s2  }
0x8d: {  	s2 =	sadd.s32 s2, s17  }
0x8e: {  	[smem:$0x3FC2] =	sst s2  }
0x8f: {  	_ = 	snop  }
0x90: {  	s2 =	sld [smem:$0x3FD0];
	(tm) =	ssettm $0x1  }
0x91: {  	s18 =	sld [smem:$0x3FFB];
	_ =	sdelay $0x3  }
0x92: {  	_ =	strace s18  }
0x93: {  	s3 =	sld [smem:$0x3FFC];
	_ =	sdelay $0x3  }
0x94: {  	_ =	strace s3  }
0x95: {  	s3 =	sld [smem:$0x3FFD];
	_ =	sdelay $0x3  }
0x96: {  	_ =	strace s3  }
0x97: {  	_ =	strace $0x8FFFFFFF  }
0x98: {  	s19 =	sld [smem:$0x3FDB];
	_ =	sdelay $0x1  }
0x99: {  	s4 =	simm.s32 $_scs_section_size  }
0x9a: {  	s5 =	simm.s32 $_size__tile_overlayer_lowered;
	s6 =	simm.s32 $_tile_overlayer_lowered  }
0x9b: {  	s22 =	simm.s32 $0x1BFF;
	s21 =	sshll.u32 s6, $0x1;
	s3 =	sadd.s32 s4, s19  }
0x9c: {  	s7 =	simm.s32 $0x0;
	s20 =	sshll.u32 s5, $0x1;
	s5 =	sadd.s32 s21, s3  }
0x9d: {  	[timem:s7], [sflag:s22] =	dma.local [hbm:s5], s20  }
0x9e: {  	_ =	swait.ge [sflag:s22], s20  }
0x9f: {  	s4 =	ssub.s32 $0x0, s20;
	[sflag:s22] =	ssyncset.done $0x0  }
0xa0: {  	[sflag:s22] =	ssyncadd.s32 s4;
	_ =	sdelay $0x1  }
0xa1: {  	s23 =	simm.s32 $0x1B8B  }
0xa2: {  	_ =	swait.ge [sflag:s23], $0x1  }
0xa3: {  	[sflag:s23] =	ssyncset.done $0x0  }
0xa4: {  	s25 =	simm.s32 $0x1B8E;
	s24 =	sld [smem:$0x3FFE];
	[sflag:s23] =	ssyncadd.s32 $0xFFFFFFFF  }
0xa5: {  	s26 =	simm.s32 $execute0_lowered;
	[smem:$0x3FD2] =	sst s25  }
0xa6: {  	s5 =	sshll.u32 s26, $0x1;
	_ =	strace $0x80000046;
	[dreg:$0x1] =	wrdreg $0xFFFFFFFF  }
0xa7: {  	s28 =	simm.s32 $_size_execute0_lowered;
	s3 =	sadd.s32 s3, s5;
	[dreg:$0x0] =	wrdreg $0x0  }
0xa8: {  	s5 =	sshll.u32 s28, $0x1;
	[dreg:$0x2] =	wrdreg s3  }
0xa9: {  	[dreg:$0x3] =	wrdreg s5  }
0xaa: {  	[dreg:$0x4] =	wrdreg $0xC0  }
0xab: {  	_ =	task [dreg:s7], $0x5FFFF  }
0xac: {  	[dreg:$0x1] =	wrdreg $0xFFFFFFFF  }
0xad: {  	[dreg:$0x0] =	wrdreg $0x60  }
0xae: {  	[dreg:$0x2] =	wrdreg s24  }
0xaf: {  	[dreg:$0x3] =	wrdreg s2  }
0xb0: {  	[dreg:$0x4] =	wrdreg $0x2FD00  }
0xb1: {  	[dreg:$0x5] =	wrdreg $0x9  }
0xb2: {  	_ =	task.clear_ibuf [dreg:s7], $0x6FFFF;
	_ =	strace $0x90000046  }
0xb3: {  	s29 =	simm.s32 $0x9;
	_ =	strace $0x80000048  }
0xb4: {  	_ =	swait.ge [sflag:s29], $0x1  }
0xb5: {  	[sflag:s29] =	ssyncadd.s32 $0xFFFFFFFF  }
0xb6: {  	_ =	strace $0x90000048  }
0xb7: {  	_ =	sfence  }
0xb8: {  	s30 =	sld [smem:$0x0];
	_ =	sdelay $0x2  }
0xb9: {  	s31 =	sshll.u32 s1, $0xD;
	s1 =	sshrl.u32 s1, $0x2  }
0xba: {  	s3 =	sand.u32 $0x4000, s31;
	s1 =	sadd.s32 s1, s30  }
0xbb: {  	s0 =	sor.u32 s3, s0;
	s1 =	sshll.u32 s1, $0x11  }
0xbc: {  	s0 =	sor.u32 s1, s0  }
0xbd: {  	s0 =	sadd.s32 $0x8F2B, s0  }
0xbe: {  	[sflag:s0] =	ssyncadd.remote.s32 $0x1  }
0xbf: {  	_ =	sfence.sel $0xFFFF  }
0xc0: {  	[dreg:$0x0] =	wrdreg $0xFFFFFFFF;
	(pc) =	sbr.abs _section_cstart, $3  }
0xc1: {  	[dreg:$0x1] =	wrdreg $0xFFFFFFFF  }
0xc2: {  	_ =	task.clear_ibuf [dreg:s7], $0x2FFFF;
	_ =	strace $0x9FFFFFFF  }
0xc3: {  	(tm) =	ssettm $0x7FFFFFFF  }
tec
execute0_lowered:
.L_overlay_start_1:
0x0: {  	(tag) =	ssettag $0x1  }
0x1: {  	s4 =	rddreg [dreg:$0x0]  }
0x2: {  	s10 =	rddreg [dreg:$0x1]  }
0x3: {  	s0 =	srdreg.scid;
	s2 =	rddreg [dreg:$0x2]  }
0x4: {  	s3 =	simm.s32 $0x0;
	s5 =	sand.u32 $0x1, s0;
	s0 =	stileid.u32  }
0x5: {  	s15 =	simm.s32 $0x1;
	[smem:$0x7FF] =	sst s3;
	s7 =	smul.u32 $0x9C40, s0  }
0x6: {  	s1 =	sshll.u32 s5, $0x4;
	s8 =	ssub.s32 $0x2, s5;
	s9 =	smul.u32 $0x27100, s5  }
0x7: {  	s11 =	smul.u32 $0x3E80, s0;
	p0 =	sgt.u32 s0, $0x9;
	s6 =	sor.u32 s0, s1  }
0x8: {  	s1 =	rddreg [dreg:$0x3];
	_ =	strace $0x80000047;
	s31 =	sshrl.u32 s8, $0x1  }
0x9: {  	s16 =	sshll.u32 @!p0 s0, $0x6;
	s6 =	smul.u32 $0x500, s6;
	s7 =	sshrl.u32 s7, $0x2  }
0xa: {  	s13 =	ssub.s32 s8, s31;
	s9 =	sadd.s32 s11, s9;
	s17 =	sadd.s32 s11, s2  }
0xb: {  	s16 =	sor.u32 @!p0 $0x1C02, s16;
	s14 =	sshrl.u32 s9, $0x3;
	s11 =	smax.u32 s13, $0x1  }
0xc: {  	s13 =	simm.s32 $0x2;
	s17 =	sshrl.u32 @!p0 s17, $0x3;
	s12 =	sadd.s32 s6, s4  }
0xd: {  	s4 =	sadd.s32 s7, s2;
	s10 =	sadd.s32 s10, s14;
	s14 =	simm.s32 $0x7D  }
0xe: {  	s5 =	sadd.s32 $0x7D0, s4;
	s6 =	sadd.s32 $0xFA0, s4;
	s7 =	sadd.s32 $0x1770, s4  }
0xf: {  	v0 =	vimm.f32 $0.0e+00;
	v1 =	vimm.f32 $1.000000000e+00;
	s8 =	sadd.s32 $0x1F40, s4;
	s9 =	sadd.s32 $0xE00, s12;
	s12 =	simm.s32 $0x2800  }
.LBB2_1:
0x10: {  	s18 =	simm.s32 $0x40;
	s19 =	simm.s32 $0x0  }
.LBB2_2:
0x11: {  	p1 =	sne.s32 s18, $0x1F00;
	[tilespmem:s19+$0x2800] =	vst v0;
	s19 =	smov.u32 s18;
	s18 =	sadd.s32 $0x40, s18  }
.Ltmp0:
0x12: {  	(pc) =	sbr.rel @p1 .LBB2_2-.Ltmp0, $2  }
0x13: {  	_ =	sdelay $0x2  }
0x14: {  	s19 =	sshra.s32 s19, $0x2  }
0x15: {  	[tilespmem:s19+$0x2800] =	vst v0  }
0x16: {  	[spmem:s4] =	stream.linear.scatter [tilespmem:s12], [sflag:$0x2], $0x7D0, $0x38;
	[tilespmem:$0x56E0] =	vst v63  }
0x17: {  	_ =	swait.ge [sflag:s13], $0x7D0  }
0x18: {  	[sflag:s13] =	ssyncset.done $0x0  }
0x19: {  	[sflag:s13] =	ssyncadd.s32 $0xFFFFF830  }
0x1a: {  	[spmem:s5] =	stream.linear.scatter [tilespmem:s12], [sflag:$0x2], $0x7D0, $0x38;
	[tilespmem:$0x56E0] =	vst v63  }
0x1b: {  	_ =	swait.ge [sflag:s13], $0x7D0  }
0x1c: {  	[sflag:s13] =	ssyncset.done $0x0  }
0x1d: {  	[sflag:s13] =	ssyncadd.s32 $0xFFFFF830  }
0x1e: {  	[spmem:s6] =	stream.linear.scatter [tilespmem:s12], [sflag:$0x2], $0x7D0, $0x38;
	[tilespmem:$0x56E0] =	vst v63  }
0x1f: {  	_ =	swait.ge [sflag:s13], $0x7D0  }
0x20: {  	[sflag:s13] =	ssyncset.done $0x0  }
0x21: {  	[sflag:s13] =	ssyncadd.s32 $0xFFFFF830  }
0x22: {  	[spmem:s7] =	stream.linear.scatter [tilespmem:s12], [sflag:$0x2], $0x7D0, $0x38;
	[tilespmem:$0x56E0] =	vst v63  }
0x23: {  	_ =	swait.ge [sflag:s13], $0x7D0  }
0x24: {  	[sflag:s13] =	ssyncset.done $0x0  }
0x25: {  	[sflag:s13] =	ssyncadd.s32 $0xFFFFF830  }
0x26: {  	[spmem:s8] =	stream.linear.scatter [tilespmem:s12], [sflag:$0x2], $0x7D0, $0x38;
	[tilespmem:$0x56E0] =	vst v63  }
0x27: {  	_ =	swait.ge [sflag:s13], $0x7D0  }
0x28: {  	[sflag:s13] =	ssyncset.done $0x0  }
0x29: {  	s18 =	simm.s32 $0x40;
	s19 =	simm.s32 $0x0;
	[sflag:s13] =	ssyncadd.s32 $0xFFFFF830  }
.LBB2_4:
0x2a: {  	p1 =	sne.s32 s18, $0x1F00;
	[tilespmem:s19+$0x2800] =	vst v1;
	s19 =	smov.u32 s18;
	s18 =	sadd.s32 $0x40, s18  }
.Ltmp1:
0x2b: {  	(pc) =	sbr.rel @p1 .LBB2_4-.Ltmp1, $2  }
0x2c: {  	_ =	sdelay $0x2  }
0x2d: {  	s19 =	sshra.s32 s19, $0x2  }
0x2e: {  	[tilespmem:s19+$0x2800] =	vst v1;
	s18 =	simm.s32 $0x0  }
0x2f: {  	[tilespmem:s18], [sflag:$0x2] =	stream.linear.gather [hbm4b:s9+s18], $0x2800, $0x38;
	[tilespmem:$0x56E0] =	vst v63  }
0x30: {  	_ =	swait.ge [sflag:s13], $0x2800  }
0x31: {  	[sflag:s13] =	ssyncset.done $0x0  }
0x32: {  	p1 =	por $0x1, $0x1;
	[sflag:s13] =	ssyncadd.s32 $0xFFFFD800  }
0x33: {  	s20 =	simm.s32 @!p1 $0x1;
	[bflag:$0x0] =	sbarrier.arrive $0xFFFF  }
0x34: {  	[spmem:s2] =	stream.indirect.scatter.add.f32 [tilespmem:s12], [sflag:$0x1], $0x10, s18, s14, $0xb8;
	[tilespmem:$0x56E0] =	vst v63  }
0x35: {  	_ =	swait.ge @!p1 [sflag:s20], $0x7D0  }
0x36: {  	s19 =	simm.s32 $0x1;
	[sflag:s20] =	ssyncset.done @!p1 $0x0  }
.LBB2_6:
0x37: {  	[sflag:s20] =	ssyncadd.s32 @!p1 $0xFFFFF830  }
0x38: {  	s18 =	sadd.s32 $0x80, s18;
	s20 =	smov.u32 s19;
	s19 =	sadd.s32 $0x1, s19  }
0x39: {  	p2 =	sne.s32 s19, $0x50  }
0x3a: {  	[spmem:s2] =	stream.indirect.scatter.add.f32 [tilespmem:s12], [sflag:$0x1], $0x10, s18, s14, $0xb8;
	[tilespmem:$0x56E0] =	vst v63  }
.Ltmp2:
0x3b: {  	_ = 	snop;
	(pc) =	sbr.rel @p2 .LBB2_6-.Ltmp2, $4  }
0x3c: {  	p1 =	slt.u32 s20, $0x8  }
0x3d: {  	s20 =	simm.s32 @!p1 $0x1  }
0x3e: {  	_ =	swait.ge @!p1 [sflag:s20], $0x7D0  }
0x3f: {  	[sflag:s20] =	ssyncset.done @!p1 $0x0  }
0x40: {  	[sflag:s20] =	ssyncadd.s32 @!p1 $0xFFFFF830  }
0x41: {  	_ =	swait.ge [sflag:s15], $0x7D0  }
0x42: {  	[sflag:s15] =	ssyncset.done $0x0  }
0x43: {  	[sflag:s15] =	ssyncadd.s32 $0xFFFFF830  }
0x44: {  	_ =	swait.ge [sflag:s15], $0x7D0  }
0x45: {  	[sflag:s15] =	ssyncset.done $0x0  }
0x46: {  	[sflag:s15] =	ssyncadd.s32 $0xFFFFF830  }
0x47: {  	_ =	swait.ge [sflag:s15], $0x7D0  }
0x48: {  	[sflag:s15] =	ssyncset.done $0x0  }
0x49: {  	[sflag:s15] =	ssyncadd.s32 $0xFFFFF830  }
0x4a: {  	_ =	swait.ge [sflag:s15], $0x7D0  }
0x4b: {  	[sflag:s15] =	ssyncset.done $0x0  }
0x4c: {  	[sflag:s15] =	ssyncadd.s32 $0xFFFFF830  }
0x4d: {  	_ =	swait.ge [sflag:s15], $0x7D0  }
0x4e: {  	[sflag:s15] =	ssyncset.done $0x0  }
0x4f: {  	[sflag:s15] =	ssyncadd.s32 $0xFFFFF830  }
0x50: {  	_ =	swait.ge [sflag:s15], $0x7D0  }
0x51: {  	[sflag:s15] =	ssyncset.done $0x0  }
0x52: {  	[sflag:s15] =	ssyncadd.s32 $0xFFFFF830  }
0x53: {  	_ =	swait.ge [sflag:s15], $0x7D0  }
0x54: {  	[sflag:s15] =	ssyncset.done $0x0  }
0x55: {  	[sflag:s15] =	ssyncadd.s32 $0xFFFFF830  }
0x56: {  	_ =	swait.ge [sflag:s15], $0x7D0  }
0x57: {  	s3 =	sadd.s32 $0x1, s3;
	[sflag:s15] =	ssyncset.done $0x0  }
0x58: {  	p1 =	sne.s32 s3, s11;
	[sflag:s15] =	ssyncadd.s32 $0xFFFFF830  }
.Ltmp3:
0x59: {  	s18 =	simm.s32 @!p0 $0x2;
	[bflag:$0x0] =	sbarrier.arrive $0xFFFF;
	(pc) =	sbr.rel @p1 .LBB2_1-.Ltmp3, $4  }
0x5a: {  	[hbm:s10], [sflag:s16] =	dma.local @!p0 [spmem:s17], $0x7D0  }
0x5b: {  	_ =	swait.ge @!p0 [sflag:s18], $0x7D0  }
0x5c: {  	[sflag:s18] =	ssyncset.done @!p0 $0x0  }
0x5d: {  	[sflag:s18] =	ssyncadd.s32 @!p0 $0xFFFFF830  }
0x5e: {  	_ =	sfence.sel $0x180000  }
0x5f: {  	[bflag:$0x0] =	sbarrier.arrive $0xFFFF  }
0x60: {  	p0 =	sne.s32 s0, $0x0;
	_ =	strace $0x90000047  }
0x61: {  	s0 =	sadd.s32 @!p0 $0x100000, s1;
	[bflag:$0x2] =	sbarrier.arrive $0xFFFF  }
0x62: {  	[sflag:s0] =	ssyncadd.tile.s32 @!p0 $0x1;
	_ =	shalt  }
.Lfunc_end2:
_tile_overlayer_lowered:
.L_overlay_start_2:
0x63: {  	(tag) =	ssettag $0x2  }
0x64: {  	s0 =	rddreg [dreg:$0x0];
	s2 =	stileid.u32  }
0x65: {  	s1 =	rddreg [dreg:$0x1];
	p0 =	sne.s32 s2, $0x0  }
0x66: {  	s3 =	rddreg [dreg:$0x2];
	[bflag:$0x3] =	sbarrier.arrive $0xFFFF;
	s2 =	simm.s32 @!p0 $0x1C02  }
0x67: {  	[timem:s3], [sflag:s2] =	dma.local @!p0 [hbm:s0], s1  }
0x68: {  	s0 =	simm.s32 @!p0 $0x2  }
0x69: {  	_ =	swait.ge @!p0 [sflag:s0], s1  }
0x6a: {  	s1 =	ssub.s32 @!p0 $0x0, s1;
	[sflag:s0] =	ssyncset.done @!p0 $0x0  }
0x6b: {  	[sflag:s0] =	ssyncadd.s32 @!p0 s1  }
0x6c: {  	[bflag:$0x3] =	sbarrier.arrive $0xFFFF  }
0x6d: {  	_ =	shalt  }

</sc_bundles>
